<compile_context>
chip_gen: v7x
topology: tpu7x:2x2x1
jax: 0.10.2.dev20260603
libtpu: 0.0.44.dev20260713+nightly
codegen_flags: <defaults>
</compile_context>

<pallas_src>
import jax
import jax.numpy as jnp
from jax import lax
from jax.experimental import pallas as pl
from jax.experimental.pallas import tpu as pltpu
from jax.experimental.pallas import tpu_sc as plsc

BATCH = 16384
SEQ = 200
EMB = 64
VOCAB = 1000

NC = 2
NS = 16
NW = NC * NS

B_PER_W = BATCH // NW
CB = 256
HALVES = B_PER_W // CB
L = 16


def _body(idx_hbm, table_hbm, out_hbm, table_v, idx_v, blk0, blk1,
          sem_i, sem_w0, sem_w1):
    wid = lax.axis_index("s") * NC + lax.axis_index("c")
    b0 = wid * B_PER_W
    blk = (blk0, blk1)
    sem_w = (sem_w0, sem_w1)

    pltpu.sync_copy(table_hbm, table_v)
    pltpu.async_copy(idx_hbm.at[0, pl.ds(b0, B_PER_W)], idx_v.at[0], sem_i)

    def per_seq(s, _):
        par = s % 2
        pltpu.make_async_copy(
            idx_hbm.at[0, pl.ds(b0, B_PER_W)], idx_v.at[0], sem_i
        ).wait()

        @pl.when(s < SEQ - 1)
        def _prefetch():
            pltpu.async_copy(
                idx_hbm.at[s + 1, pl.ds(b0, B_PER_W)],
                idx_v.at[(s + 1) % 2], sem_i,
            )

        for h in range(HALVES):
            @pl.when(s > 0)
            def _drain():
                pltpu.make_async_copy(
                    blk[h], out_hbm.at[0, slice(None), pl.ds(0, CB)], sem_w[h]
                ).wait()
            @plsc.parallel_loop(0, CB // L, 1, unroll=4)
            def _gather(i):
                col = idx_v[par, pl.ds(h * CB + i * L, L)]
                for e in range(EMB):
                    row = jnp.full((L,), e, jnp.int32)
                    blk[h][e, pl.ds(i * L, L)] = plsc.load_gather(
                        table_v, [row, col]
                    )
            pltpu.async_copy(
                blk[h], out_hbm.at[s, slice(None), pl.ds(b0 + h * CB, CB)],
                sem_w[h],
            )
        return 0

    lax.fori_loop(0, SEQ, per_seq, 0)
    for h in range(HALVES):
        pltpu.make_async_copy(
            blk[h], out_hbm.at[0, slice(None), pl.ds(0, CB)], sem_w[h]
        ).wait()


def kernel(visit_segments, table):
    idx_t = visit_segments.T
    table_t = table.T
    mesh = plsc.VectorSubcoreMesh(
        core_axis_name="c", subcore_axis_name="s",
        num_cores=NC, num_subcores=NS,
    )
    grab = pl.kernel(
        _body,
        out_type=jax.ShapeDtypeStruct((SEQ, EMB, BATCH), jnp.float32),
        mesh=mesh,
        scratch_types=[
            pltpu.VMEM((EMB, VOCAB), jnp.float32),
            pltpu.VMEM((2, B_PER_W), jnp.int32),
            pltpu.VMEM((EMB, CB), jnp.float32),
            pltpu.VMEM((EMB, CB), jnp.float32),
            pltpu.SemaphoreType.DMA,
            pltpu.SemaphoreType.DMA,
            pltpu.SemaphoreType.DMA,
        ],
        compiler_params=pltpu.CompilerParams(
            use_tc_tiling_on_sc=True, needs_layout_passes=False,
        ),
    )
    out_phys = grab(idx_t, table_t)
    return out_phys.transpose(2, 0, 1)

# --- scband reference (transcript-rebuilt; emitter-appended) ---
"""Pipeline reference for scband-visit-embedding-44375602103007 (READ-ONLY COPY).

The authoritative reference and input builder live on the scoring server;
editing this copy changes nothing except your own understanding.
"""

import jax, jax.numpy as jnp
import numpy as np

VISIT_ORDER_SIZE = 1000
EMBEDDING_SIZE = 64
BATCH = 16384
SEQ = 200

def setup_inputs(seed: int = 0) -> dict:
    key = jax.random.key(seed)
    k_idx, k_tbl = jax.random.split(key)
    visit_segments = jax.random.randint(k_idx, (BATCH, SEQ), 0, VISIT_ORDER_SIZE, dtype=jnp.int64 if jax.config.read('jax_enable_x64') else jnp.int32)
    # embedding table initialized like nn.Embedding (N(0,1))
    table = jax.random.normal(k_tbl, (VISIT_ORDER_SIZE, EMBEDDING_SIZE), dtype=jnp.float32)
    return {"visit_segments": visit_segments, "table": table}

def reference(visit_segments, table):
    # Faithful translation of nn.Embedding lookup: out = table[visit_segments]
    return jnp.take(table, visit_segments, axis=0)

if __name__ == "__main__":
    import jax
    _d = setup_inputs()
    print(jax.jit(kernel)(*tuple(_d.values())))

</pallas_src>

<mosaic_0001>
#map = affine_map<(d0, d1) -> (0, 0)>
#map1 = affine_map<(d0, d1) -> (0, 0, 0)>
module attributes {stable_mosaic.version = 14 : i64} {
  func.func @_body(%arg0: i32, %arg1: i32, %arg2: memref<200x16384xi32, #tpu.memory_space<hbm>>, %arg3: memref<64x1000xf32, #tpu.memory_space<hbm>>, %arg4: memref<200x64x16384xf32, #tpu.memory_space<hbm>>, %arg5: memref<64x1000xf32, #tpu.memory_space<vmem>>, %arg6: memref<2x512xi32, #tpu.memory_space<vmem>>, %arg7: memref<64x256xf32, #tpu.memory_space<vmem>>, %arg8: memref<64x256xf32, #tpu.memory_space<vmem>>, %arg9: memref<!tpu.dma_semaphore, #tpu.memory_space<semaphore_mem>>, %arg10: memref<!tpu.dma_semaphore, #tpu.memory_space<semaphore_mem>>, %arg11: memref<!tpu.dma_semaphore, #tpu.memory_space<semaphore_mem>>) attributes {dimension_semantics = [#tpu.dimension_semantics<core_parallel>, #tpu.dimension_semantics<subcore_parallel>], iteration_bounds = array<i64: 2, 16>, scalar_prefetch = 0 : i64, scratch_operands = 7 : i64, tpu.core_type = #tpu.core_type<sc_vector_subcore>, window_params = [{transform_indices = #map}, {transform_indices = #map}, {transform_indices = #map1}]} {
    %mul3A = arith.constant 2 : i32
    %mul3A_0 = arith.muli %arg1, %mul3A : i32
    %add3A = arith.addi %mul3A_0, %arg0 : i32
    %mul3A_1 = arith.constant 512 : i32
    %mul3A_2 = arith.muli %add3A, %mul3A_1 : i32
    "tpu.region"() ({
      %run_scoped3A = tpu.sem_alloc : memref<!tpu.dma_semaphore, #tpu.memory_space<semaphore_mem>>
      tpu.enqueue_dma source(%arg3 : memref<64x1000xf32, #tpu.memory_space<hbm>>) target(%arg5 : memref<64x1000xf32, #tpu.memory_space<vmem>>) target_semaphore(%run_scoped3A : memref<!tpu.dma_semaphore, #tpu.memory_space<semaphore_mem>>)
      tpu.wait_dma2 semaphore(%run_scoped3A : memref<!tpu.dma_semaphore, #tpu.memory_space<semaphore_mem>>) src(%arg3 : memref<64x1000xf32, #tpu.memory_space<hbm>>) dst(%arg5 : memref<64x1000xf32, #tpu.memory_space<vmem>>)
      tpu.yield
    }) : () -> ()
    %dma_start3A = arith.constant 0 : i32
    %dma_start3A_3 = arith.constant 0 : i32
    %dma_start3A_4 = arith.constant 0 : i32
    %dma_start3A_5 = tpu.memref_slice %arg6[%dma_start3A_3, %dma_start3A_4] : memref<2x512xi32, #tpu.memory_space<vmem>> -> memref<1x512xi32, #tpu.memory_space<vmem>>
    %dma_start3A_6 = tpu.memref_squeeze %dma_start3A_5 : memref<1x512xi32, #tpu.memory_space<vmem>> -> memref<512xi32, #tpu.memory_space<vmem>>
    %dma_start3A_7 = tpu.memref_slice %arg2[%dma_start3A, %mul3A_2] : memref<200x16384xi32, #tpu.memory_space<hbm>> -> memref<1x512xi32, #tpu.memory_space<hbm>>
    %dma_start3A_8 = tpu.memref_squeeze %dma_start3A_7 : memref<1x512xi32, #tpu.memory_space<hbm>> -> memref<512xi32, #tpu.memory_space<hbm>>
    %dma_start3A_9 = arith.constant 0 : i32
    %dma_start3A_10 = tpu.memref_slice %arg6[%dma_start3A_3, %dma_start3A_9] : memref<2x512xi32, #tpu.memory_space<vmem>> -> memref<1x512xi32, #tpu.memory_space<vmem>>
    %dma_start3A_11 = tpu.memref_squeeze %dma_start3A_10 : memref<1x512xi32, #tpu.memory_space<vmem>> -> memref<512xi32, #tpu.memory_space<vmem>>
    %dma_start3A_12 = tpu.memref_slice %arg2[%dma_start3A, %mul3A_2] : memref<200x16384xi32, #tpu.memory_space<hbm>> -> memref<1x512xi32, #tpu.memory_space<hbm>>
    %dma_start3A_13 = tpu.memref_squeeze %dma_start3A_12 : memref<1x512xi32, #tpu.memory_space<hbm>> -> memref<512xi32, #tpu.memory_space<hbm>>
    tpu.enqueue_dma source(%dma_start3A_13 : memref<512xi32, #tpu.memory_space<hbm>>) target(%dma_start3A_11 : memref<512xi32, #tpu.memory_space<vmem>>) target_semaphore(%arg9 : memref<!tpu.dma_semaphore, #tpu.memory_space<semaphore_mem>>)
    %scan3A = arith.constant 0 : i32
    %scan3A_14 = arith.constant 0 : i32
    %scan3A_15 = arith.constant 200 : i32
    %scan3A_16 = arith.addi %scan3A_14, %scan3A_15 : i32
    %scan3A_17 = arith.constant 1 : i32
    %scan3A_18 = scf.for %scan3A_37 = %scan3A_14 to %scan3A_16 step %scan3A_17 iter_args(%scan3A_38 = %scan3A) -> (i32)  : i32 {
      %jit3A = arith.constant 2 : i32
      %eq3A = arith.constant 0 : i32
      %eq3A_39 = arith.cmpi eq, %jit3A, %eq3A : i32
      %jit3A_40 = arith.constant 1 : i32
      %select_n3A = arith.select %eq3A_39, %jit3A_40, %jit3A : i32
      %rem3A = arith.remsi %scan3A_37, %select_n3A : i32
      %ne3A = arith.constant 0 : i32
      %ne3A_41 = arith.cmpi ne, %rem3A, %ne3A : i32
      %lt3A = arith.constant 0 : i32
      %lt3A_42 = arith.cmpi slt, %rem3A, %lt3A : i32
      %lt3A_43 = arith.constant 0 : i32
      %lt3A_44 = arith.cmpi slt, %select_n3A, %lt3A_43 : i32
      %ne3A_45 = arith.xori %lt3A_42, %lt3A_44 : i1
      %and3A = arith.andi %ne3A_45, %ne3A_41 : i1
      %add3A_46 = arith.addi %rem3A, %select_n3A : i32
      %select_n3A_47 = arith.select %and3A, %add3A_46, %rem3A : i32
      %dma_wait3A_48 = arith.constant 0 : i32
      %dma_wait3A_49 = arith.constant 0 : i32
      %dma_wait3A_50 = arith.constant 0 : i32
      %dma_wait3A_51 = tpu.memref_slice %arg6[%dma_wait3A_49, %dma_wait3A_50] : memref<2x512xi32, #tpu.memory_space<vmem>> -> memref<1x512xi32, #tpu.memory_space<vmem>>
      %dma_wait3A_52 = tpu.memref_squeeze %dma_wait3A_51 : memref<1x512xi32, #tpu.memory_space<vmem>> -> memref<512xi32, #tpu.memory_space<vmem>>
      %dma_wait3A_53 = tpu.memref_slice %arg2[%dma_wait3A_48, %mul3A_2] : memref<200x16384xi32, #tpu.memory_space<hbm>> -> memref<1x512xi32, #tpu.memory_space<hbm>>
      %dma_wait3A_54 = tpu.memref_squeeze %dma_wait3A_53 : memref<1x512xi32, #tpu.memory_space<hbm>> -> memref<512xi32, #tpu.memory_space<hbm>>
      %dma_wait3A_55 = arith.constant 0 : i32
      %dma_wait3A_56 = tpu.memref_slice %arg6[%dma_wait3A_49, %dma_wait3A_55] : memref<2x512xi32, #tpu.memory_space<vmem>> -> memref<1x512xi32, #tpu.memory_space<vmem>>
      %dma_wait3A_57 = tpu.memref_squeeze %dma_wait3A_56 : memref<1x512xi32, #tpu.memory_space<vmem>> -> memref<512xi32, #tpu.memory_space<vmem>>
      %dma_wait3A_58 = tpu.memref_slice %arg2[%dma_wait3A_48, %mul3A_2] : memref<200x16384xi32, #tpu.memory_space<hbm>> -> memref<1x512xi32, #tpu.memory_space<hbm>>
      %dma_wait3A_59 = tpu.memref_squeeze %dma_wait3A_58 : memref<1x512xi32, #tpu.memory_space<hbm>> -> memref<512xi32, #tpu.memory_space<hbm>>
      tpu.wait_dma2 semaphore(%arg9 : memref<!tpu.dma_semaphore, #tpu.memory_space<semaphore_mem>>) src(%dma_wait3A_59 : memref<512xi32, #tpu.memory_space<hbm>>) dst(%dma_wait3A_57 : memref<512xi32, #tpu.memory_space<vmem>>)
      %lt3A_60 = arith.constant 199 : i32
      %lt3A_61 = arith.cmpi slt, %scan3A_37, %lt3A_60 : i32
      %convert_element_type3A = arith.extui %lt3A_61 : i1 to i32
      %cond3A = arith.constant 0 : i32
      %cond3A_62 = arith.cmpi ne, %convert_element_type3A, %cond3A : i32
      scf.if %cond3A_62 {
        %add3A_94 = arith.constant 1 : i32
        %add3A_95 = arith.addi %scan3A_37, %add3A_94 : i32
        %add3A_96 = arith.constant 1 : i32
        %add3A_97 = arith.addi %scan3A_37, %add3A_96 : i32
        %jit3A_98 = arith.constant 2 : i32
        %eq3A_99 = arith.constant 0 : i32
        %eq3A_100 = arith.cmpi eq, %jit3A_98, %eq3A_99 : i32
        %jit3A_101 = arith.constant 1 : i32
        %select_n3A_102 = arith.select %eq3A_100, %jit3A_101, %jit3A_98 : i32
        %rem3A_103 = arith.remsi %add3A_97, %select_n3A_102 : i32
        %ne3A_104 = arith.constant 0 : i32
        %ne3A_105 = arith.cmpi ne, %rem3A_103, %ne3A_104 : i32
        %lt3A_106 = arith.constant 0 : i32
        %lt3A_107 = arith.cmpi slt, %rem3A_103, %lt3A_106 : i32
        %lt3A_108 = arith.constant 0 : i32
        %lt3A_109 = arith.cmpi slt, %select_n3A_102, %lt3A_108 : i32
        %ne3A_110 = arith.xori %lt3A_107, %lt3A_109 : i1
        %and3A_111 = arith.andi %ne3A_110, %ne3A_105 : i1
        %add3A_112 = arith.addi %rem3A_103, %select_n3A_102 : i32
        %select_n3A_113 = arith.select %and3A_111, %add3A_112, %rem3A_103 : i32
        %dma_start3A_114 = arith.constant 0 : i32
        %dma_start3A_115 = tpu.memref_slice %arg6[%select_n3A_113, %dma_start3A_114] : memref<2x512xi32, #tpu.memory_space<vmem>> -> memref<1x512xi32, #tpu.memory_space<vmem>>
        %dma_start3A_116 = tpu.memref_squeeze %dma_start3A_115 : memref<1x512xi32, #tpu.memory_space<vmem>> -> memref<512xi32, #tpu.memory_space<vmem>>
        %dma_start3A_117 = tpu.memref_slice %arg2[%add3A_95, %mul3A_2] : memref<200x16384xi32, #tpu.memory_space<hbm>> -> memref<1x512xi32, #tpu.memory_space<hbm>>
        %dma_start3A_118 = tpu.memref_squeeze %dma_start3A_117 : memref<1x512xi32, #tpu.memory_space<hbm>> -> memref<512xi32, #tpu.memory_space<hbm>>
        %dma_start3A_119 = arith.constant 0 : i32
        %dma_start3A_120 = tpu.memref_slice %arg6[%select_n3A_113, %dma_start3A_119] : memref<2x512xi32, #tpu.memory_space<vmem>> -> memref<1x512xi32, #tpu.memory_space<vmem>>
        %dma_start3A_121 = tpu.memref_squeeze %dma_start3A_120 : memref<1x512xi32, #tpu.memory_space<vmem>> -> memref<512xi32, #tpu.memory_space<vmem>>
        %dma_start3A_122 = tpu.memref_slice %arg2[%add3A_95, %mul3A_2] : memref<200x16384xi32, #tpu.memory_space<hbm>> -> memref<1x512xi32, #tpu.memory_space<hbm>>
        %dma_start3A_123 = tpu.memref_squeeze %dma_start3A_122 : memref<1x512xi32, #tpu.memory_space<hbm>> -> memref<512xi32, #tpu.memory_space<hbm>>
        tpu.enqueue_dma source(%dma_start3A_123 : memref<512xi32, #tpu.memory_space<hbm>>) target(%dma_start3A_121 : memref<512xi32, #tpu.memory_space<vmem>>) target_semaphore(%arg9 : memref<!tpu.dma_semaphore, #tpu.memory_space<semaphore_mem>>)
      } else {
      }
      %gt3A = arith.constant 0 : i32
      %gt3A_63 = arith.cmpi sgt, %scan3A_37, %gt3A : i32
      %convert_element_type3A_64 = arith.extui %gt3A_63 : i1 to i32
      %cond3A_65 = arith.constant 0 : i32
      %cond3A_66 = arith.cmpi ne, %convert_element_type3A_64, %cond3A_65 : i32
      scf.if %cond3A_66 {
        %dma_wait3A_94 = arith.constant 0 : i32
        %dma_wait3A_95 = arith.constant 0 : i32
        %dma_wait3A_96 = arith.constant 0 : i32
        %dma_wait3A_97 = tpu.memref_slice %arg4[%dma_wait3A_94, %dma_wait3A_95, %dma_wait3A_96] : memref<200x64x16384xf32, #tpu.memory_space<hbm>> -> memref<1x64x256xf32, #tpu.memory_space<hbm>>
        %dma_wait3A_98 = tpu.memref_squeeze %dma_wait3A_97 : memref<1x64x256xf32, #tpu.memory_space<hbm>> -> memref<64x256xf32, #tpu.memory_space<hbm>>
        %dma_wait3A_99 = arith.constant 0 : i32
        %dma_wait3A_100 = arith.constant 0 : i32
        %dma_wait3A_101 = tpu.memref_slice %arg4[%dma_wait3A_94, %dma_wait3A_99, %dma_wait3A_100] : memref<200x64x16384xf32, #tpu.memory_space<hbm>> -> memref<1x64x256xf32, #tpu.memory_space<hbm>>
        %dma_wait3A_102 = tpu.memref_squeeze %dma_wait3A_101 : memref<1x64x256xf32, #tpu.memory_space<hbm>> -> memref<64x256xf32, #tpu.memory_space<hbm>>
        tpu.wait_dma2 semaphore(%arg10 : memref<!tpu.dma_semaphore, #tpu.memory_space<semaphore_mem>>) src(%arg7 : memref<64x256xf32, #tpu.memory_space<vmem>>) dst(%dma_wait3A_102 : memref<64x256xf32, #tpu.memory_space<hbm>>)
      } else {
      }
      %parallel_loop3A = arith.constant 0 : i32
      %parallel_loop3A_67 = arith.constant 16 : i32
      %parallel_loop3A_68 = arith.constant 1 : i32
      scf.for %parallel_loop3A_94 = %parallel_loop3A to %parallel_loop3A_67 step %parallel_loop3A_68  : i32 {
        %parallel_loop3A_95 = arith.constant 16 : i32
        %parallel_loop3A_96 = arith.muli %parallel_loop3A_94, %parallel_loop3A_95 : i32
        %parallel_loop3A_97 = arith.constant 0 : i32
        %parallel_loop3A_98 = arith.addi %parallel_loop3A_97, %parallel_loop3A_96 : i32
        %parallel_loop3A_99 = arith.index_cast %select_n3A_47 : i32 to index
        %parallel_loop3A_100 = arith.index_cast %parallel_loop3A_98 : i32 to index
        %parallel_loop3A_101 = tpu.vector_load %arg6[%parallel_loop3A_99, %parallel_loop3A_100] {strides = array<i32>} : memref<2x512xi32, #tpu.memory_space<vmem>>, vector<16xi32>,
        %parallel_loop3A_102 = arith.constant 0 : i32
        %parallel_loop3A_103 = vector.broadcast %parallel_loop3A_102 : i32 to vector<16xi32>
        %parallel_loop3A_104 = tpu.vector_load_idx %arg5[%parallel_loop3A_103, %parallel_loop3A_101] : memref<64x1000xf32, #tpu.memory_space<vmem>>[vector<16xi32>, vector<16xi32>], vector<16xf32>,
        %parallel_loop3A_105 = arith.constant 16 : i32
        %parallel_loop3A_106 = arith.muli %parallel_loop3A_94, %parallel_loop3A_105 : i32
        %parallel_loop3A_107 = arith.constant 0 : i32
        %parallel_loop3A_108 = arith.index_cast %parallel_loop3A_107 : i32 to index
        %parallel_loop3A_109 = arith.index_cast %parallel_loop3A_106 : i32 to index
        %parallel_loop3A_110 = tpu.vector_load %arg7[%parallel_loop3A_108, %parallel_loop3A_109] {strides = array<i32>} : memref<64x256xf32, #tpu.memory_space<vmem>>, vector<16xf32>,
        tpu.vector_store %arg7[%parallel_loop3A_108, %parallel_loop3A_109], %parallel_loop3A_104 {strides = array<i32>} : memref<64x256xf32, #tpu.memory_space<vmem>>, vector<16xf32>,
        %parallel_loop3A_111 = arith.constant 1 : i32
        %parallel_loop3A_112 = vector.broadcast %parallel_loop3A_111 : i32 to vector<16xi32>
        %parallel_loop3A_113 = tpu.vector_load_idx %arg5[%parallel_loop3A_112, %parallel_loop3A_101] : memref<64x1000xf32, #tpu.memory_space<vmem>>[vector<16xi32>, vector<16xi32>], vector<16xf32>,
        %parallel_loop3A_114 = arith.constant 16 : i32
        %parallel_loop3A_115 = arith.muli %parallel_loop3A_94, %parallel_loop3A_114 : i32
        %parallel_loop3A_116 = arith.constant 1 : i32
        %parallel_loop3A_117 = arith.index_cast %parallel_loop3A_116 : i32 to index
        %parallel_loop3A_118 = arith.index_cast %parallel_loop3A_115 : i32 to index
        %parallel_loop3A_119 = tpu.vector_load %arg7[%parallel_loop3A_117, %parallel_loop3A_118] {strides = array<i32>} : memref<64x256xf32, #tpu.memory_space<vmem>>, vector<16xf32>,
        tpu.vector_store %arg7[%parallel_loop3A_117, %parallel_loop3A_118], %parallel_loop3A_113 {strides = array<i32>} : memref<64x256xf32, #tpu.memory_space<vmem>>, vector<16xf32>,
        %parallel_loop3A_120 = arith.constant 2 : i32
        %parallel_loop3A_121 = vector.broadcast %parallel_loop3A_120 : i32 to vector<16xi32>
        %parallel_loop3A_122 = tpu.vector_load_idx %arg5[%parallel_loop3A_121, %parallel_loop3A_101] : memref<64x1000xf32, #tpu.memory_space<vmem>>[vector<16xi32>, vector<16xi32>], vector<16xf32>,
        %parallel_loop3A_123 = arith.constant 16 : i32
        %parallel_loop3A_124 = arith.muli %parallel_loop3A_94, %parallel_loop3A_123 : i32
        %parallel_loop3A_125 = arith.constant 2 : i32
        %parallel_loop3A_126 = arith.index_cast %parallel_loop3A_125 : i32 to index
        %parallel_loop3A_127 = arith.index_cast %parallel_loop3A_124 : i32 to index
        %parallel_loop3A_128 = tpu.vector_load %arg7[%parallel_loop3A_126, %parallel_loop3A_127] {strides = array<i32>} : memref<64x256xf32, #tpu.memory_space<vmem>>, vector<16xf32>,
        tpu.vector_store %arg7[%parallel_loop3A_126, %parallel_loop3A_127], %parallel_loop3A_122 {strides = array<i32>} : memref<64x256xf32, #tpu.memory_space<vmem>>, vector<16xf32>,
        %parallel_loop3A_129 = arith.constant 3 : i32
        %parallel_loop3A_130 = vector.broadcast %parallel_loop3A_129 : i32 to vector<16xi32>
        %parallel_loop3A_131 = tpu.vector_load_idx %arg5[%parallel_loop3A_130, %parallel_loop3A_101] : memref<64x1000xf32, #tpu.memory_space<vmem>>[vector<16xi32>, vector<16xi32>], vector<16xf32>,
        %parallel_loop3A_132 = arith.constant 16 : i32
        %parallel_loop3A_133 = arith.muli %parallel_loop3A_94, %parallel_loop3A_132 : i32
        %parallel_loop3A_134 = arith.constant 3 : i32
        %parallel_loop3A_135 = arith.index_cast %parallel_loop3A_134 : i32 to index
        %parallel_loop3A_136 = arith.index_cast %parallel_loop3A_133 : i32 to index
        %parallel_loop3A_137 = tpu.vector_load %arg7[%parallel_loop3A_135, %parallel_loop3A_136] {strides = array<i32>} : memref<64x256xf32, #tpu.memory_space<vmem>>, vector<16xf32>,
        tpu.vector_store %arg7[%parallel_loop3A_135, %parallel_loop3A_136], %parallel_loop3A_131 {strides = array<i32>} : memref<64x256xf32, #tpu.memory_space<vmem>>, vector<16xf32>,
        %parallel_loop3A_138 = arith.constant 4 : i32
        %parallel_loop3A_139 = vector.broadcast %parallel_loop3A_138 : i32 to vector<16xi32>
        %parallel_loop3A_140 = tpu.vector_load_idx %arg5[%parallel_loop3A_139, %parallel_loop3A_101] : memref<64x1000xf32, #tpu.memory_space<vmem>>[vector<16xi32>, vector<16xi32>], vector<16xf32>,
        %parallel_loop3A_141 = arith.constant 16 : i32
        %parallel_loop3A_142 = arith.muli %parallel_loop3A_94, %parallel_loop3A_141 : i32
        %parallel_loop3A_143 = arith.constant 4 : i32
        %parallel_loop3A_144 = arith.index_cast %parallel_loop3A_143 : i32 to index
        %parallel_loop3A_145 = arith.index_cast %parallel_loop3A_142 : i32 to index
        %parallel_loop3A_146 = tpu.vector_load %arg7[%parallel_loop3A_144, %parallel_loop3A_145] {strides = array<i32>} : memref<64x256xf32, #tpu.memory_space<vmem>>, vector<16xf32>,
        tpu.vector_store %arg7[%parallel_loop3A_144, %parallel_loop3A_145], %parallel_loop3A_140 {strides = array<i32>} : memref<64x256xf32, #tpu.memory_space<vmem>>, vector<16xf32>,
        %parallel_loop3A_147 = arith.constant 5 : i32
        %parallel_loop3A_148 = vector.broadcast %parallel_loop3A_147 : i32 to vector<16xi32>
        %parallel_loop3A_149 = tpu.vector_load_idx %arg5[%parallel_loop3A_148, %parallel_loop3A_101] : memref<64x1000xf32, #tpu.memory_space<vmem>>[vector<16xi32>, vector<16xi32>], vector<16xf32>,
        %parallel_loop3A_150 = arith.constant 16 : i32
        %parallel_loop3A_151 = arith.muli %parallel_loop3A_94, %parallel_loop3A_150 : i32
        %parallel_loop3A_152 = arith.constant 5 : i32
        %parallel_loop3A_153 = arith.index_cast %parallel_loop3A_152 : i32 to index
        %parallel_loop3A_154 = arith.index_cast %parallel_loop3A_151 : i32 to index
        %parallel_loop3A_155 = tpu.vector_load %arg7[%parallel_loop3A_153, %parallel_loop3A_154] {strides = array<i32>} : memref<64x256xf32, #tpu.memory_space<vmem>>, vector<16xf32>,
        tpu.vector_store %arg7[%parallel_loop3A_153, %parallel_loop3A_154], %parallel_loop3A_149 {strides = array<i32>} : memref<64x256xf32, #tpu.memory_space<vmem>>, vector<16xf32>,
        %parallel_loop3A_156 = arith.constant 6 : i32
        %parallel_loop3A_157 = vector.broadcast %parallel_loop3A_156 : i32 to vector<16xi32>
        %parallel_loop3A_158 = tpu.vector_load_idx %arg5[%parallel_loop3A_157, %parallel_loop3A_101] : memref<64x1000xf32, #tpu.memory_space<vmem>>[vector<16xi32>, vector<16xi32>], vector<16xf32>,
        %parallel_loop3A_159 = arith.constant 16 : i32
        %parallel_loop3A_160 = arith.muli %parallel_loop3A_94, %parallel_loop3A_159 : i32
        %parallel_loop3A_161 = arith.constant 6 : i32
        %parallel_loop3A_162 = arith.index_cast %parallel_loop3A_161 : i32 to index
        %parallel_loop3A_163 = arith.index_cast %parallel_loop3A_160 : i32 to index
        %parallel_loop3A_164 = tpu.vector_load %arg7[%parallel_loop3A_162, %parallel_loop3A_163] {strides = array<i32>} : memref<64x256xf32, #tpu.memory_space<vmem>>, vector<16xf32>,
        tpu.vector_store %arg7[%parallel_loop3A_162, %parallel_loop3A_163], %parallel_loop3A_158 {strides = array<i32>} : memref<64x256xf32, #tpu.memory_space<vmem>>, vector<16xf32>,
        %parallel_loop3A_165 = arith.constant 7 : i32
        %parallel_loop3A_166 = vector.broadcast %parallel_loop3A_165 : i32 to vector<16xi32>
        %parallel_loop3A_167 = tpu.vector_load_idx %arg5[%parallel_loop3A_166, %parallel_loop3A_101] : memref<64x1000xf32, #tpu.memory_space<vmem>>[vector<16xi32>, vector<16xi32>], vector<16xf32>,
        %parallel_loop3A_168 = arith.constant 16 : i32
        %parallel_loop3A_169 = arith.muli %parallel_loop3A_94, %parallel_loop3A_168 : i32
        %parallel_loop3A_170 = arith.constant 7 : i32
        %parallel_loop3A_171 = arith.index_cast %parallel_loop3A_170 : i32 to index
        %parallel_loop3A_172 = arith.index_cast %parallel_loop3A_169 : i32 to index
        %parallel_loop3A_173 = tpu.vector_load %arg7[%parallel_loop3A_171, %parallel_loop3A_172] {strides = array<i32>} : memref<64x256xf32, #tpu.memory_space<vmem>>, vector<16xf32>,
        tpu.vector_store %arg7[%parallel_loop3A_171, %parallel_loop3A_172], %parallel_loop3A_167 {strides = array<i32>} : memref<64x256xf32, #tpu.memory_space<vmem>>, vector<16xf32>,
        %parallel_loop3A_174 = arith.constant 8 : i32
        %parallel_loop3A_175 = vector.broadcast %parallel_loop3A_174 : i32 to vector<16xi32>
        %parallel_loop3A_176 = tpu.vector_load_idx %arg5[%parallel_loop3A_175, %parallel_loop3A_101] : memref<64x1000xf32, #tpu.memory_space<vmem>>[vector<16xi32>, vector<16xi32>], vector<16xf32>,
        %parallel_loop3A_177 = arith.constant 16 : i32
        %parallel_loop3A_178 = arith.muli %parallel_loop3A_94, %parallel_loop3A_177 : i32
        %parallel_loop3A_179 = arith.constant 8 : i32
        %parallel_loop3A_180 = arith.index_cast %parallel_loop3A_179 : i32 to index
        %parallel_loop3A_181 = arith.index_cast %parallel_loop3A_178 : i32 to index
        %parallel_loop3A_182 = tpu.vector_load %arg7[%parallel_loop3A_180, %parallel_loop3A_181] {strides = array<i32>} : memref<64x256xf32, #tpu.memory_space<vmem>>, vector<16xf32>,
        tpu.vector_store %arg7[%parallel_loop3A_180, %parallel_loop3A_181], %parallel_loop3A_176 {strides = array<i32>} : memref<64x256xf32, #tpu.memory_space<vmem>>, vector<16xf32>,
        %parallel_loop3A_183 = arith.constant 9 : i32
        %parallel_loop3A_184 = vector.broadcast %parallel_loop3A_183 : i32 to vector<16xi32>
        %parallel_loop3A_185 = tpu.vector_load_idx %arg5[%parallel_loop3A_184, %parallel_loop3A_101] : memref<64x1000xf32, #tpu.memory_space<vmem>>[vector<16xi32>, vector<16xi32>], vector<16xf32>,
        %parallel_loop3A_186 = arith.constant 16 : i32
        %parallel_loop3A_187 = arith.muli %parallel_loop3A_94, %parallel_loop3A_186 : i32
        %parallel_loop3A_188 = arith.constant 9 : i32
        %parallel_loop3A_189 = arith.index_cast %parallel_loop3A_188 : i32 to index
        %parallel_loop3A_190 = arith.index_cast %parallel_loop3A_187 : i32 to index
        %parallel_loop3A_191 = tpu.vector_load %arg7[%parallel_loop3A_189, %parallel_loop3A_190] {strides = array<i32>} : memref<64x256xf32, #tpu.memory_space<vmem>>, vector<16xf32>,
        tpu.vector_store %arg7[%parallel_loop3A_189, %parallel_loop3A_190], %parallel_loop3A_185 {strides = array<i32>} : memref<64x256xf32, #tpu.memory_space<vmem>>, vector<16xf32>,
        %parallel_loop3A_192 = arith.constant 10 : i32
        %parallel_loop3A_193 = vector.broadcast %parallel_loop3A_192 : i32 to vector<16xi32>
        %parallel_loop3A_194 = tpu.vector_load_idx %arg5[%parallel_loop3A_193, %parallel_loop3A_101] : memref<64x1000xf32, #tpu.memory_space<vmem>>[vector<16xi32>, vector<16xi32>], vector<16xf32>,
        %parallel_loop3A_195 = arith.constant 16 : i32
        %parallel_loop3A_196 = arith.muli %parallel_loop3A_94, %parallel_loop3A_195 : i32
        %parallel_loop3A_197 = arith.constant 10 : i32
        %parallel_loop3A_198 = arith.index_cast %parallel_loop3A_197 : i32 to index
        %parallel_loop3A_199 = arith.index_cast %parallel_loop3A_196 : i32 to index
        %parallel_loop3A_200 = tpu.vector_load %arg7[%parallel_loop3A_198, %parallel_loop3A_199] {strides = array<i32>} : memref<64x256xf32, #tpu.memory_space<vmem>>, vector<16xf32>,
        tpu.vector_store %arg7[%parallel_loop3A_198, %parallel_loop3A_199], %parallel_loop3A_194 {strides = array<i32>} : memref<64x256xf32, #tpu.memory_space<vmem>>, vector<16xf32>,
        %parallel_loop3A_201 = arith.constant 11 : i32
        %parallel_loop3A_202 = vector.broadcast %parallel_loop3A_201 : i32 to vector<16xi32>
        %parallel_loop3A_203 = tpu.vector_load_idx %arg5[%parallel_loop3A_202, %parallel_loop3A_101] : memref<64x1000xf32, #tpu.memory_space<vmem>>[vector<16xi32>, vector<16xi32>], vector<16xf32>,
        %parallel_loop3A_204 = arith.constant 16 : i32
        %parallel_loop3A_205 = arith.muli %parallel_loop3A_94, %parallel_loop3A_204 : i32
        %parallel_loop3A_206 = arith.constant 11 : i32
        %parallel_loop3A_207 = arith.index_cast %parallel_loop3A_206 : i32 to index
        %parallel_loop3A_208 = arith.index_cast %parallel_loop3A_205 : i32 to index
        %parallel_loop3A_209 = tpu.vector_load %arg7[%parallel_loop3A_207, %parallel_loop3A_208] {strides = array<i32>} : memref<64x256xf32, #tpu.memory_space<vmem>>, vector<16xf32>,
        tpu.vector_store %arg7[%parallel_loop3A_207, %parallel_loop3A_208], %parallel_loop3A_203 {strides = array<i32>} : memref<64x256xf32, #tpu.memory_space<vmem>>, vector<16xf32>,
        %parallel_loop3A_210 = arith.constant 12 : i32
        %parallel_loop3A_211 = vector.broadcast %parallel_loop3A_210 : i32 to vector<16xi32>
        %parallel_loop3A_212 = tpu.vector_load_idx %arg5[%parallel_loop3A_211, %parallel_loop3A_101] : memref<64x1000xf32, #tpu.memory_space<vmem>>[vector<16xi32>, vector<16xi32>], vector<16xf32>,
        %parallel_loop3A_213 = arith.constant 16 : i32
        %parallel_loop3A_214 = arith.muli %parallel_loop3A_94, %parallel_loop3A_213 : i32
        %parallel_loop3A_215 = arith.constant 12 : i32
        %parallel_loop3A_216 = arith.index_cast %parallel_loop3A_215 : i32 to index
        %parallel_loop3A_217 = arith.index_cast %parallel_loop3A_214 : i32 to index
        %parallel_loop3A_218 = tpu.vector_load %arg7[%parallel_loop3A_216, %parallel_loop3A_217] {strides = array<i32>} : memref<64x256xf32, #tpu.memory_space<vmem>>, vector<16xf32>,
        tpu.vector_store %arg7[%parallel_loop3A_216, %parallel_loop3A_217], %parallel_loop3A_212 {strides = array<i32>} : memref<64x256xf32, #tpu.memory_space<vmem>>, vector<16xf32>,
        %parallel_loop3A_219 = arith.constant 13 : i32
        %parallel_loop3A_220 = vector.broadcast %parallel_loop3A_219 : i32 to vector<16xi32>
        %parallel_loop3A_221 = tpu.vector_load_idx %arg5[%parallel_loop3A_220, %parallel_loop3A_101] : memref<64x1000xf32, #tpu.memory_space<vmem>>[vector<16xi32>, vector<16xi32>], vector<16xf32>,
        %parallel_loop3A_222 = arith.constant 16 : i32
        %parallel_loop3A_223 = arith.muli %parallel_loop3A_94, %parallel_loop3A_222 : i32
        %parallel_loop3A_224 = arith.constant 13 : i32
        %parallel_loop3A_225 = arith.index_cast %parallel_loop3A_224 : i32 to index
        %parallel_loop3A_226 = arith.index_cast %parallel_loop3A_223 : i32 to index
        %parallel_loop3A_227 = tpu.vector_load %arg7[%parallel_loop3A_225, %parallel_loop3A_226] {strides = array<i32>} : memref<64x256xf32, #tpu.memory_space<vmem>>, vector<16xf32>,
        tpu.vector_store %arg7[%parallel_loop3A_225, %parallel_loop3A_226], %parallel_loop3A_221 {strides = array<i32>} : memref<64x256xf32, #tpu.memory_space<vmem>>, vector<16xf32>,
        %parallel_loop3A_228 = arith.constant 14 : i32
        %parallel_loop3A_229 = vector.broadcast %parallel_loop3A_228 : i32 to vector<16xi32>
        %parallel_loop3A_230 = tpu.vector_load_idx %arg5[%parallel_loop3A_229, %parallel_loop3A_101] : memref<64x1000xf32, #tpu.memory_space<vmem>>[vector<16xi32>, vector<16xi32>], vector<16xf32>,
        %parallel_loop3A_231 = arith.constant 16 : i32
        %parallel_loop3A_232 = arith.muli %parallel_loop3A_94, %parallel_loop3A_231 : i32
        %parallel_loop3A_233 = arith.constant 14 : i32
        %parallel_loop3A_234 = arith.index_cast %parallel_loop3A_233 : i32 to index
        %parallel_loop3A_235 = arith.index_cast %parallel_loop3A_232 : i32 to index
        %parallel_loop3A_236 = tpu.vector_load %arg7[%parallel_loop3A_234, %parallel_loop3A_235] {strides = array<i32>} : memref<64x256xf32, #tpu.memory_space<vmem>>, vector<16xf32>,
        tpu.vector_store %arg7[%parallel_loop3A_234, %parallel_loop3A_235], %parallel_loop3A_230 {strides = array<i32>} : memref<64x256xf32, #tpu.memory_space<vmem>>, vector<16xf32>,
        %parallel_loop3A_237 = arith.constant 15 : i32
        %parallel_loop3A_238 = vector.broadcast %parallel_loop3A_237 : i32 to vector<16xi32>
        %parallel_loop3A_239 = tpu.vector_load_idx %arg5[%parallel_loop3A_238, %parallel_loop3A_101] : memref<64x1000xf32, #tpu.memory_space<vmem>>[vector<16xi32>, vector<16xi32>], vector<16xf32>,
        %parallel_loop3A_240 = arith.constant 16 : i32
        %parallel_loop3A_241 = arith.muli %parallel_loop3A_94, %parallel_loop3A_240 : i32
        %parallel_loop3A_242 = arith.constant 15 : i32
        %parallel_loop3A_243 = arith.index_cast %parallel_loop3A_242 : i32 to index
        %parallel_loop3A_244 = arith.index_cast %parallel_loop3A_241 : i32 to index
        %parallel_loop3A_245 = tpu.vector_load %arg7[%parallel_loop3A_243, %parallel_loop3A_244] {strides = array<i32>} : memref<64x256xf32, #tpu.memory_space<vmem>>, vector<16xf32>,
        tpu.vector_store %arg7[%parallel_loop3A_243, %parallel_loop3A_244], %parallel_loop3A_239 {strides = array<i32>} : memref<64x256xf32, #tpu.memory_space<vmem>>, vector<16xf32>,
        %parallel_loop3A_246 = arith.constant 16 : i32
        %parallel_loop3A_247 = vector.broadcast %parallel_loop3A_246 : i32 to vector<16xi32>
        %parallel_loop3A_248 = tpu.vector_load_idx %arg5[%parallel_loop3A_247, %parallel_loop3A_101] : memref<64x1000xf32, #tpu.memory_space<vmem>>[vector<16xi32>, vector<16xi32>], vector<16xf32>,
        %parallel_loop3A_249 = arith.constant 16 : i32
        %parallel_loop3A_250 = arith.muli %parallel_loop3A_94, %parallel_loop3A_249 : i32
        %parallel_loop3A_251 = arith.constant 16 : i32
        %parallel_loop3A_252 = arith.index_cast %parallel_loop3A_251 : i32 to index
        %parallel_loop3A_253 = arith.index_cast %parallel_loop3A_250 : i32 to index
        %parallel_loop3A_254 = tpu.vector_load %arg7[%parallel_loop3A_252, %parallel_loop3A_253] {strides = array<i32>} : memref<64x256xf32, #tpu.memory_space<vmem>>, vector<16xf32>,
        tpu.vector_store %arg7[%parallel_loop3A_252, %parallel_loop3A_253], %parallel_loop3A_248 {strides = array<i32>} : memref<64x256xf32, #tpu.memory_space<vmem>>, vector<16xf32>,
        %parallel_loop3A_255 = arith.constant 17 : i32
        %parallel_loop3A_256 = vector.broadcast %parallel_loop3A_255 : i32 to vector<16xi32>
        %parallel_loop3A_257 = tpu.vector_load_idx %arg5[%parallel_loop3A_256, %parallel_loop3A_101] : memref<64x1000xf32, #tpu.memory_space<vmem>>[vector<16xi32>, vector<16xi32>], vector<16xf32>,
        %parallel_loop3A_258 = arith.constant 16 : i32
        %parallel_loop3A_259 = arith.muli %parallel_loop3A_94, %parallel_loop3A_258 : i32
        %parallel_loop3A_260 = arith.constant 17 : i32
        %parallel_loop3A_261 = arith.index_cast %parallel_loop3A_260 : i32 to index
        %parallel_loop3A_262 = arith.index_cast %parallel_loop3A_259 : i32 to index
        %parallel_loop3A_263 = tpu.vector_load %arg7[%parallel_loop3A_261, %parallel_loop3A_262] {strides = array<i32>} : memref<64x256xf32, #tpu.memory_space<vmem>>, vector<16xf32>,
        tpu.vector_store %arg7[%parallel_loop3A_261, %parallel_loop3A_262], %parallel_loop3A_257 {strides = array<i32>} : memref<64x256xf32, #tpu.memory_space<vmem>>, vector<16xf32>,
        %parallel_loop3A_264 = arith.constant 18 : i32
        %parallel_loop3A_265 = vector.broadcast %parallel_loop3A_264 : i32 to vector<16xi32>
        %parallel_loop3A_266 = tpu.vector_load_idx %arg5[%parallel_loop3A_265, %parallel_loop3A_101] : memref<64x1000xf32, #tpu.memory_space<vmem>>[vector<16xi32>, vector<16xi32>], vector<16xf32>,
        %parallel_loop3A_267 = arith.constant 16 : i32
        %parallel_loop3A_268 = arith.muli %parallel_loop3A_94, %parallel_loop3A_267 : i32
        %parallel_loop3A_269 = arith.constant 18 : i32
        %parallel_loop3A_270 = arith.index_cast %parallel_loop3A_269 : i32 to index
        %parallel_loop3A_271 = arith.index_cast %parallel_loop3A_268 : i32 to index
        %parallel_loop3A_272 = tpu.vector_load %arg7[%parallel_loop3A_270, %parallel_loop3A_271] {strides = array<i32>} : memref<64x256xf32, #tpu.memory_space<vmem>>, vector<16xf32>,
        tpu.vector_store %arg7[%parallel_loop3A_270, %parallel_loop3A_271], %parallel_loop3A_266 {strides = array<i32>} : memref<64x256xf32, #tpu.memory_space<vmem>>, vector<16xf32>,
        %parallel_loop3A_273 = arith.constant 19 : i32
        %parallel_loop3A_274 = vector.broadcast %parallel_loop3A_273 : i32 to vector<16xi32>
        %parallel_loop3A_275 = tpu.vector_load_idx %arg5[%parallel_loop3A_274, %parallel_loop3A_101] : memref<64x1000xf32, #tpu.memory_space<vmem>>[vector<16xi32>, vector<16xi32>], vector<16xf32>,
        %parallel_loop3A_276 = arith.constant 16 : i32
        %parallel_loop3A_277 = arith.muli %parallel_loop3A_94, %parallel_loop3A_276 : i32
        %parallel_loop3A_278 = arith.constant 19 : i32
        %parallel_loop3A_279 = arith.index_cast %parallel_loop3A_278 : i32 to index
        %parallel_loop3A_280 = arith.index_cast %parallel_loop3A_277 : i32 to index
        %parallel_loop3A_281 = tpu.vector_load %arg7[%parallel_loop3A_279, %parallel_loop3A_280] {strides = array<i32>} : memref<64x256xf32, #tpu.memory_space<vmem>>, vector<16xf32>,
        tpu.vector_store %arg7[%parallel_loop3A_279, %parallel_loop3A_280], %parallel_loop3A_275 {strides = array<i32>} : memref<64x256xf32, #tpu.memory_space<vmem>>, vector<16xf32>,
        %parallel_loop3A_282 = arith.constant 20 : i32
        %parallel_loop3A_283 = vector.broadcast %parallel_loop3A_282 : i32 to vector<16xi32>
        %parallel_loop3A_284 = tpu.vector_load_idx %arg5[%parallel_loop3A_283, %parallel_loop3A_101] : memref<64x1000xf32, #tpu.memory_space<vmem>>[vector<16xi32>, vector<16xi32>], vector<16xf32>,
        %parallel_loop3A_285 = arith.constant 16 : i32
        %parallel_loop3A_286 = arith.muli %parallel_loop3A_94, %parallel_loop3A_285 : i32
        %parallel_loop3A_287 = arith.constant 20 : i32
        %parallel_loop3A_288 = arith.index_cast %parallel_loop3A_287 : i32 to index
        %parallel_loop3A_289 = arith.index_cast %parallel_loop3A_286 : i32 to index
        %parallel_loop3A_290 = tpu.vector_load %arg7[%parallel_loop3A_288, %parallel_loop3A_289] {strides = array<i32>} : memref<64x256xf32, #tpu.memory_space<vmem>>, vector<16xf32>,
        tpu.vector_store %arg7[%parallel_loop3A_288, %parallel_loop3A_289], %parallel_loop3A_284 {strides = array<i32>} : memref<64x256xf32, #tpu.memory_space<vmem>>, vector<16xf32>,
        %parallel_loop3A_291 = arith.constant 21 : i32
        %parallel_loop3A_292 = vector.broadcast %parallel_loop3A_291 : i32 to vector<16xi32>
        %parallel_loop3A_293 = tpu.vector_load_idx %arg5[%parallel_loop3A_292, %parallel_loop3A_101] : memref<64x1000xf32, #tpu.memory_space<vmem>>[vector<16xi32>, vector<16xi32>], vector<16xf32>,
        %parallel_loop3A_294 = arith.constant 16 : i32
        %parallel_loop3A_295 = arith.muli %parallel_loop3A_94, %parallel_loop3A_294 : i32
        %parallel_loop3A_296 = arith.constant 21 : i32
        %parallel_loop3A_297 = arith.index_cast %parallel_loop3A_296 : i32 to index
        %parallel_loop3A_298 = arith.index_cast %parallel_loop3A_295 : i32 to index
        %parallel_loop3A_299 = tpu.vector_load %arg7[%parallel_loop3A_297, %parallel_loop3A_298] {strides = array<i32>} : memref<64x256xf32, #tpu.memory_space<vmem>>, vector<16xf32>,
        tpu.vector_store %arg7[%parallel_loop3A_297, %parallel_loop3A_298], %parallel_loop3A_293 {strides = array<i32>} : memref<64x256xf32, #tpu.memory_space<vmem>>, vector<16xf32>,
        %parallel_loop3A_300 = arith.constant 22 : i32
        %parallel_loop3A_301 = vector.broadcast %parallel_loop3A_300 : i32 to vector<16xi32>
        %parallel_loop3A_302 = tpu.vector_load_idx %arg5[%parallel_loop3A_301, %parallel_loop3A_101] : memref<64x1000xf32, #tpu.memory_space<vmem>>[vector<16xi32>, vector<16xi32>], vector<16xf32>,
        %parallel_loop3A_303 = arith.constant 16 : i32
        %parallel_loop3A_304 = arith.muli %parallel_loop3A_94, %parallel_loop3A_303 : i32
        %parallel_loop3A_305 = arith.constant 22 : i32
        %parallel_loop3A_306 = arith.index_cast %parallel_loop3A_305 : i32 to index
        %parallel_loop3A_307 = arith.index_cast %parallel_loop3A_304 : i32 to index
        %parallel_loop3A_308 = tpu.vector_load %arg7[%parallel_loop3A_306, %parallel_loop3A_307] {strides = array<i32>} : memref<64x256xf32, #tpu.memory_space<vmem>>, vector<16xf32>,
        tpu.vector_store %arg7[%parallel_loop3A_306, %parallel_loop3A_307], %parallel_loop3A_302 {strides = array<i32>} : memref<64x256xf32, #tpu.memory_space<vmem>>, vector<16xf32>,
        %parallel_loop3A_309 = arith.constant 23 : i32
        %parallel_loop3A_310 = vector.broadcast %parallel_loop3A_309 : i32 to vector<16xi32>
        %parallel_loop3A_311 = tpu.vector_load_idx %arg5[%parallel_loop3A_310, %parallel_loop3A_101] : memref<64x1000xf32, #tpu.memory_space<vmem>>[vector<16xi32>, vector<16xi32>], vector<16xf32>,
        %parallel_loop3A_312 = arith.constant 16 : i32
        %parallel_loop3A_313 = arith.muli %parallel_loop3A_94, %parallel_loop3A_312 : i32
        %parallel_loop3A_314 = arith.constant 23 : i32
        %parallel_loop3A_315 = arith.index_cast %parallel_loop3A_314 : i32 to index
        %parallel_loop3A_316 = arith.index_cast %parallel_loop3A_313 : i32 to index
        %parallel_loop3A_317 = tpu.vector_load %arg7[%parallel_loop3A_315, %parallel_loop3A_316] {strides = array<i32>} : memref<64x256xf32, #tpu.memory_space<vmem>>, vector<16xf32>,
        tpu.vector_store %arg7[%parallel_loop3A_315, %parallel_loop3A_316], %parallel_loop3A_311 {strides = array<i32>} : memref<64x256xf32, #tpu.memory_space<vmem>>, vector<16xf32>,
        %parallel_loop3A_318 = arith.constant 24 : i32
        %parallel_loop3A_319 = vector.broadcast %parallel_loop3A_318 : i32 to vector<16xi32>
        %parallel_loop3A_320 = tpu.vector_load_idx %arg5[%parallel_loop3A_319, %parallel_loop3A_101] : memref<64x1000xf32, #tpu.memory_space<vmem>>[vector<16xi32>, vector<16xi32>], vector<16xf32>,
        %parallel_loop3A_321 = arith.constant 16 : i32
        %parallel_loop3A_322 = arith.muli %parallel_loop3A_94, %parallel_loop3A_321 : i32
        %parallel_loop3A_323 = arith.constant 24 : i32
        %parallel_loop3A_324 = arith.index_cast %parallel_loop3A_323 : i32 to index
        %parallel_loop3A_325 = arith.index_cast %parallel_loop3A_322 : i32 to index
        %parallel_loop3A_326 = tpu.vector_load %arg7[%parallel_loop3A_324, %parallel_loop3A_325] {strides = array<i32>} : memref<64x256xf32, #tpu.memory_space<vmem>>, vector<16xf32>,
        tpu.vector_store %arg7[%parallel_loop3A_324, %parallel_loop3A_325], %parallel_loop3A_320 {strides = array<i32>} : memref<64x256xf32, #tpu.memory_space<vmem>>, vector<16xf32>,
        %parallel_loop3A_327 = arith.constant 25 : i32
        %parallel_loop3A_328 = vector.broadcast %parallel_loop3A_327 : i32 to vector<16xi32>
        %parallel_loop3A_329 = tpu.vector_load_idx %arg5[%parallel_loop3A_328, %parallel_loop3A_101] : memref<64x1000xf32, #tpu.memory_space<vmem>>[vector<16xi32>, vector<16xi32>], vector<16xf32>,
        %parallel_loop3A_330 = arith.constant 16 : i32
        %parallel_loop3A_331 = arith.muli %parallel_loop3A_94, %parallel_loop3A_330 : i32
        %parallel_loop3A_332 = arith.constant 25 : i32
        %parallel_loop3A_333 = arith.index_cast %parallel_loop3A_332 : i32 to index
        %parallel_loop3A_334 = arith.index_cast %parallel_loop3A_331 : i32 to index
        %parallel_loop3A_335 = tpu.vector_load %arg7[%parallel_loop3A_333, %parallel_loop3A_334] {strides = array<i32>} : memref<64x256xf32, #tpu.memory_space<vmem>>, vector<16xf32>,
        tpu.vector_store %arg7[%parallel_loop3A_333, %parallel_loop3A_334], %parallel_loop3A_329 {strides = array<i32>} : memref<64x256xf32, #tpu.memory_space<vmem>>, vector<16xf32>,
        %parallel_loop3A_336 = arith.constant 26 : i32
        %parallel_loop3A_337 = vector.broadcast %parallel_loop3A_336 : i32 to vector<16xi32>
        %parallel_loop3A_338 = tpu.vector_load_idx %arg5[%parallel_loop3A_337, %parallel_loop3A_101] : memref<64x1000xf32, #tpu.memory_space<vmem>>[vector<16xi32>, vector<16xi32>], vector<16xf32>,
        %parallel_loop3A_339 = arith.constant 16 : i32
        %parallel_loop3A_340 = arith.muli %parallel_loop3A_94, %parallel_loop3A_339 : i32
        %parallel_loop3A_341 = arith.constant 26 : i32
        %parallel_loop3A_342 = arith.index_cast %parallel_loop3A_341 : i32 to index
        %parallel_loop3A_343 = arith.index_cast %parallel_loop3A_340 : i32 to index
        %parallel_loop3A_344 = tpu.vector_load %arg7[%parallel_loop3A_342, %parallel_loop3A_343] {strides = array<i32>} : memref<64x256xf32, #tpu.memory_space<vmem>>, vector<16xf32>,
        tpu.vector_store %arg7[%parallel_loop3A_342, %parallel_loop3A_343], %parallel_loop3A_338 {strides = array<i32>} : memref<64x256xf32, #tpu.memory_space<vmem>>, vector<16xf32>,
        %parallel_loop3A_345 = arith.constant 27 : i32
        %parallel_loop3A_346 = vector.broadcast %parallel_loop3A_345 : i32 to vector<16xi32>
        %parallel_loop3A_347 = tpu.vector_load_idx %arg5[%parallel_loop3A_346, %parallel_loop3A_101] : memref<64x1000xf32, #tpu.memory_space<vmem>>[vector<16xi32>, vector<16xi32>], vector<16xf32>,
        %parallel_loop3A_348 = arith.constant 16 : i32
        %parallel_loop3A_349 = arith.muli %parallel_loop3A_94, %parallel_loop3A_348 : i32
        %parallel_loop3A_350 = arith.constant 27 : i32
        %parallel_loop3A_351 = arith.index_cast %parallel_loop3A_350 : i32 to index
        %parallel_loop3A_352 = arith.index_cast %parallel_loop3A_349 : i32 to index
        %parallel_loop3A_353 = tpu.vector_load %arg7[%parallel_loop3A_351, %parallel_loop3A_352] {strides = array<i32>} : memref<64x256xf32, #tpu.memory_space<vmem>>, vector<16xf32>,
        tpu.vector_store %arg7[%parallel_loop3A_351, %parallel_loop3A_352], %parallel_loop3A_347 {strides = array<i32>} : memref<64x256xf32, #tpu.memory_space<vmem>>, vector<16xf32>,
        %parallel_loop3A_354 = arith.constant 28 : i32
        %parallel_loop3A_355 = vector.broadcast %parallel_loop3A_354 : i32 to vector<16xi32>
        %parallel_loop3A_356 = tpu.vector_load_idx %arg5[%parallel_loop3A_355, %parallel_loop3A_101] : memref<64x1000xf32, #tpu.memory_space<vmem>>[vector<16xi32>, vector<16xi32>], vector<16xf32>,
        %parallel_loop3A_357 = arith.constant 16 : i32
        %parallel_loop3A_358 = arith.muli %parallel_loop3A_94, %parallel_loop3A_357 : i32
        %parallel_loop3A_359 = arith.constant 28 : i32
        %parallel_loop3A_360 = arith.index_cast %parallel_loop3A_359 : i32 to index
        %parallel_loop3A_361 = arith.index_cast %parallel_loop3A_358 : i32 to index
        %parallel_loop3A_362 = tpu.vector_load %arg7[%parallel_loop3A_360, %parallel_loop3A_361] {strides = array<i32>} : memref<64x256xf32, #tpu.memory_space<vmem>>, vector<16xf32>,
        tpu.vector_store %arg7[%parallel_loop3A_360, %parallel_loop3A_361], %parallel_loop3A_356 {strides = array<i32>} : memref<64x256xf32, #tpu.memory_space<vmem>>, vector<16xf32>,
        %parallel_loop3A_363 = arith.constant 29 : i32
        %parallel_loop3A_364 = vector.broadcast %parallel_loop3A_363 : i32 to vector<16xi32>
        %parallel_loop3A_365 = tpu.vector_load_idx %arg5[%parallel_loop3A_364, %parallel_loop3A_101] : memref<64x1000xf32, #tpu.memory_space<vmem>>[vector<16xi32>, vector<16xi32>], vector<16xf32>,
        %parallel_loop3A_366 = arith.constant 16 : i32
        %parallel_loop3A_367 = arith.muli %parallel_loop3A_94, %parallel_loop3A_366 : i32
        %parallel_loop3A_368 = arith.constant 29 : i32
        %parallel_loop3A_369 = arith.index_cast %parallel_loop3A_368 : i32 to index
        %parallel_loop3A_370 = arith.index_cast %parallel_loop3A_367 : i32 to index
        %parallel_loop3A_371 = tpu.vector_load %arg7[%parallel_loop3A_369, %parallel_loop3A_370] {strides = array<i32>} : memref<64x256xf32, #tpu.memory_space<vmem>>, vector<16xf32>,
        tpu.vector_store %arg7[%parallel_loop3A_369, %parallel_loop3A_370], %parallel_loop3A_365 {strides = array<i32>} : memref<64x256xf32, #tpu.memory_space<vmem>>, vector<16xf32>,
        %parallel_loop3A_372 = arith.constant 30 : i32
        %parallel_loop3A_373 = vector.broadcast %parallel_loop3A_372 : i32 to vector<16xi32>
        %parallel_loop3A_374 = tpu.vector_load_idx %arg5[%parallel_loop3A_373, %parallel_loop3A_101] : memref<64x1000xf32, #tpu.memory_space<vmem>>[vector<16xi32>, vector<16xi32>], vector<16xf32>,
        %parallel_loop3A_375 = arith.constant 16 : i32
        %parallel_loop3A_376 = arith.muli %parallel_loop3A_94, %parallel_loop3A_375 : i32
        %parallel_loop3A_377 = arith.constant 30 : i32
        %parallel_loop3A_378 = arith.index_cast %parallel_loop3A_377 : i32 to index
        %parallel_loop3A_379 = arith.index_cast %parallel_loop3A_376 : i32 to index
        %parallel_loop3A_380 = tpu.vector_load %arg7[%parallel_loop3A_378, %parallel_loop3A_379] {strides = array<i32>} : memref<64x256xf32, #tpu.memory_space<vmem>>, vector<16xf32>,
        tpu.vector_store %arg7[%parallel_loop3A_378, %parallel_loop3A_379], %parallel_loop3A_374 {strides = array<i32>} : memref<64x256xf32, #tpu.memory_space<vmem>>, vector<16xf32>,
        %parallel_loop3A_381 = arith.constant 31 : i32
        %parallel_loop3A_382 = vector.broadcast %parallel_loop3A_381 : i32 to vector<16xi32>
        %parallel_loop3A_383 = tpu.vector_load_idx %arg5[%parallel_loop3A_382, %parallel_loop3A_101] : memref<64x1000xf32, #tpu.memory_space<vmem>>[vector<16xi32>, vector<16xi32>], vector<16xf32>,
        %parallel_loop3A_384 = arith.constant 16 : i32
        %parallel_loop3A_385 = arith.muli %parallel_loop3A_94, %parallel_loop3A_384 : i32
        %parallel_loop3A_386 = arith.constant 31 : i32
        %parallel_loop3A_387 = arith.index_cast %parallel_loop3A_386 : i32 to index
        %parallel_loop3A_388 = arith.index_cast %parallel_loop3A_385 : i32 to index
        %parallel_loop3A_389 = tpu.vector_load %arg7[%parallel_loop3A_387, %parallel_loop3A_388] {strides = array<i32>} : memref<64x256xf32, #tpu.memory_space<vmem>>, vector<16xf32>,
        tpu.vector_store %arg7[%parallel_loop3A_387, %parallel_loop3A_388], %parallel_loop3A_383 {strides = array<i32>} : memref<64x256xf32, #tpu.memory_space<vmem>>, vector<16xf32>,
        %parallel_loop3A_390 = arith.constant 32 : i32
        %parallel_loop3A_391 = vector.broadcast %parallel_loop3A_390 : i32 to vector<16xi32>
        %parallel_loop3A_392 = tpu.vector_load_idx %arg5[%parallel_loop3A_391, %parallel_loop3A_101] : memref<64x1000xf32, #tpu.memory_space<vmem>>[vector<16xi32>, vector<16xi32>], vector<16xf32>,
        %parallel_loop3A_393 = arith.constant 16 : i32
        %parallel_loop3A_394 = arith.muli %parallel_loop3A_94, %parallel_loop3A_393 : i32
        %parallel_loop3A_395 = arith.constant 32 : i32
        %parallel_loop3A_396 = arith.index_cast %parallel_loop3A_395 : i32 to index
        %parallel_loop3A_397 = arith.index_cast %parallel_loop3A_394 : i32 to index
        %parallel_loop3A_398 = tpu.vector_load %arg7[%parallel_loop3A_396, %parallel_loop3A_397] {strides = array<i32>} : memref<64x256xf32, #tpu.memory_space<vmem>>, vector<16xf32>,
        tpu.vector_store %arg7[%parallel_loop3A_396, %parallel_loop3A_397], %parallel_loop3A_392 {strides = array<i32>} : memref<64x256xf32, #tpu.memory_space<vmem>>, vector<16xf32>,
        %parallel_loop3A_399 = arith.constant 33 : i32
        %parallel_loop3A_400 = vector.broadcast %parallel_loop3A_399 : i32 to vector<16xi32>
        %parallel_loop3A_401 = tpu.vector_load_idx %arg5[%parallel_loop3A_400, %parallel_loop3A_101] : memref<64x1000xf32, #tpu.memory_space<vmem>>[vector<16xi32>, vector<16xi32>], vector<16xf32>,
        %parallel_loop3A_402 = arith.constant 16 : i32
        %parallel_loop3A_403 = arith.muli %parallel_loop3A_94, %parallel_loop3A_402 : i32
        %parallel_loop3A_404 = arith.constant 33 : i32
        %parallel_loop3A_405 = arith.index_cast %parallel_loop3A_404 : i32 to index
        %parallel_loop3A_406 = arith.index_cast %parallel_loop3A_403 : i32 to index
        %parallel_loop3A_407 = tpu.vector_load %arg7[%parallel_loop3A_405, %parallel_loop3A_406] {strides = array<i32>} : memref<64x256xf32, #tpu.memory_space<vmem>>, vector<16xf32>,
        tpu.vector_store %arg7[%parallel_loop3A_405, %parallel_loop3A_406], %parallel_loop3A_401 {strides = array<i32>} : memref<64x256xf32, #tpu.memory_space<vmem>>, vector<16xf32>,
        %parallel_loop3A_408 = arith.constant 34 : i32
        %parallel_loop3A_409 = vector.broadcast %parallel_loop3A_408 : i32 to vector<16xi32>
        %parallel_loop3A_410 = tpu.vector_load_idx %arg5[%parallel_loop3A_409, %parallel_loop3A_101] : memref<64x1000xf32, #tpu.memory_space<vmem>>[vector<16xi32>, vector<16xi32>], vector<16xf32>,
        %parallel_loop3A_411 = arith.constant 16 : i32
        %parallel_loop3A_412 = arith.muli %parallel_loop3A_94, %parallel_loop3A_411 : i32
        %parallel_loop3A_413 = arith.constant 34 : i32
        %parallel_loop3A_414 = arith.index_cast %parallel_loop3A_413 : i32 to index
        %parallel_loop3A_415 = arith.index_cast %parallel_loop3A_412 : i32 to index
        %parallel_loop3A_416 = tpu.vector_load %arg7[%parallel_loop3A_414, %parallel_loop3A_415] {strides = array<i32>} : memref<64x256xf32, #tpu.memory_space<vmem>>, vector<16xf32>,
        tpu.vector_store %arg7[%parallel_loop3A_414, %parallel_loop3A_415], %parallel_loop3A_410 {strides = array<i32>} : memref<64x256xf32, #tpu.memory_space<vmem>>, vector<16xf32>,
        %parallel_loop3A_417 = arith.constant 35 : i32
        %parallel_loop3A_418 = vector.broadcast %parallel_loop3A_417 : i32 to vector<16xi32>
        %parallel_loop3A_419 = tpu.vector_load_idx %arg5[%parallel_loop3A_418, %parallel_loop3A_101] : memref<64x1000xf32, #tpu.memory_space<vmem>>[vector<16xi32>, vector<16xi32>], vector<16xf32>,
        %parallel_loop3A_420 = arith.constant 16 : i32
        %parallel_loop3A_421 = arith.muli %parallel_loop3A_94, %parallel_loop3A_420 : i32
        %parallel_loop3A_422 = arith.constant 35 : i32
        %parallel_loop3A_423 = arith.index_cast %parallel_loop3A_422 : i32 to index
        %parallel_loop3A_424 = arith.index_cast %parallel_loop3A_421 : i32 to index
        %parallel_loop3A_425 = tpu.vector_load %arg7[%parallel_loop3A_423, %parallel_loop3A_424] {strides = array<i32>} : memref<64x256xf32, #tpu.memory_space<vmem>>, vector<16xf32>,
        tpu.vector_store %arg7[%parallel_loop3A_423, %parallel_loop3A_424], %parallel_loop3A_419 {strides = array<i32>} : memref<64x256xf32, #tpu.memory_space<vmem>>, vector<16xf32>,
        %parallel_loop3A_426 = arith.constant 36 : i32
        %parallel_loop3A_427 = vector.broadcast %parallel_loop3A_426 : i32 to vector<16xi32>
        %parallel_loop3A_428 = tpu.vector_load_idx %arg5[%parallel_loop3A_427, %parallel_loop3A_101] : memref<64x1000xf32, #tpu.memory_space<vmem>>[vector<16xi32>, vector<16xi32>], vector<16xf32>,
        %parallel_loop3A_429 = arith.constant 16 : i32
        %parallel_loop3A_430 = arith.muli %parallel_loop3A_94, %parallel_loop3A_429 : i32
        %parallel_loop3A_431 = arith.constant 36 : i32
        %parallel_loop3A_432 = arith.index_cast %parallel_loop3A_431 : i32 to index
        %parallel_loop3A_433 = arith.index_cast %parallel_loop3A_430 : i32 to index
        %parallel_loop3A_434 = tpu.vector_load %arg7[%parallel_loop3A_432, %parallel_loop3A_433] {strides = array<i32>} : memref<64x256xf32, #tpu.memory_space<vmem>>, vector<16xf32>,
        tpu.vector_store %arg7[%parallel_loop3A_432, %parallel_loop3A_433], %parallel_loop3A_428 {strides = array<i32>} : memref<64x256xf32, #tpu.memory_space<vmem>>, vector<16xf32>,
        %parallel_loop3A_435 = arith.constant 37 : i32
        %parallel_loop3A_436 = vector.broadcast %parallel_loop3A_435 : i32 to vector<16xi32>
        %parallel_loop3A_437 = tpu.vector_load_idx %arg5[%parallel_loop3A_436, %parallel_loop3A_101] : memref<64x1000xf32, #tpu.memory_space<vmem>>[vector<16xi32>, vector<16xi32>], vector<16xf32>,
        %parallel_loop3A_438 = arith.constant 16 : i32
        %parallel_loop3A_439 = arith.muli %parallel_loop3A_94, %parallel_loop3A_438 : i32
        %parallel_loop3A_440 = arith.constant 37 : i32
        %parallel_loop3A_441 = arith.index_cast %parallel_loop3A_440 : i32 to index
        %parallel_loop3A_442 = arith.index_cast %parallel_loop3A_439 : i32 to index
        %parallel_loop3A_443 = tpu.vector_load %arg7[%parallel_loop3A_441, %parallel_loop3A_442] {strides = array<i32>} : memref<64x256xf32, #tpu.memory_space<vmem>>, vector<16xf32>,
        tpu.vector_store %arg7[%parallel_loop3A_441, %parallel_loop3A_442], %parallel_loop3A_437 {strides = array<i32>} : memref<64x256xf32, #tpu.memory_space<vmem>>, vector<16xf32>,
        %parallel_loop3A_444 = arith.constant 38 : i32
        %parallel_loop3A_445 = vector.broadcast %parallel_loop3A_444 : i32 to vector<16xi32>
        %parallel_loop3A_446 = tpu.vector_load_idx %arg5[%parallel_loop3A_445, %parallel_loop3A_101] : memref<64x1000xf32, #tpu.memory_space<vmem>>[vector<16xi32>, vector<16xi32>], vector<16xf32>,
        %parallel_loop3A_447 = arith.constant 16 : i32
        %parallel_loop3A_448 = arith.muli %parallel_loop3A_94, %parallel_loop3A_447 : i32
        %parallel_loop3A_449 = arith.constant 38 : i32
        %parallel_loop3A_450 = arith.index_cast %parallel_loop3A_449 : i32 to index
        %parallel_loop3A_451 = arith.index_cast %parallel_loop3A_448 : i32 to index
        %parallel_loop3A_452 = tpu.vector_load %arg7[%parallel_loop3A_450, %parallel_loop3A_451] {strides = array<i32>} : memref<64x256xf32, #tpu.memory_space<vmem>>, vector<16xf32>,
        tpu.vector_store %arg7[%parallel_loop3A_450, %parallel_loop3A_451], %parallel_loop3A_446 {strides = array<i32>} : memref<64x256xf32, #tpu.memory_space<vmem>>, vector<16xf32>,
        %parallel_loop3A_453 = arith.constant 39 : i32
        %parallel_loop3A_454 = vector.broadcast %parallel_loop3A_453 : i32 to vector<16xi32>
        %parallel_loop3A_455 = tpu.vector_load_idx %arg5[%parallel_loop3A_454, %parallel_loop3A_101] : memref<64x1000xf32, #tpu.memory_space<vmem>>[vector<16xi32>, vector<16xi32>], vector<16xf32>,
        %parallel_loop3A_456 = arith.constant 16 : i32
        %parallel_loop3A_457 = arith.muli %parallel_loop3A_94, %parallel_loop3A_456 : i32
        %parallel_loop3A_458 = arith.constant 39 : i32
        %parallel_loop3A_459 = arith.index_cast %parallel_loop3A_458 : i32 to index
        %parallel_loop3A_460 = arith.index_cast %parallel_loop3A_457 : i32 to index
        %parallel_loop3A_461 = tpu.vector_load %arg7[%parallel_loop3A_459, %parallel_loop3A_460] {strides = array<i32>} : memref<64x256xf32, #tpu.memory_space<vmem>>, vector<16xf32>,
        tpu.vector_store %arg7[%parallel_loop3A_459, %parallel_loop3A_460], %parallel_loop3A_455 {strides = array<i32>} : memref<64x256xf32, #tpu.memory_space<vmem>>, vector<16xf32>,
        %parallel_loop3A_462 = arith.constant 40 : i32
        %parallel_loop3A_463 = vector.broadcast %parallel_loop3A_462 : i32 to vector<16xi32>
        %parallel_loop3A_464 = tpu.vector_load_idx %arg5[%parallel_loop3A_463, %parallel_loop3A_101] : memref<64x1000xf32, #tpu.memory_space<vmem>>[vector<16xi32>, vector<16xi32>], vector<16xf32>,
        %parallel_loop3A_465 = arith.constant 16 : i32
        %parallel_loop3A_466 = arith.muli %parallel_loop3A_94, %parallel_loop3A_465 : i32
        %parallel_loop3A_467 = arith.constant 40 : i32
        %parallel_loop3A_468 = arith.index_cast %parallel_loop3A_467 : i32 to index
        %parallel_loop3A_469 = arith.index_cast %parallel_loop3A_466 : i32 to index
        %parallel_loop3A_470 = tpu.vector_load %arg7[%parallel_loop3A_468, %parallel_loop3A_469] {strides = array<i32>} : memref<64x256xf32, #tpu.memory_space<vmem>>, vector<16xf32>,
        tpu.vector_store %arg7[%parallel_loop3A_468, %parallel_loop3A_469], %parallel_loop3A_464 {strides = array<i32>} : memref<64x256xf32, #tpu.memory_space<vmem>>, vector<16xf32>,
        %parallel_loop3A_471 = arith.constant 41 : i32
        %parallel_loop3A_472 = vector.broadcast %parallel_loop3A_471 : i32 to vector<16xi32>
        %parallel_loop3A_473 = tpu.vector_load_idx %arg5[%parallel_loop3A_472, %parallel_loop3A_101] : memref<64x1000xf32, #tpu.memory_space<vmem>>[vector<16xi32>, vector<16xi32>], vector<16xf32>,
        %parallel_loop3A_474 = arith.constant 16 : i32
        %parallel_loop3A_475 = arith.muli %parallel_loop3A_94, %parallel_loop3A_474 : i32
        %parallel_loop3A_476 = arith.constant 41 : i32
        %parallel_loop3A_477 = arith.index_cast %parallel_loop3A_476 : i32 to index
        %parallel_loop3A_478 = arith.index_cast %parallel_loop3A_475 : i32 to index
        %parallel_loop3A_479 = tpu.vector_load %arg7[%parallel_loop3A_477, %parallel_loop3A_478] {strides = array<i32>} : memref<64x256xf32, #tpu.memory_space<vmem>>, vector<16xf32>,
        tpu.vector_store %arg7[%parallel_loop3A_477, %parallel_loop3A_478], %parallel_loop3A_473 {strides = array<i32>} : memref<64x256xf32, #tpu.memory_space<vmem>>, vector<16xf32>,
        %parallel_loop3A_480 = arith.constant 42 : i32
        %parallel_loop3A_481 = vector.broadcast %parallel_loop3A_480 : i32 to vector<16xi32>
        %parallel_loop3A_482 = tpu.vector_load_idx %arg5[%parallel_loop3A_481, %parallel_loop3A_101] : memref<64x1000xf32, #tpu.memory_space<vmem>>[vector<16xi32>, vector<16xi32>], vector<16xf32>,
        %parallel_loop3A_483 = arith.constant 16 : i32
        %parallel_loop3A_484 = arith.muli %parallel_loop3A_94, %parallel_loop3A_483 : i32
        %parallel_loop3A_485 = arith.constant 42 : i32
        %parallel_loop3A_486 = arith.index_cast %parallel_loop3A_485 : i32 to index
        %parallel_loop3A_487 = arith.index_cast %parallel_loop3A_484 : i32 to index
        %parallel_loop3A_488 = tpu.vector_load %arg7[%parallel_loop3A_486, %parallel_loop3A_487] {strides = array<i32>} : memref<64x256xf32, #tpu.memory_space<vmem>>, vector<16xf32>,
        tpu.vector_store %arg7[%parallel_loop3A_486, %parallel_loop3A_487], %parallel_loop3A_482 {strides = array<i32>} : memref<64x256xf32, #tpu.memory_space<vmem>>, vector<16xf32>,
        %parallel_loop3A_489 = arith.constant 43 : i32
        %parallel_loop3A_490 = vector.broadcast %parallel_loop3A_489 : i32 to vector<16xi32>
        %parallel_loop3A_491 = tpu.vector_load_idx %arg5[%parallel_loop3A_490, %parallel_loop3A_101] : memref<64x1000xf32, #tpu.memory_space<vmem>>[vector<16xi32>, vector<16xi32>], vector<16xf32>,
        %parallel_loop3A_492 = arith.constant 16 : i32
        %parallel_loop3A_493 = arith.muli %parallel_loop3A_94, %parallel_loop3A_492 : i32
        %parallel_loop3A_494 = arith.constant 43 : i32
        %parallel_loop3A_495 = arith.index_cast %parallel_loop3A_494 : i32 to index
        %parallel_loop3A_496 = arith.index_cast %parallel_loop3A_493 : i32 to index
        %parallel_loop3A_497 = tpu.vector_load %arg7[%parallel_loop3A_495, %parallel_loop3A_496] {strides = array<i32>} : memref<64x256xf32, #tpu.memory_space<vmem>>, vector<16xf32>,
        tpu.vector_store %arg7[%parallel_loop3A_495, %parallel_loop3A_496], %parallel_loop3A_491 {strides = array<i32>} : memref<64x256xf32, #tpu.memory_space<vmem>>, vector<16xf32>,
        %parallel_loop3A_498 = arith.constant 44 : i32
        %parallel_loop3A_499 = vector.broadcast %parallel_loop3A_498 : i32 to vector<16xi32>
        %parallel_loop3A_500 = tpu.vector_load_idx %arg5[%parallel_loop3A_499, %parallel_loop3A_101] : memref<64x1000xf32, #tpu.memory_space<vmem>>[vector<16xi32>, vector<16xi32>], vector<16xf32>,
        %parallel_loop3A_501 = arith.constant 16 : i32
        %parallel_loop3A_502 = arith.muli %parallel_loop3A_94, %parallel_loop3A_501 : i32
        %parallel_loop3A_503 = arith.constant 44 : i32
        %parallel_loop3A_504 = arith.index_cast %parallel_loop3A_503 : i32 to index
        %parallel_loop3A_505 = arith.index_cast %parallel_loop3A_502 : i32 to index
        %parallel_loop3A_506 = tpu.vector_load %arg7[%parallel_loop3A_504, %parallel_loop3A_505] {strides = array<i32>} : memref<64x256xf32, #tpu.memory_space<vmem>>, vector<16xf32>,
        tpu.vector_store %arg7[%parallel_loop3A_504, %parallel_loop3A_505], %parallel_loop3A_500 {strides = array<i32>} : memref<64x256xf32, #tpu.memory_space<vmem>>, vector<16xf32>,
        %parallel_loop3A_507 = arith.constant 45 : i32
        %parallel_loop3A_508 = vector.broadcast %parallel_loop3A_507 : i32 to vector<16xi32>
        %parallel_loop3A_509 = tpu.vector_load_idx %arg5[%parallel_loop3A_508, %parallel_loop3A_101] : memref<64x1000xf32, #tpu.memory_space<vmem>>[vector<16xi32>, vector<16xi32>], vector<16xf32>,
        %parallel_loop3A_510 = arith.constant 16 : i32
        %parallel_loop3A_511 = arith.muli %parallel_loop3A_94, %parallel_loop3A_510 : i32
        %parallel_loop3A_512 = arith.constant 45 : i32
        %parallel_loop3A_513 = arith.index_cast %parallel_loop3A_512 : i32 to index
        %parallel_loop3A_514 = arith.index_cast %parallel_loop3A_511 : i32 to index
        %parallel_loop3A_515 = tpu.vector_load %arg7[%parallel_loop3A_513, %parallel_loop3A_514] {strides = array<i32>} : memref<64x256xf32, #tpu.memory_space<vmem>>, vector<16xf32>,
        tpu.vector_store %arg7[%parallel_loop3A_513, %parallel_loop3A_514], %parallel_loop3A_509 {strides = array<i32>} : memref<64x256xf32, #tpu.memory_space<vmem>>, vector<16xf32>,
        %parallel_loop3A_516 = arith.constant 46 : i32
        %parallel_loop3A_517 = vector.broadcast %parallel_loop3A_516 : i32 to vector<16xi32>
        %parallel_loop3A_518 = tpu.vector_load_idx %arg5[%parallel_loop3A_517, %parallel_loop3A_101] : memref<64x1000xf32, #tpu.memory_space<vmem>>[vector<16xi32>, vector<16xi32>], vector<16xf32>,
        %parallel_loop3A_519 = arith.constant 16 : i32
        %parallel_loop3A_520 = arith.muli %parallel_loop3A_94, %parallel_loop3A_519 : i32
        %parallel_loop3A_521 = arith.constant 46 : i32
        %parallel_loop3A_522 = arith.index_cast %parallel_loop3A_521 : i32 to index
        %parallel_loop3A_523 = arith.index_cast %parallel_loop3A_520 : i32 to index
        %parallel_loop3A_524 = tpu.vector_load %arg7[%parallel_loop3A_522, %parallel_loop3A_523] {strides = array<i32>} : memref<64x256xf32, #tpu.memory_space<vmem>>, vector<16xf32>,
        tpu.vector_store %arg7[%parallel_loop3A_522, %parallel_loop3A_523], %parallel_loop3A_518 {strides = array<i32>} : memref<64x256xf32, #tpu.memory_space<vmem>>, vector<16xf32>,
        %parallel_loop3A_525 = arith.constant 47 : i32
        %parallel_loop3A_526 = vector.broadcast %parallel_loop3A_525 : i32 to vector<16xi32>
        %parallel_loop3A_527 = tpu.vector_load_idx %arg5[%parallel_loop3A_526, %parallel_loop3A_101] : memref<64x1000xf32, #tpu.memory_space<vmem>>[vector<16xi32>, vector<16xi32>], vector<16xf32>,
        %parallel_loop3A_528 = arith.constant 16 : i32
        %parallel_loop3A_529 = arith.muli %parallel_loop3A_94, %parallel_loop3A_528 : i32
        %parallel_loop3A_530 = arith.constant 47 : i32
        %parallel_loop3A_531 = arith.index_cast %parallel_loop3A_530 : i32 to index
        %parallel_loop3A_532 = arith.index_cast %parallel_loop3A_529 : i32 to index
        %parallel_loop3A_533 = tpu.vector_load %arg7[%parallel_loop3A_531, %parallel_loop3A_532] {strides = array<i32>} : memref<64x256xf32, #tpu.memory_space<vmem>>, vector<16xf32>,
        tpu.vector_store %arg7[%parallel_loop3A_531, %parallel_loop3A_532], %parallel_loop3A_527 {strides = array<i32>} : memref<64x256xf32, #tpu.memory_space<vmem>>, vector<16xf32>,
        %parallel_loop3A_534 = arith.constant 48 : i32
        %parallel_loop3A_535 = vector.broadcast %parallel_loop3A_534 : i32 to vector<16xi32>
        %parallel_loop3A_536 = tpu.vector_load_idx %arg5[%parallel_loop3A_535, %parallel_loop3A_101] : memref<64x1000xf32, #tpu.memory_space<vmem>>[vector<16xi32>, vector<16xi32>], vector<16xf32>,
        %parallel_loop3A_537 = arith.constant 16 : i32
        %parallel_loop3A_538 = arith.muli %parallel_loop3A_94, %parallel_loop3A_537 : i32
        %parallel_loop3A_539 = arith.constant 48 : i32
        %parallel_loop3A_540 = arith.index_cast %parallel_loop3A_539 : i32 to index
        %parallel_loop3A_541 = arith.index_cast %parallel_loop3A_538 : i32 to index
        %parallel_loop3A_542 = tpu.vector_load %arg7[%parallel_loop3A_540, %parallel_loop3A_541] {strides = array<i32>} : memref<64x256xf32, #tpu.memory_space<vmem>>, vector<16xf32>,
        tpu.vector_store %arg7[%parallel_loop3A_540, %parallel_loop3A_541], %parallel_loop3A_536 {strides = array<i32>} : memref<64x256xf32, #tpu.memory_space<vmem>>, vector<16xf32>,
        %parallel_loop3A_543 = arith.constant 49 : i32
        %parallel_loop3A_544 = vector.broadcast %parallel_loop3A_543 : i32 to vector<16xi32>
        %parallel_loop3A_545 = tpu.vector_load_idx %arg5[%parallel_loop3A_544, %parallel_loop3A_101] : memref<64x1000xf32, #tpu.memory_space<vmem>>[vector<16xi32>, vector<16xi32>], vector<16xf32>,
        %parallel_loop3A_546 = arith.constant 16 : i32
        %parallel_loop3A_547 = arith.muli %parallel_loop3A_94, %parallel_loop3A_546 : i32
        %parallel_loop3A_548 = arith.constant 49 : i32
        %parallel_loop3A_549 = arith.index_cast %parallel_loop3A_548 : i32 to index
        %parallel_loop3A_550 = arith.index_cast %parallel_loop3A_547 : i32 to index
        %parallel_loop3A_551 = tpu.vector_load %arg7[%parallel_loop3A_549, %parallel_loop3A_550] {strides = array<i32>} : memref<64x256xf32, #tpu.memory_space<vmem>>, vector<16xf32>,
        tpu.vector_store %arg7[%parallel_loop3A_549, %parallel_loop3A_550], %parallel_loop3A_545 {strides = array<i32>} : memref<64x256xf32, #tpu.memory_space<vmem>>, vector<16xf32>,
        %parallel_loop3A_552 = arith.constant 50 : i32
        %parallel_loop3A_553 = vector.broadcast %parallel_loop3A_552 : i32 to vector<16xi32>
        %parallel_loop3A_554 = tpu.vector_load_idx %arg5[%parallel_loop3A_553, %parallel_loop3A_101] : memref<64x1000xf32, #tpu.memory_space<vmem>>[vector<16xi32>, vector<16xi32>], vector<16xf32>,
        %parallel_loop3A_555 = arith.constant 16 : i32
        %parallel_loop3A_556 = arith.muli %parallel_loop3A_94, %parallel_loop3A_555 : i32
        %parallel_loop3A_557 = arith.constant 50 : i32
        %parallel_loop3A_558 = arith.index_cast %parallel_loop3A_557 : i32 to index
        %parallel_loop3A_559 = arith.index_cast %parallel_loop3A_556 : i32 to index
        %parallel_loop3A_560 = tpu.vector_load %arg7[%parallel_loop3A_558, %parallel_loop3A_559] {strides = array<i32>} : memref<64x256xf32, #tpu.memory_space<vmem>>, vector<16xf32>,
        tpu.vector_store %arg7[%parallel_loop3A_558, %parallel_loop3A_559], %parallel_loop3A_554 {strides = array<i32>} : memref<64x256xf32, #tpu.memory_space<vmem>>, vector<16xf32>,
        %parallel_loop3A_561 = arith.constant 51 : i32
        %parallel_loop3A_562 = vector.broadcast %parallel_loop3A_561 : i32 to vector<16xi32>
        %parallel_loop3A_563 = tpu.vector_load_idx %arg5[%parallel_loop3A_562, %parallel_loop3A_101] : memref<64x1000xf32, #tpu.memory_space<vmem>>[vector<16xi32>, vector<16xi32>], vector<16xf32>,
        %parallel_loop3A_564 = arith.constant 16 : i32
        %parallel_loop3A_565 = arith.muli %parallel_loop3A_94, %parallel_loop3A_564 : i32
        %parallel_loop3A_566 = arith.constant 51 : i32
        %parallel_loop3A_567 = arith.index_cast %parallel_loop3A_566 : i32 to index
        %parallel_loop3A_568 = arith.index_cast %parallel_loop3A_565 : i32 to index
        %parallel_loop3A_569 = tpu.vector_load %arg7[%parallel_loop3A_567, %parallel_loop3A_568] {strides = array<i32>} : memref<64x256xf32, #tpu.memory_space<vmem>>, vector<16xf32>,
        tpu.vector_store %arg7[%parallel_loop3A_567, %parallel_loop3A_568], %parallel_loop3A_563 {strides = array<i32>} : memref<64x256xf32, #tpu.memory_space<vmem>>, vector<16xf32>,
        %parallel_loop3A_570 = arith.constant 52 : i32
        %parallel_loop3A_571 = vector.broadcast %parallel_loop3A_570 : i32 to vector<16xi32>
        %parallel_loop3A_572 = tpu.vector_load_idx %arg5[%parallel_loop3A_571, %parallel_loop3A_101] : memref<64x1000xf32, #tpu.memory_space<vmem>>[vector<16xi32>, vector<16xi32>], vector<16xf32>,
        %parallel_loop3A_573 = arith.constant 16 : i32
        %parallel_loop3A_574 = arith.muli %parallel_loop3A_94, %parallel_loop3A_573 : i32
        %parallel_loop3A_575 = arith.constant 52 : i32
        %parallel_loop3A_576 = arith.index_cast %parallel_loop3A_575 : i32 to index
        %parallel_loop3A_577 = arith.index_cast %parallel_loop3A_574 : i32 to index
        %parallel_loop3A_578 = tpu.vector_load %arg7[%parallel_loop3A_576, %parallel_loop3A_577] {strides = array<i32>} : memref<64x256xf32, #tpu.memory_space<vmem>>, vector<16xf32>,
        tpu.vector_store %arg7[%parallel_loop3A_576, %parallel_loop3A_577], %parallel_loop3A_572 {strides = array<i32>} : memref<64x256xf32, #tpu.memory_space<vmem>>, vector<16xf32>,
        %parallel_loop3A_579 = arith.constant 53 : i32
        %parallel_loop3A_580 = vector.broadcast %parallel_loop3A_579 : i32 to vector<16xi32>
        %parallel_loop3A_581 = tpu.vector_load_idx %arg5[%parallel_loop3A_580, %parallel_loop3A_101] : memref<64x1000xf32, #tpu.memory_space<vmem>>[vector<16xi32>, vector<16xi32>], vector<16xf32>,
        %parallel_loop3A_582 = arith.constant 16 : i32
        %parallel_loop3A_583 = arith.muli %parallel_loop3A_94, %parallel_loop3A_582 : i32
        %parallel_loop3A_584 = arith.constant 53 : i32
        %parallel_loop3A_585 = arith.index_cast %parallel_loop3A_584 : i32 to index
        %parallel_loop3A_586 = arith.index_cast %parallel_loop3A_583 : i32 to index
        %parallel_loop3A_587 = tpu.vector_load %arg7[%parallel_loop3A_585, %parallel_loop3A_586] {strides = array<i32>} : memref<64x256xf32, #tpu.memory_space<vmem>>, vector<16xf32>,
        tpu.vector_store %arg7[%parallel_loop3A_585, %parallel_loop3A_586], %parallel_loop3A_581 {strides = array<i32>} : memref<64x256xf32, #tpu.memory_space<vmem>>, vector<16xf32>,
        %parallel_loop3A_588 = arith.constant 54 : i32
        %parallel_loop3A_589 = vector.broadcast %parallel_loop3A_588 : i32 to vector<16xi32>
        %parallel_loop3A_590 = tpu.vector_load_idx %arg5[%parallel_loop3A_589, %parallel_loop3A_101] : memref<64x1000xf32, #tpu.memory_space<vmem>>[vector<16xi32>, vector<16xi32>], vector<16xf32>,
        %parallel_loop3A_591 = arith.constant 16 : i32
        %parallel_loop3A_592 = arith.muli %parallel_loop3A_94, %parallel_loop3A_591 : i32
        %parallel_loop3A_593 = arith.constant 54 : i32
        %parallel_loop3A_594 = arith.index_cast %parallel_loop3A_593 : i32 to index
        %parallel_loop3A_595 = arith.index_cast %parallel_loop3A_592 : i32 to index
        %parallel_loop3A_596 = tpu.vector_load %arg7[%parallel_loop3A_594, %parallel_loop3A_595] {strides = array<i32>} : memref<64x256xf32, #tpu.memory_space<vmem>>, vector<16xf32>,
        tpu.vector_store %arg7[%parallel_loop3A_594, %parallel_loop3A_595], %parallel_loop3A_590 {strides = array<i32>} : memref<64x256xf32, #tpu.memory_space<vmem>>, vector<16xf32>,
        %parallel_loop3A_597 = arith.constant 55 : i32
        %parallel_loop3A_598 = vector.broadcast %parallel_loop3A_597 : i32 to vector<16xi32>
        %parallel_loop3A_599 = tpu.vector_load_idx %arg5[%parallel_loop3A_598, %parallel_loop3A_101] : memref<64x1000xf32, #tpu.memory_space<vmem>>[vector<16xi32>, vector<16xi32>], vector<16xf32>,
        %parallel_loop3A_600 = arith.constant 16 : i32
        %parallel_loop3A_601 = arith.muli %parallel_loop3A_94, %parallel_loop3A_600 : i32
        %parallel_loop3A_602 = arith.constant 55 : i32
        %parallel_loop3A_603 = arith.index_cast %parallel_loop3A_602 : i32 to index
        %parallel_loop3A_604 = arith.index_cast %parallel_loop3A_601 : i32 to index
        %parallel_loop3A_605 = tpu.vector_load %arg7[%parallel_loop3A_603, %parallel_loop3A_604] {strides = array<i32>} : memref<64x256xf32, #tpu.memory_space<vmem>>, vector<16xf32>,
        tpu.vector_store %arg7[%parallel_loop3A_603, %parallel_loop3A_604], %parallel_loop3A_599 {strides = array<i32>} : memref<64x256xf32, #tpu.memory_space<vmem>>, vector<16xf32>,
        %parallel_loop3A_606 = arith.constant 56 : i32
        %parallel_loop3A_607 = vector.broadcast %parallel_loop3A_606 : i32 to vector<16xi32>
        %parallel_loop3A_608 = tpu.vector_load_idx %arg5[%parallel_loop3A_607, %parallel_loop3A_101] : memref<64x1000xf32, #tpu.memory_space<vmem>>[vector<16xi32>, vector<16xi32>], vector<16xf32>,
        %parallel_loop3A_609 = arith.constant 16 : i32
        %parallel_loop3A_610 = arith.muli %parallel_loop3A_94, %parallel_loop3A_609 : i32
        %parallel_loop3A_611 = arith.constant 56 : i32
        %parallel_loop3A_612 = arith.index_cast %parallel_loop3A_611 : i32 to index
        %parallel_loop3A_613 = arith.index_cast %parallel_loop3A_610 : i32 to index
        %parallel_loop3A_614 = tpu.vector_load %arg7[%parallel_loop3A_612, %parallel_loop3A_613] {strides = array<i32>} : memref<64x256xf32, #tpu.memory_space<vmem>>, vector<16xf32>,
        tpu.vector_store %arg7[%parallel_loop3A_612, %parallel_loop3A_613], %parallel_loop3A_608 {strides = array<i32>} : memref<64x256xf32, #tpu.memory_space<vmem>>, vector<16xf32>,
        %parallel_loop3A_615 = arith.constant 57 : i32
        %parallel_loop3A_616 = vector.broadcast %parallel_loop3A_615 : i32 to vector<16xi32>
        %parallel_loop3A_617 = tpu.vector_load_idx %arg5[%parallel_loop3A_616, %parallel_loop3A_101] : memref<64x1000xf32, #tpu.memory_space<vmem>>[vector<16xi32>, vector<16xi32>], vector<16xf32>,
        %parallel_loop3A_618 = arith.constant 16 : i32
        %parallel_loop3A_619 = arith.muli %parallel_loop3A_94, %parallel_loop3A_618 : i32
        %parallel_loop3A_620 = arith.constant 57 : i32
        %parallel_loop3A_621 = arith.index_cast %parallel_loop3A_620 : i32 to index
        %parallel_loop3A_622 = arith.index_cast %parallel_loop3A_619 : i32 to index
        %parallel_loop3A_623 = tpu.vector_load %arg7[%parallel_loop3A_621, %parallel_loop3A_622] {strides = array<i32>} : memref<64x256xf32, #tpu.memory_space<vmem>>, vector<16xf32>,
        tpu.vector_store %arg7[%parallel_loop3A_621, %parallel_loop3A_622], %parallel_loop3A_617 {strides = array<i32>} : memref<64x256xf32, #tpu.memory_space<vmem>>, vector<16xf32>,
        %parallel_loop3A_624 = arith.constant 58 : i32
        %parallel_loop3A_625 = vector.broadcast %parallel_loop3A_624 : i32 to vector<16xi32>
        %parallel_loop3A_626 = tpu.vector_load_idx %arg5[%parallel_loop3A_625, %parallel_loop3A_101] : memref<64x1000xf32, #tpu.memory_space<vmem>>[vector<16xi32>, vector<16xi32>], vector<16xf32>,
        %parallel_loop3A_627 = arith.constant 16 : i32
        %parallel_loop3A_628 = arith.muli %parallel_loop3A_94, %parallel_loop3A_627 : i32
        %parallel_loop3A_629 = arith.constant 58 : i32
        %parallel_loop3A_630 = arith.index_cast %parallel_loop3A_629 : i32 to index
        %parallel_loop3A_631 = arith.index_cast %parallel_loop3A_628 : i32 to index
        %parallel_loop3A_632 = tpu.vector_load %arg7[%parallel_loop3A_630, %parallel_loop3A_631] {strides = array<i32>} : memref<64x256xf32, #tpu.memory_space<vmem>>, vector<16xf32>,
        tpu.vector_store %arg7[%parallel_loop3A_630, %parallel_loop3A_631], %parallel_loop3A_626 {strides = array<i32>} : memref<64x256xf32, #tpu.memory_space<vmem>>, vector<16xf32>,
        %parallel_loop3A_633 = arith.constant 59 : i32
        %parallel_loop3A_634 = vector.broadcast %parallel_loop3A_633 : i32 to vector<16xi32>
        %parallel_loop3A_635 = tpu.vector_load_idx %arg5[%parallel_loop3A_634, %parallel_loop3A_101] : memref<64x1000xf32, #tpu.memory_space<vmem>>[vector<16xi32>, vector<16xi32>], vector<16xf32>,
        %parallel_loop3A_636 = arith.constant 16 : i32
        %parallel_loop3A_637 = arith.muli %parallel_loop3A_94, %parallel_loop3A_636 : i32
        %parallel_loop3A_638 = arith.constant 59 : i32
        %parallel_loop3A_639 = arith.index_cast %parallel_loop3A_638 : i32 to index
        %parallel_loop3A_640 = arith.index_cast %parallel_loop3A_637 : i32 to index
        %parallel_loop3A_641 = tpu.vector_load %arg7[%parallel_loop3A_639, %parallel_loop3A_640] {strides = array<i32>} : memref<64x256xf32, #tpu.memory_space<vmem>>, vector<16xf32>,
        tpu.vector_store %arg7[%parallel_loop3A_639, %parallel_loop3A_640], %parallel_loop3A_635 {strides = array<i32>} : memref<64x256xf32, #tpu.memory_space<vmem>>, vector<16xf32>,
        %parallel_loop3A_642 = arith.constant 60 : i32
        %parallel_loop3A_643 = vector.broadcast %parallel_loop3A_642 : i32 to vector<16xi32>
        %parallel_loop3A_644 = tpu.vector_load_idx %arg5[%parallel_loop3A_643, %parallel_loop3A_101] : memref<64x1000xf32, #tpu.memory_space<vmem>>[vector<16xi32>, vector<16xi32>], vector<16xf32>,
        %parallel_loop3A_645 = arith.constant 16 : i32
        %parallel_loop3A_646 = arith.muli %parallel_loop3A_94, %parallel_loop3A_645 : i32
        %parallel_loop3A_647 = arith.constant 60 : i32
        %parallel_loop3A_648 = arith.index_cast %parallel_loop3A_647 : i32 to index
        %parallel_loop3A_649 = arith.index_cast %parallel_loop3A_646 : i32 to index
        %parallel_loop3A_650 = tpu.vector_load %arg7[%parallel_loop3A_648, %parallel_loop3A_649] {strides = array<i32>} : memref<64x256xf32, #tpu.memory_space<vmem>>, vector<16xf32>,
        tpu.vector_store %arg7[%parallel_loop3A_648, %parallel_loop3A_649], %parallel_loop3A_644 {strides = array<i32>} : memref<64x256xf32, #tpu.memory_space<vmem>>, vector<16xf32>,
        %parallel_loop3A_651 = arith.constant 61 : i32
        %parallel_loop3A_652 = vector.broadcast %parallel_loop3A_651 : i32 to vector<16xi32>
        %parallel_loop3A_653 = tpu.vector_load_idx %arg5[%parallel_loop3A_652, %parallel_loop3A_101] : memref<64x1000xf32, #tpu.memory_space<vmem>>[vector<16xi32>, vector<16xi32>], vector<16xf32>,
        %parallel_loop3A_654 = arith.constant 16 : i32
        %parallel_loop3A_655 = arith.muli %parallel_loop3A_94, %parallel_loop3A_654 : i32
        %parallel_loop3A_656 = arith.constant 61 : i32
        %parallel_loop3A_657 = arith.index_cast %parallel_loop3A_656 : i32 to index
        %parallel_loop3A_658 = arith.index_cast %parallel_loop3A_655 : i32 to index
        %parallel_loop3A_659 = tpu.vector_load %arg7[%parallel_loop3A_657, %parallel_loop3A_658] {strides = array<i32>} : memref<64x256xf32, #tpu.memory_space<vmem>>, vector<16xf32>,
        tpu.vector_store %arg7[%parallel_loop3A_657, %parallel_loop3A_658], %parallel_loop3A_653 {strides = array<i32>} : memref<64x256xf32, #tpu.memory_space<vmem>>, vector<16xf32>,
        %parallel_loop3A_660 = arith.constant 62 : i32
        %parallel_loop3A_661 = vector.broadcast %parallel_loop3A_660 : i32 to vector<16xi32>
        %parallel_loop3A_662 = tpu.vector_load_idx %arg5[%parallel_loop3A_661, %parallel_loop3A_101] : memref<64x1000xf32, #tpu.memory_space<vmem>>[vector<16xi32>, vector<16xi32>], vector<16xf32>,
        %parallel_loop3A_663 = arith.constant 16 : i32
        %parallel_loop3A_664 = arith.muli %parallel_loop3A_94, %parallel_loop3A_663 : i32
        %parallel_loop3A_665 = arith.constant 62 : i32
        %parallel_loop3A_666 = arith.index_cast %parallel_loop3A_665 : i32 to index
        %parallel_loop3A_667 = arith.index_cast %parallel_loop3A_664 : i32 to index
        %parallel_loop3A_668 = tpu.vector_load %arg7[%parallel_loop3A_666, %parallel_loop3A_667] {strides = array<i32>} : memref<64x256xf32, #tpu.memory_space<vmem>>, vector<16xf32>,
        tpu.vector_store %arg7[%parallel_loop3A_666, %parallel_loop3A_667], %parallel_loop3A_662 {strides = array<i32>} : memref<64x256xf32, #tpu.memory_space<vmem>>, vector<16xf32>,
        %parallel_loop3A_669 = arith.constant 63 : i32
        %parallel_loop3A_670 = vector.broadcast %parallel_loop3A_669 : i32 to vector<16xi32>
        %parallel_loop3A_671 = tpu.vector_load_idx %arg5[%parallel_loop3A_670, %parallel_loop3A_101] : memref<64x1000xf32, #tpu.memory_space<vmem>>[vector<16xi32>, vector<16xi32>], vector<16xf32>,
        %parallel_loop3A_672 = arith.constant 16 : i32
        %parallel_loop3A_673 = arith.muli %parallel_loop3A_94, %parallel_loop3A_672 : i32
        %parallel_loop3A_674 = arith.constant 63 : i32
        %parallel_loop3A_675 = arith.index_cast %parallel_loop3A_674 : i32 to index
        %parallel_loop3A_676 = arith.index_cast %parallel_loop3A_673 : i32 to index
        %parallel_loop3A_677 = tpu.vector_load %arg7[%parallel_loop3A_675, %parallel_loop3A_676] {strides = array<i32>} : memref<64x256xf32, #tpu.memory_space<vmem>>, vector<16xf32>,
        tpu.vector_store %arg7[%parallel_loop3A_675, %parallel_loop3A_676], %parallel_loop3A_671 {strides = array<i32>} : memref<64x256xf32, #tpu.memory_space<vmem>>, vector<16xf32>,
      } {sc.loop_unroll_factor = 4 : i64, sc.parallel_access}
      %add3A_69 = arith.constant 0 : i32
      %add3A_70 = arith.addi %mul3A_2, %add3A_69 : i32
      %dma_start3A_71 = arith.constant 0 : i32
      %dma_start3A_72 = tpu.memref_slice %arg4[%scan3A_37, %dma_start3A_71, %add3A_70] : memref<200x64x16384xf32, #tpu.memory_space<hbm>> -> memref<1x64x256xf32, #tpu.memory_space<hbm>>
      %dma_start3A_73 = tpu.memref_squeeze %dma_start3A_72 : memref<1x64x256xf32, #tpu.memory_space<hbm>> -> memref<64x256xf32, #tpu.memory_space<hbm>>
      %dma_start3A_74 = arith.constant 0 : i32
      %dma_start3A_75 = tpu.memref_slice %arg4[%scan3A_37, %dma_start3A_74, %add3A_70] : memref<200x64x16384xf32, #tpu.memory_space<hbm>> -> memref<1x64x256xf32, #tpu.memory_space<hbm>>
      %dma_start3A_76 = tpu.memref_squeeze %dma_start3A_75 : memref<1x64x256xf32, #tpu.memory_space<hbm>> -> memref<64x256xf32, #tpu.memory_space<hbm>>
      tpu.enqueue_dma source(%arg7 : memref<64x256xf32, #tpu.memory_space<vmem>>) target(%dma_start3A_76 : memref<64x256xf32, #tpu.memory_space<hbm>>) target_semaphore(%arg10 : memref<!tpu.dma_semaphore, #tpu.memory_space<semaphore_mem>>)
      %gt3A_77 = arith.constant 0 : i32
      %gt3A_78 = arith.cmpi sgt, %scan3A_37, %gt3A_77 : i32
      %convert_element_type3A_79 = arith.extui %gt3A_78 : i1 to i32
      %cond3A_80 = arith.constant 0 : i32
      %cond3A_81 = arith.cmpi ne, %convert_element_type3A_79, %cond3A_80 : i32
      scf.if %cond3A_81 {
        %dma_wait3A_94 = arith.constant 0 : i32
        %dma_wait3A_95 = arith.constant 0 : i32
        %dma_wait3A_96 = arith.constant 0 : i32
        %dma_wait3A_97 = tpu.memref_slice %arg4[%dma_wait3A_94, %dma_wait3A_95, %dma_wait3A_96] : memref<200x64x16384xf32, #tpu.memory_space<hbm>> -> memref<1x64x256xf32, #tpu.memory_space<hbm>>
        %dma_wait3A_98 = tpu.memref_squeeze %dma_wait3A_97 : memref<1x64x256xf32, #tpu.memory_space<hbm>> -> memref<64x256xf32, #tpu.memory_space<hbm>>
        %dma_wait3A_99 = arith.constant 0 : i32
        %dma_wait3A_100 = arith.constant 0 : i32
        %dma_wait3A_101 = tpu.memref_slice %arg4[%dma_wait3A_94, %dma_wait3A_99, %dma_wait3A_100] : memref<200x64x16384xf32, #tpu.memory_space<hbm>> -> memref<1x64x256xf32, #tpu.memory_space<hbm>>
        %dma_wait3A_102 = tpu.memref_squeeze %dma_wait3A_101 : memref<1x64x256xf32, #tpu.memory_space<hbm>> -> memref<64x256xf32, #tpu.memory_space<hbm>>
        tpu.wait_dma2 semaphore(%arg11 : memref<!tpu.dma_semaphore, #tpu.memory_space<semaphore_mem>>) src(%arg8 : memref<64x256xf32, #tpu.memory_space<vmem>>) dst(%dma_wait3A_102 : memref<64x256xf32, #tpu.memory_space<hbm>>)
      } else {
      }
      %parallel_loop3A_82 = arith.constant 0 : i32
      %parallel_loop3A_83 = arith.constant 16 : i32
      %parallel_loop3A_84 = arith.constant 1 : i32
      scf.for %parallel_loop3A_94 = %parallel_loop3A_82 to %parallel_loop3A_83 step %parallel_loop3A_84  : i32 {
        %parallel_loop3A_95 = arith.constant 16 : i32
        %parallel_loop3A_96 = arith.muli %parallel_loop3A_94, %parallel_loop3A_95 : i32
        %parallel_loop3A_97 = arith.constant 256 : i32
        %parallel_loop3A_98 = arith.addi %parallel_loop3A_97, %parallel_loop3A_96 : i32
        %parallel_loop3A_99 = arith.index_cast %select_n3A_47 : i32 to index
        %parallel_loop3A_100 = arith.index_cast %parallel_loop3A_98 : i32 to index
        %parallel_loop3A_101 = tpu.vector_load %arg6[%parallel_loop3A_99, %parallel_loop3A_100] {strides = array<i32>} : memref<2x512xi32, #tpu.memory_space<vmem>>, vector<16xi32>,
        %parallel_loop3A_102 = arith.constant 0 : i32
        %parallel_loop3A_103 = vector.broadcast %parallel_loop3A_102 : i32 to vector<16xi32>
        %parallel_loop3A_104 = tpu.vector_load_idx %arg5[%parallel_loop3A_103, %parallel_loop3A_101] : memref<64x1000xf32, #tpu.memory_space<vmem>>[vector<16xi32>, vector<16xi32>], vector<16xf32>,
        %parallel_loop3A_105 = arith.constant 16 : i32
        %parallel_loop3A_106 = arith.muli %parallel_loop3A_94, %parallel_loop3A_105 : i32
        %parallel_loop3A_107 = arith.constant 0 : i32
        %parallel_loop3A_108 = arith.index_cast %parallel_loop3A_107 : i32 to index
        %parallel_loop3A_109 = arith.index_cast %parallel_loop3A_106 : i32 to index
        %parallel_loop3A_110 = tpu.vector_load %arg8[%parallel_loop3A_108, %parallel_loop3A_109] {strides = array<i32>} : memref<64x256xf32, #tpu.memory_space<vmem>>, vector<16xf32>,
        tpu.vector_store %arg8[%parallel_loop3A_108, %parallel_loop3A_109], %parallel_loop3A_104 {strides = array<i32>} : memref<64x256xf32, #tpu.memory_space<vmem>>, vector<16xf32>,
        %parallel_loop3A_111 = arith.constant 1 : i32
        %parallel_loop3A_112 = vector.broadcast %parallel_loop3A_111 : i32 to vector<16xi32>
        %parallel_loop3A_113 = tpu.vector_load_idx %arg5[%parallel_loop3A_112, %parallel_loop3A_101] : memref<64x1000xf32, #tpu.memory_space<vmem>>[vector<16xi32>, vector<16xi32>], vector<16xf32>,
        %parallel_loop3A_114 = arith.constant 16 : i32
        %parallel_loop3A_115 = arith.muli %parallel_loop3A_94, %parallel_loop3A_114 : i32
        %parallel_loop3A_116 = arith.constant 1 : i32
        %parallel_loop3A_117 = arith.index_cast %parallel_loop3A_116 : i32 to index
        %parallel_loop3A_118 = arith.index_cast %parallel_loop3A_115 : i32 to index
        %parallel_loop3A_119 = tpu.vector_load %arg8[%parallel_loop3A_117, %parallel_loop3A_118] {strides = array<i32>} : memref<64x256xf32, #tpu.memory_space<vmem>>, vector<16xf32>,
        tpu.vector_store %arg8[%parallel_loop3A_117, %parallel_loop3A_118], %parallel_loop3A_113 {strides = array<i32>} : memref<64x256xf32, #tpu.memory_space<vmem>>, vector<16xf32>,
        %parallel_loop3A_120 = arith.constant 2 : i32
        %parallel_loop3A_121 = vector.broadcast %parallel_loop3A_120 : i32 to vector<16xi32>
        %parallel_loop3A_122 = tpu.vector_load_idx %arg5[%parallel_loop3A_121, %parallel_loop3A_101] : memref<64x1000xf32, #tpu.memory_space<vmem>>[vector<16xi32>, vector<16xi32>], vector<16xf32>,
        %parallel_loop3A_123 = arith.constant 16 : i32
        %parallel_loop3A_124 = arith.muli %parallel_loop3A_94, %parallel_loop3A_123 : i32
        %parallel_loop3A_125 = arith.constant 2 : i32
        %parallel_loop3A_126 = arith.index_cast %parallel_loop3A_125 : i32 to index
        %parallel_loop3A_127 = arith.index_cast %parallel_loop3A_124 : i32 to index
        %parallel_loop3A_128 = tpu.vector_load %arg8[%parallel_loop3A_126, %parallel_loop3A_127] {strides = array<i32>} : memref<64x256xf32, #tpu.memory_space<vmem>>, vector<16xf32>,
        tpu.vector_store %arg8[%parallel_loop3A_126, %parallel_loop3A_127], %parallel_loop3A_122 {strides = array<i32>} : memref<64x256xf32, #tpu.memory_space<vmem>>, vector<16xf32>,
        %parallel_loop3A_129 = arith.constant 3 : i32
        %parallel_loop3A_130 = vector.broadcast %parallel_loop3A_129 : i32 to vector<16xi32>
        %parallel_loop3A_131 = tpu.vector_load_idx %arg5[%parallel_loop3A_130, %parallel_loop3A_101] : memref<64x1000xf32, #tpu.memory_space<vmem>>[vector<16xi32>, vector<16xi32>], vector<16xf32>,
        %parallel_loop3A_132 = arith.constant 16 : i32
        %parallel_loop3A_133 = arith.muli %parallel_loop3A_94, %parallel_loop3A_132 : i32
        %parallel_loop3A_134 = arith.constant 3 : i32
        %parallel_loop3A_135 = arith.index_cast %parallel_loop3A_134 : i32 to index
        %parallel_loop3A_136 = arith.index_cast %parallel_loop3A_133 : i32 to index
        %parallel_loop3A_137 = tpu.vector_load %arg8[%parallel_loop3A_135, %parallel_loop3A_136] {strides = array<i32>} : memref<64x256xf32, #tpu.memory_space<vmem>>, vector<16xf32>,
        tpu.vector_store %arg8[%parallel_loop3A_135, %parallel_loop3A_136], %parallel_loop3A_131 {strides = array<i32>} : memref<64x256xf32, #tpu.memory_space<vmem>>, vector<16xf32>,
        %parallel_loop3A_138 = arith.constant 4 : i32
        %parallel_loop3A_139 = vector.broadcast %parallel_loop3A_138 : i32 to vector<16xi32>
        %parallel_loop3A_140 = tpu.vector_load_idx %arg5[%parallel_loop3A_139, %parallel_loop3A_101] : memref<64x1000xf32, #tpu.memory_space<vmem>>[vector<16xi32>, vector<16xi32>], vector<16xf32>,
        %parallel_loop3A_141 = arith.constant 16 : i32
        %parallel_loop3A_142 = arith.muli %parallel_loop3A_94, %parallel_loop3A_141 : i32
        %parallel_loop3A_143 = arith.constant 4 : i32
        %parallel_loop3A_144 = arith.index_cast %parallel_loop3A_143 : i32 to index
        %parallel_loop3A_145 = arith.index_cast %parallel_loop3A_142 : i32 to index
        %parallel_loop3A_146 = tpu.vector_load %arg8[%parallel_loop3A_144, %parallel_loop3A_145] {strides = array<i32>} : memref<64x256xf32, #tpu.memory_space<vmem>>, vector<16xf32>,
        tpu.vector_store %arg8[%parallel_loop3A_144, %parallel_loop3A_145], %parallel_loop3A_140 {strides = array<i32>} : memref<64x256xf32, #tpu.memory_space<vmem>>, vector<16xf32>,
        %parallel_loop3A_147 = arith.constant 5 : i32
        %parallel_loop3A_148 = vector.broadcast %parallel_loop3A_147 : i32 to vector<16xi32>
        %parallel_loop3A_149 = tpu.vector_load_idx %arg5[%parallel_loop3A_148, %parallel_loop3A_101] : memref<64x1000xf32, #tpu.memory_space<vmem>>[vector<16xi32>, vector<16xi32>], vector<16xf32>,
        %parallel_loop3A_150 = arith.constant 16 : i32
        %parallel_loop3A_151 = arith.muli %parallel_loop3A_94, %parallel_loop3A_150 : i32
        %parallel_loop3A_152 = arith.constant 5 : i32
        %parallel_loop3A_153 = arith.index_cast %parallel_loop3A_152 : i32 to index
        %parallel_loop3A_154 = arith.index_cast %parallel_loop3A_151 : i32 to index
        %parallel_loop3A_155 = tpu.vector_load %arg8[%parallel_loop3A_153, %parallel_loop3A_154] {strides = array<i32>} : memref<64x256xf32, #tpu.memory_space<vmem>>, vector<16xf32>,
        tpu.vector_store %arg8[%parallel_loop3A_153, %parallel_loop3A_154], %parallel_loop3A_149 {strides = array<i32>} : memref<64x256xf32, #tpu.memory_space<vmem>>, vector<16xf32>,
        %parallel_loop3A_156 = arith.constant 6 : i32
        %parallel_loop3A_157 = vector.broadcast %parallel_loop3A_156 : i32 to vector<16xi32>
        %parallel_loop3A_158 = tpu.vector_load_idx %arg5[%parallel_loop3A_157, %parallel_loop3A_101] : memref<64x1000xf32, #tpu.memory_space<vmem>>[vector<16xi32>, vector<16xi32>], vector<16xf32>,
        %parallel_loop3A_159 = arith.constant 16 : i32
        %parallel_loop3A_160 = arith.muli %parallel_loop3A_94, %parallel_loop3A_159 : i32
        %parallel_loop3A_161 = arith.constant 6 : i32
        %parallel_loop3A_162 = arith.index_cast %parallel_loop3A_161 : i32 to index
        %parallel_loop3A_163 = arith.index_cast %parallel_loop3A_160 : i32 to index
        %parallel_loop3A_164 = tpu.vector_load %arg8[%parallel_loop3A_162, %parallel_loop3A_163] {strides = array<i32>} : memref<64x256xf32, #tpu.memory_space<vmem>>, vector<16xf32>,
        tpu.vector_store %arg8[%parallel_loop3A_162, %parallel_loop3A_163], %parallel_loop3A_158 {strides = array<i32>} : memref<64x256xf32, #tpu.memory_space<vmem>>, vector<16xf32>,
        %parallel_loop3A_165 = arith.constant 7 : i32
        %parallel_loop3A_166 = vector.broadcast %parallel_loop3A_165 : i32 to vector<16xi32>
        %parallel_loop3A_167 = tpu.vector_load_idx %arg5[%parallel_loop3A_166, %parallel_loop3A_101] : memref<64x1000xf32, #tpu.memory_space<vmem>>[vector<16xi32>, vector<16xi32>], vector<16xf32>,
        %parallel_loop3A_168 = arith.constant 16 : i32
        %parallel_loop3A_169 = arith.muli %parallel_loop3A_94, %parallel_loop3A_168 : i32
        %parallel_loop3A_170 = arith.constant 7 : i32
        %parallel_loop3A_171 = arith.index_cast %parallel_loop3A_170 : i32 to index
        %parallel_loop3A_172 = arith.index_cast %parallel_loop3A_169 : i32 to index
        %parallel_loop3A_173 = tpu.vector_load %arg8[%parallel_loop3A_171, %parallel_loop3A_172] {strides = array<i32>} : memref<64x256xf32, #tpu.memory_space<vmem>>, vector<16xf32>,
        tpu.vector_store %arg8[%parallel_loop3A_171, %parallel_loop3A_172], %parallel_loop3A_167 {strides = array<i32>} : memref<64x256xf32, #tpu.memory_space<vmem>>, vector<16xf32>,
        %parallel_loop3A_174 = arith.constant 8 : i32
        %parallel_loop3A_175 = vector.broadcast %parallel_loop3A_174 : i32 to vector<16xi32>
        %parallel_loop3A_176 = tpu.vector_load_idx %arg5[%parallel_loop3A_175, %parallel_loop3A_101] : memref<64x1000xf32, #tpu.memory_space<vmem>>[vector<16xi32>, vector<16xi32>], vector<16xf32>,
        %parallel_loop3A_177 = arith.constant 16 : i32
        %parallel_loop3A_178 = arith.muli %parallel_loop3A_94, %parallel_loop3A_177 : i32
        %parallel_loop3A_179 = arith.constant 8 : i32
        %parallel_loop3A_180 = arith.index_cast %parallel_loop3A_179 : i32 to index
        %parallel_loop3A_181 = arith.index_cast %parallel_loop3A_178 : i32 to index
        %parallel_loop3A_182 = tpu.vector_load %arg8[%parallel_loop3A_180, %parallel_loop3A_181] {strides = array<i32>} : memref<64x256xf32, #tpu.memory_space<vmem>>, vector<16xf32>,
        tpu.vector_store %arg8[%parallel_loop3A_180, %parallel_loop3A_181], %parallel_loop3A_176 {strides = array<i32>} : memref<64x256xf32, #tpu.memory_space<vmem>>, vector<16xf32>,
        %parallel_loop3A_183 = arith.constant 9 : i32
        %parallel_loop3A_184 = vector.broadcast %parallel_loop3A_183 : i32 to vector<16xi32>
        %parallel_loop3A_185 = tpu.vector_load_idx %arg5[%parallel_loop3A_184, %parallel_loop3A_101] : memref<64x1000xf32, #tpu.memory_space<vmem>>[vector<16xi32>, vector<16xi32>], vector<16xf32>,
        %parallel_loop3A_186 = arith.constant 16 : i32
        %parallel_loop3A_187 = arith.muli %parallel_loop3A_94, %parallel_loop3A_186 : i32
        %parallel_loop3A_188 = arith.constant 9 : i32
        %parallel_loop3A_189 = arith.index_cast %parallel_loop3A_188 : i32 to index
        %parallel_loop3A_190 = arith.index_cast %parallel_loop3A_187 : i32 to index
        %parallel_loop3A_191 = tpu.vector_load %arg8[%parallel_loop3A_189, %parallel_loop3A_190] {strides = array<i32>} : memref<64x256xf32, #tpu.memory_space<vmem>>, vector<16xf32>,
        tpu.vector_store %arg8[%parallel_loop3A_189, %parallel_loop3A_190], %parallel_loop3A_185 {strides = array<i32>} : memref<64x256xf32, #tpu.memory_space<vmem>>, vector<16xf32>,
        %parallel_loop3A_192 = arith.constant 10 : i32
        %parallel_loop3A_193 = vector.broadcast %parallel_loop3A_192 : i32 to vector<16xi32>
        %parallel_loop3A_194 = tpu.vector_load_idx %arg5[%parallel_loop3A_193, %parallel_loop3A_101] : memref<64x1000xf32, #tpu.memory_space<vmem>>[vector<16xi32>, vector<16xi32>], vector<16xf32>,
        %parallel_loop3A_195 = arith.constant 16 : i32
        %parallel_loop3A_196 = arith.muli %parallel_loop3A_94, %parallel_loop3A_195 : i32
        %parallel_loop3A_197 = arith.constant 10 : i32
        %parallel_loop3A_198 = arith.index_cast %parallel_loop3A_197 : i32 to index
        %parallel_loop3A_199 = arith.index_cast %parallel_loop3A_196 : i32 to index
        %parallel_loop3A_200 = tpu.vector_load %arg8[%parallel_loop3A_198, %parallel_loop3A_199] {strides = array<i32>} : memref<64x256xf32, #tpu.memory_space<vmem>>, vector<16xf32>,
        tpu.vector_store %arg8[%parallel_loop3A_198, %parallel_loop3A_199], %parallel_loop3A_194 {strides = array<i32>} : memref<64x256xf32, #tpu.memory_space<vmem>>, vector<16xf32>,
        %parallel_loop3A_201 = arith.constant 11 : i32
        %parallel_loop3A_202 = vector.broadcast %parallel_loop3A_201 : i32 to vector<16xi32>
        %parallel_loop3A_203 = tpu.vector_load_idx %arg5[%parallel_loop3A_202, %parallel_loop3A_101] : memref<64x1000xf32, #tpu.memory_space<vmem>>[vector<16xi32>, vector<16xi32>], vector<16xf32>,
        %parallel_loop3A_204 = arith.constant 16 : i32
        %parallel_loop3A_205 = arith.muli %parallel_loop3A_94, %parallel_loop3A_204 : i32
        %parallel_loop3A_206 = arith.constant 11 : i32
        %parallel_loop3A_207 = arith.index_cast %parallel_loop3A_206 : i32 to index
        %parallel_loop3A_208 = arith.index_cast %parallel_loop3A_205 : i32 to index
        %parallel_loop3A_209 = tpu.vector_load %arg8[%parallel_loop3A_207, %parallel_loop3A_208] {strides = array<i32>} : memref<64x256xf32, #tpu.memory_space<vmem>>, vector<16xf32>,
        tpu.vector_store %arg8[%parallel_loop3A_207, %parallel_loop3A_208], %parallel_loop3A_203 {strides = array<i32>} : memref<64x256xf32, #tpu.memory_space<vmem>>, vector<16xf32>,
        %parallel_loop3A_210 = arith.constant 12 : i32
        %parallel_loop3A_211 = vector.broadcast %parallel_loop3A_210 : i32 to vector<16xi32>
        %parallel_loop3A_212 = tpu.vector_load_idx %arg5[%parallel_loop3A_211, %parallel_loop3A_101] : memref<64x1000xf32, #tpu.memory_space<vmem>>[vector<16xi32>, vector<16xi32>], vector<16xf32>,
        %parallel_loop3A_213 = arith.constant 16 : i32
        %parallel_loop3A_214 = arith.muli %parallel_loop3A_94, %parallel_loop3A_213 : i32
        %parallel_loop3A_215 = arith.constant 12 : i32
        %parallel_loop3A_216 = arith.index_cast %parallel_loop3A_215 : i32 to index
        %parallel_loop3A_217 = arith.index_cast %parallel_loop3A_214 : i32 to index
        %parallel_loop3A_218 = tpu.vector_load %arg8[%parallel_loop3A_216, %parallel_loop3A_217] {strides = array<i32>} : memref<64x256xf32, #tpu.memory_space<vmem>>, vector<16xf32>,
        tpu.vector_store %arg8[%parallel_loop3A_216, %parallel_loop3A_217], %parallel_loop3A_212 {strides = array<i32>} : memref<64x256xf32, #tpu.memory_space<vmem>>, vector<16xf32>,
        %parallel_loop3A_219 = arith.constant 13 : i32
        %parallel_loop3A_220 = vector.broadcast %parallel_loop3A_219 : i32 to vector<16xi32>
        %parallel_loop3A_221 = tpu.vector_load_idx %arg5[%parallel_loop3A_220, %parallel_loop3A_101] : memref<64x1000xf32, #tpu.memory_space<vmem>>[vector<16xi32>, vector<16xi32>], vector<16xf32>,
        %parallel_loop3A_222 = arith.constant 16 : i32
        %parallel_loop3A_223 = arith.muli %parallel_loop3A_94, %parallel_loop3A_222 : i32
        %parallel_loop3A_224 = arith.constant 13 : i32
        %parallel_loop3A_225 = arith.index_cast %parallel_loop3A_224 : i32 to index
        %parallel_loop3A_226 = arith.index_cast %parallel_loop3A_223 : i32 to index
        %parallel_loop3A_227 = tpu.vector_load %arg8[%parallel_loop3A_225, %parallel_loop3A_226] {strides = array<i32>} : memref<64x256xf32, #tpu.memory_space<vmem>>, vector<16xf32>,
        tpu.vector_store %arg8[%parallel_loop3A_225, %parallel_loop3A_226], %parallel_loop3A_221 {strides = array<i32>} : memref<64x256xf32, #tpu.memory_space<vmem>>, vector<16xf32>,
        %parallel_loop3A_228 = arith.constant 14 : i32
        %parallel_loop3A_229 = vector.broadcast %parallel_loop3A_228 : i32 to vector<16xi32>
        %parallel_loop3A_230 = tpu.vector_load_idx %arg5[%parallel_loop3A_229, %parallel_loop3A_101] : memref<64x1000xf32, #tpu.memory_space<vmem>>[vector<16xi32>, vector<16xi32>], vector<16xf32>,
        %parallel_loop3A_231 = arith.constant 16 : i32
        %parallel_loop3A_232 = arith.muli %parallel_loop3A_94, %parallel_loop3A_231 : i32
        %parallel_loop3A_233 = arith.constant 14 : i32
        %parallel_loop3A_234 = arith.index_cast %parallel_loop3A_233 : i32 to index
        %parallel_loop3A_235 = arith.index_cast %parallel_loop3A_232 : i32 to index
        %parallel_loop3A_236 = tpu.vector_load %arg8[%parallel_loop3A_234, %parallel_loop3A_235] {strides = array<i32>} : memref<64x256xf32, #tpu.memory_space<vmem>>, vector<16xf32>,
        tpu.vector_store %arg8[%parallel_loop3A_234, %parallel_loop3A_235], %parallel_loop3A_230 {strides = array<i32>} : memref<64x256xf32, #tpu.memory_space<vmem>>, vector<16xf32>,
        %parallel_loop3A_237 = arith.constant 15 : i32
        %parallel_loop3A_238 = vector.broadcast %parallel_loop3A_237 : i32 to vector<16xi32>
        %parallel_loop3A_239 = tpu.vector_load_idx %arg5[%parallel_loop3A_238, %parallel_loop3A_101] : memref<64x1000xf32, #tpu.memory_space<vmem>>[vector<16xi32>, vector<16xi32>], vector<16xf32>,
        %parallel_loop3A_240 = arith.constant 16 : i32
        %parallel_loop3A_241 = arith.muli %parallel_loop3A_94, %parallel_loop3A_240 : i32
        %parallel_loop3A_242 = arith.constant 15 : i32
        %parallel_loop3A_243 = arith.index_cast %parallel_loop3A_242 : i32 to index
        %parallel_loop3A_244 = arith.index_cast %parallel_loop3A_241 : i32 to index
        %parallel_loop3A_245 = tpu.vector_load %arg8[%parallel_loop3A_243, %parallel_loop3A_244] {strides = array<i32>} : memref<64x256xf32, #tpu.memory_space<vmem>>, vector<16xf32>,
        tpu.vector_store %arg8[%parallel_loop3A_243, %parallel_loop3A_244], %parallel_loop3A_239 {strides = array<i32>} : memref<64x256xf32, #tpu.memory_space<vmem>>, vector<16xf32>,
        %parallel_loop3A_246 = arith.constant 16 : i32
        %parallel_loop3A_247 = vector.broadcast %parallel_loop3A_246 : i32 to vector<16xi32>
        %parallel_loop3A_248 = tpu.vector_load_idx %arg5[%parallel_loop3A_247, %parallel_loop3A_101] : memref<64x1000xf32, #tpu.memory_space<vmem>>[vector<16xi32>, vector<16xi32>], vector<16xf32>,
        %parallel_loop3A_249 = arith.constant 16 : i32
        %parallel_loop3A_250 = arith.muli %parallel_loop3A_94, %parallel_loop3A_249 : i32
        %parallel_loop3A_251 = arith.constant 16 : i32
        %parallel_loop3A_252 = arith.index_cast %parallel_loop3A_251 : i32 to index
        %parallel_loop3A_253 = arith.index_cast %parallel_loop3A_250 : i32 to index
        %parallel_loop3A_254 = tpu.vector_load %arg8[%parallel_loop3A_252, %parallel_loop3A_253] {strides = array<i32>} : memref<64x256xf32, #tpu.memory_space<vmem>>, vector<16xf32>,
        tpu.vector_store %arg8[%parallel_loop3A_252, %parallel_loop3A_253], %parallel_loop3A_248 {strides = array<i32>} : memref<64x256xf32, #tpu.memory_space<vmem>>, vector<16xf32>,
        %parallel_loop3A_255 = arith.constant 17 : i32
        %parallel_loop3A_256 = vector.broadcast %parallel_loop3A_255 : i32 to vector<16xi32>
        %parallel_loop3A_257 = tpu.vector_load_idx %arg5[%parallel_loop3A_256, %parallel_loop3A_101] : memref<64x1000xf32, #tpu.memory_space<vmem>>[vector<16xi32>, vector<16xi32>], vector<16xf32>,
        %parallel_loop3A_258 = arith.constant 16 : i32
        %parallel_loop3A_259 = arith.muli %parallel_loop3A_94, %parallel_loop3A_258 : i32
        %parallel_loop3A_260 = arith.constant 17 : i32
        %parallel_loop3A_261 = arith.index_cast %parallel_loop3A_260 : i32 to index
        %parallel_loop3A_262 = arith.index_cast %parallel_loop3A_259 : i32 to index
        %parallel_loop3A_263 = tpu.vector_load %arg8[%parallel_loop3A_261, %parallel_loop3A_262] {strides = array<i32>} : memref<64x256xf32, #tpu.memory_space<vmem>>, vector<16xf32>,
        tpu.vector_store %arg8[%parallel_loop3A_261, %parallel_loop3A_262], %parallel_loop3A_257 {strides = array<i32>} : memref<64x256xf32, #tpu.memory_space<vmem>>, vector<16xf32>,
        %parallel_loop3A_264 = arith.constant 18 : i32
        %parallel_loop3A_265 = vector.broadcast %parallel_loop3A_264 : i32 to vector<16xi32>
        %parallel_loop3A_266 = tpu.vector_load_idx %arg5[%parallel_loop3A_265, %parallel_loop3A_101] : memref<64x1000xf32, #tpu.memory_space<vmem>>[vector<16xi32>, vector<16xi32>], vector<16xf32>,
        %parallel_loop3A_267 = arith.constant 16 : i32
        %parallel_loop3A_268 = arith.muli %parallel_loop3A_94, %parallel_loop3A_267 : i32
        %parallel_loop3A_269 = arith.constant 18 : i32
        %parallel_loop3A_270 = arith.index_cast %parallel_loop3A_269 : i32 to index
        %parallel_loop3A_271 = arith.index_cast %parallel_loop3A_268 : i32 to index
        %parallel_loop3A_272 = tpu.vector_load %arg8[%parallel_loop3A_270, %parallel_loop3A_271] {strides = array<i32>} : memref<64x256xf32, #tpu.memory_space<vmem>>, vector<16xf32>,
        tpu.vector_store %arg8[%parallel_loop3A_270, %parallel_loop3A_271], %parallel_loop3A_266 {strides = array<i32>} : memref<64x256xf32, #tpu.memory_space<vmem>>, vector<16xf32>,
        %parallel_loop3A_273 = arith.constant 19 : i32
        %parallel_loop3A_274 = vector.broadcast %parallel_loop3A_273 : i32 to vector<16xi32>
        %parallel_loop3A_275 = tpu.vector_load_idx %arg5[%parallel_loop3A_274, %parallel_loop3A_101] : memref<64x1000xf32, #tpu.memory_space<vmem>>[vector<16xi32>, vector<16xi32>], vector<16xf32>,
        %parallel_loop3A_276 = arith.constant 16 : i32
        %parallel_loop3A_277 = arith.muli %parallel_loop3A_94, %parallel_loop3A_276 : i32
        %parallel_loop3A_278 = arith.constant 19 : i32
        %parallel_loop3A_279 = arith.index_cast %parallel_loop3A_278 : i32 to index
        %parallel_loop3A_280 = arith.index_cast %parallel_loop3A_277 : i32 to index
        %parallel_loop3A_281 = tpu.vector_load %arg8[%parallel_loop3A_279, %parallel_loop3A_280] {strides = array<i32>} : memref<64x256xf32, #tpu.memory_space<vmem>>, vector<16xf32>,
        tpu.vector_store %arg8[%parallel_loop3A_279, %parallel_loop3A_280], %parallel_loop3A_275 {strides = array<i32>} : memref<64x256xf32, #tpu.memory_space<vmem>>, vector<16xf32>,
        %parallel_loop3A_282 = arith.constant 20 : i32
        %parallel_loop3A_283 = vector.broadcast %parallel_loop3A_282 : i32 to vector<16xi32>
        %parallel_loop3A_284 = tpu.vector_load_idx %arg5[%parallel_loop3A_283, %parallel_loop3A_101] : memref<64x1000xf32, #tpu.memory_space<vmem>>[vector<16xi32>, vector<16xi32>], vector<16xf32>,
        %parallel_loop3A_285 = arith.constant 16 : i32
        %parallel_loop3A_286 = arith.muli %parallel_loop3A_94, %parallel_loop3A_285 : i32
        %parallel_loop3A_287 = arith.constant 20 : i32
        %parallel_loop3A_288 = arith.index_cast %parallel_loop3A_287 : i32 to index
        %parallel_loop3A_289 = arith.index_cast %parallel_loop3A_286 : i32 to index
        %parallel_loop3A_290 = tpu.vector_load %arg8[%parallel_loop3A_288, %parallel_loop3A_289] {strides = array<i32>} : memref<64x256xf32, #tpu.memory_space<vmem>>, vector<16xf32>,
        tpu.vector_store %arg8[%parallel_loop3A_288, %parallel_loop3A_289], %parallel_loop3A_284 {strides = array<i32>} : memref<64x256xf32, #tpu.memory_space<vmem>>, vector<16xf32>,
        %parallel_loop3A_291 = arith.constant 21 : i32
        %parallel_loop3A_292 = vector.broadcast %parallel_loop3A_291 : i32 to vector<16xi32>
        %parallel_loop3A_293 = tpu.vector_load_idx %arg5[%parallel_loop3A_292, %parallel_loop3A_101] : memref<64x1000xf32, #tpu.memory_space<vmem>>[vector<16xi32>, vector<16xi32>], vector<16xf32>,
        %parallel_loop3A_294 = arith.constant 16 : i32
        %parallel_loop3A_295 = arith.muli %parallel_loop3A_94, %parallel_loop3A_294 : i32
        %parallel_loop3A_296 = arith.constant 21 : i32
        %parallel_loop3A_297 = arith.index_cast %parallel_loop3A_296 : i32 to index
        %parallel_loop3A_298 = arith.index_cast %parallel_loop3A_295 : i32 to index
        %parallel_loop3A_299 = tpu.vector_load %arg8[%parallel_loop3A_297, %parallel_loop3A_298] {strides = array<i32>} : memref<64x256xf32, #tpu.memory_space<vmem>>, vector<16xf32>,
        tpu.vector_store %arg8[%parallel_loop3A_297, %parallel_loop3A_298], %parallel_loop3A_293 {strides = array<i32>} : memref<64x256xf32, #tpu.memory_space<vmem>>, vector<16xf32>,
        %parallel_loop3A_300 = arith.constant 22 : i32
        %parallel_loop3A_301 = vector.broadcast %parallel_loop3A_300 : i32 to vector<16xi32>
        %parallel_loop3A_302 = tpu.vector_load_idx %arg5[%parallel_loop3A_301, %parallel_loop3A_101] : memref<64x1000xf32, #tpu.memory_space<vmem>>[vector<16xi32>, vector<16xi32>], vector<16xf32>,
        %parallel_loop3A_303 = arith.constant 16 : i32
        %parallel_loop3A_304 = arith.muli %parallel_loop3A_94, %parallel_loop3A_303 : i32
        %parallel_loop3A_305 = arith.constant 22 : i32
        %parallel_loop3A_306 = arith.index_cast %parallel_loop3A_305 : i32 to index
        %parallel_loop3A_307 = arith.index_cast %parallel_loop3A_304 : i32 to index
        %parallel_loop3A_308 = tpu.vector_load %arg8[%parallel_loop3A_306, %parallel_loop3A_307] {strides = array<i32>} : memref<64x256xf32, #tpu.memory_space<vmem>>, vector<16xf32>,
        tpu.vector_store %arg8[%parallel_loop3A_306, %parallel_loop3A_307], %parallel_loop3A_302 {strides = array<i32>} : memref<64x256xf32, #tpu.memory_space<vmem>>, vector<16xf32>,
        %parallel_loop3A_309 = arith.constant 23 : i32
        %parallel_loop3A_310 = vector.broadcast %parallel_loop3A_309 : i32 to vector<16xi32>
        %parallel_loop3A_311 = tpu.vector_load_idx %arg5[%parallel_loop3A_310, %parallel_loop3A_101] : memref<64x1000xf32, #tpu.memory_space<vmem>>[vector<16xi32>, vector<16xi32>], vector<16xf32>,
        %parallel_loop3A_312 = arith.constant 16 : i32
        %parallel_loop3A_313 = arith.muli %parallel_loop3A_94, %parallel_loop3A_312 : i32
        %parallel_loop3A_314 = arith.constant 23 : i32
        %parallel_loop3A_315 = arith.index_cast %parallel_loop3A_314 : i32 to index
        %parallel_loop3A_316 = arith.index_cast %parallel_loop3A_313 : i32 to index
        %parallel_loop3A_317 = tpu.vector_load %arg8[%parallel_loop3A_315, %parallel_loop3A_316] {strides = array<i32>} : memref<64x256xf32, #tpu.memory_space<vmem>>, vector<16xf32>,
        tpu.vector_store %arg8[%parallel_loop3A_315, %parallel_loop3A_316], %parallel_loop3A_311 {strides = array<i32>} : memref<64x256xf32, #tpu.memory_space<vmem>>, vector<16xf32>,
        %parallel_loop3A_318 = arith.constant 24 : i32
        %parallel_loop3A_319 = vector.broadcast %parallel_loop3A_318 : i32 to vector<16xi32>
        %parallel_loop3A_320 = tpu.vector_load_idx %arg5[%parallel_loop3A_319, %parallel_loop3A_101] : memref<64x1000xf32, #tpu.memory_space<vmem>>[vector<16xi32>, vector<16xi32>], vector<16xf32>,
        %parallel_loop3A_321 = arith.constant 16 : i32
        %parallel_loop3A_322 = arith.muli %parallel_loop3A_94, %parallel_loop3A_321 : i32
        %parallel_loop3A_323 = arith.constant 24 : i32
        %parallel_loop3A_324 = arith.index_cast %parallel_loop3A_323 : i32 to index
        %parallel_loop3A_325 = arith.index_cast %parallel_loop3A_322 : i32 to index
        %parallel_loop3A_326 = tpu.vector_load %arg8[%parallel_loop3A_324, %parallel_loop3A_325] {strides = array<i32>} : memref<64x256xf32, #tpu.memory_space<vmem>>, vector<16xf32>,
        tpu.vector_store %arg8[%parallel_loop3A_324, %parallel_loop3A_325], %parallel_loop3A_320 {strides = array<i32>} : memref<64x256xf32, #tpu.memory_space<vmem>>, vector<16xf32>,
        %parallel_loop3A_327 = arith.constant 25 : i32
        %parallel_loop3A_328 = vector.broadcast %parallel_loop3A_327 : i32 to vector<16xi32>
        %parallel_loop3A_329 = tpu.vector_load_idx %arg5[%parallel_loop3A_328, %parallel_loop3A_101] : memref<64x1000xf32, #tpu.memory_space<vmem>>[vector<16xi32>, vector<16xi32>], vector<16xf32>,
        %parallel_loop3A_330 = arith.constant 16 : i32
        %parallel_loop3A_331 = arith.muli %parallel_loop3A_94, %parallel_loop3A_330 : i32
        %parallel_loop3A_332 = arith.constant 25 : i32
        %parallel_loop3A_333 = arith.index_cast %parallel_loop3A_332 : i32 to index
        %parallel_loop3A_334 = arith.index_cast %parallel_loop3A_331 : i32 to index
        %parallel_loop3A_335 = tpu.vector_load %arg8[%parallel_loop3A_333, %parallel_loop3A_334] {strides = array<i32>} : memref<64x256xf32, #tpu.memory_space<vmem>>, vector<16xf32>,
        tpu.vector_store %arg8[%parallel_loop3A_333, %parallel_loop3A_334], %parallel_loop3A_329 {strides = array<i32>} : memref<64x256xf32, #tpu.memory_space<vmem>>, vector<16xf32>,
        %parallel_loop3A_336 = arith.constant 26 : i32
        %parallel_loop3A_337 = vector.broadcast %parallel_loop3A_336 : i32 to vector<16xi32>
        %parallel_loop3A_338 = tpu.vector_load_idx %arg5[%parallel_loop3A_337, %parallel_loop3A_101] : memref<64x1000xf32, #tpu.memory_space<vmem>>[vector<16xi32>, vector<16xi32>], vector<16xf32>,
        %parallel_loop3A_339 = arith.constant 16 : i32
        %parallel_loop3A_340 = arith.muli %parallel_loop3A_94, %parallel_loop3A_339 : i32
        %parallel_loop3A_341 = arith.constant 26 : i32
        %parallel_loop3A_342 = arith.index_cast %parallel_loop3A_341 : i32 to index
        %parallel_loop3A_343 = arith.index_cast %parallel_loop3A_340 : i32 to index
        %parallel_loop3A_344 = tpu.vector_load %arg8[%parallel_loop3A_342, %parallel_loop3A_343] {strides = array<i32>} : memref<64x256xf32, #tpu.memory_space<vmem>>, vector<16xf32>,
        tpu.vector_store %arg8[%parallel_loop3A_342, %parallel_loop3A_343], %parallel_loop3A_338 {strides = array<i32>} : memref<64x256xf32, #tpu.memory_space<vmem>>, vector<16xf32>,
        %parallel_loop3A_345 = arith.constant 27 : i32
        %parallel_loop3A_346 = vector.broadcast %parallel_loop3A_345 : i32 to vector<16xi32>
        %parallel_loop3A_347 = tpu.vector_load_idx %arg5[%parallel_loop3A_346, %parallel_loop3A_101] : memref<64x1000xf32, #tpu.memory_space<vmem>>[vector<16xi32>, vector<16xi32>], vector<16xf32>,
        %parallel_loop3A_348 = arith.constant 16 : i32
        %parallel_loop3A_349 = arith.muli %parallel_loop3A_94, %parallel_loop3A_348 : i32
        %parallel_loop3A_350 = arith.constant 27 : i32
        %parallel_loop3A_351 = arith.index_cast %parallel_loop3A_350 : i32 to index
        %parallel_loop3A_352 = arith.index_cast %parallel_loop3A_349 : i32 to index
        %parallel_loop3A_353 = tpu.vector_load %arg8[%parallel_loop3A_351, %parallel_loop3A_352] {strides = array<i32>} : memref<64x256xf32, #tpu.memory_space<vmem>>, vector<16xf32>,
        tpu.vector_store %arg8[%parallel_loop3A_351, %parallel_loop3A_352], %parallel_loop3A_347 {strides = array<i32>} : memref<64x256xf32, #tpu.memory_space<vmem>>, vector<16xf32>,
        %parallel_loop3A_354 = arith.constant 28 : i32
        %parallel_loop3A_355 = vector.broadcast %parallel_loop3A_354 : i32 to vector<16xi32>
        %parallel_loop3A_356 = tpu.vector_load_idx %arg5[%parallel_loop3A_355, %parallel_loop3A_101] : memref<64x1000xf32, #tpu.memory_space<vmem>>[vector<16xi32>, vector<16xi32>], vector<16xf32>,
        %parallel_loop3A_357 = arith.constant 16 : i32
        %parallel_loop3A_358 = arith.muli %parallel_loop3A_94, %parallel_loop3A_357 : i32
        %parallel_loop3A_359 = arith.constant 28 : i32
        %parallel_loop3A_360 = arith.index_cast %parallel_loop3A_359 : i32 to index
        %parallel_loop3A_361 = arith.index_cast %parallel_loop3A_358 : i32 to index
        %parallel_loop3A_362 = tpu.vector_load %arg8[%parallel_loop3A_360, %parallel_loop3A_361] {strides = array<i32>} : memref<64x256xf32, #tpu.memory_space<vmem>>, vector<16xf32>,
        tpu.vector_store %arg8[%parallel_loop3A_360, %parallel_loop3A_361], %parallel_loop3A_356 {strides = array<i32>} : memref<64x256xf32, #tpu.memory_space<vmem>>, vector<16xf32>,
        %parallel_loop3A_363 = arith.constant 29 : i32
        %parallel_loop3A_364 = vector.broadcast %parallel_loop3A_363 : i32 to vector<16xi32>
        %parallel_loop3A_365 = tpu.vector_load_idx %arg5[%parallel_loop3A_364, %parallel_loop3A_101] : memref<64x1000xf32, #tpu.memory_space<vmem>>[vector<16xi32>, vector<16xi32>], vector<16xf32>,
        %parallel_loop3A_366 = arith.constant 16 : i32
        %parallel_loop3A_367 = arith.muli %parallel_loop3A_94, %parallel_loop3A_366 : i32
        %parallel_loop3A_368 = arith.constant 29 : i32
        %parallel_loop3A_369 = arith.index_cast %parallel_loop3A_368 : i32 to index
        %parallel_loop3A_370 = arith.index_cast %parallel_loop3A_367 : i32 to index
        %parallel_loop3A_371 = tpu.vector_load %arg8[%parallel_loop3A_369, %parallel_loop3A_370] {strides = array<i32>} : memref<64x256xf32, #tpu.memory_space<vmem>>, vector<16xf32>,
        tpu.vector_store %arg8[%parallel_loop3A_369, %parallel_loop3A_370], %parallel_loop3A_365 {strides = array<i32>} : memref<64x256xf32, #tpu.memory_space<vmem>>, vector<16xf32>,
        %parallel_loop3A_372 = arith.constant 30 : i32
        %parallel_loop3A_373 = vector.broadcast %parallel_loop3A_372 : i32 to vector<16xi32>
        %parallel_loop3A_374 = tpu.vector_load_idx %arg5[%parallel_loop3A_373, %parallel_loop3A_101] : memref<64x1000xf32, #tpu.memory_space<vmem>>[vector<16xi32>, vector<16xi32>], vector<16xf32>,
        %parallel_loop3A_375 = arith.constant 16 : i32
        %parallel_loop3A_376 = arith.muli %parallel_loop3A_94, %parallel_loop3A_375 : i32
        %parallel_loop3A_377 = arith.constant 30 : i32
        %parallel_loop3A_378 = arith.index_cast %parallel_loop3A_377 : i32 to index
        %parallel_loop3A_379 = arith.index_cast %parallel_loop3A_376 : i32 to index
        %parallel_loop3A_380 = tpu.vector_load %arg8[%parallel_loop3A_378, %parallel_loop3A_379] {strides = array<i32>} : memref<64x256xf32, #tpu.memory_space<vmem>>, vector<16xf32>,
        tpu.vector_store %arg8[%parallel_loop3A_378, %parallel_loop3A_379], %parallel_loop3A_374 {strides = array<i32>} : memref<64x256xf32, #tpu.memory_space<vmem>>, vector<16xf32>,
        %parallel_loop3A_381 = arith.constant 31 : i32
        %parallel_loop3A_382 = vector.broadcast %parallel_loop3A_381 : i32 to vector<16xi32>
        %parallel_loop3A_383 = tpu.vector_load_idx %arg5[%parallel_loop3A_382, %parallel_loop3A_101] : memref<64x1000xf32, #tpu.memory_space<vmem>>[vector<16xi32>, vector<16xi32>], vector<16xf32>,
        %parallel_loop3A_384 = arith.constant 16 : i32
        %parallel_loop3A_385 = arith.muli %parallel_loop3A_94, %parallel_loop3A_384 : i32
        %parallel_loop3A_386 = arith.constant 31 : i32
        %parallel_loop3A_387 = arith.index_cast %parallel_loop3A_386 : i32 to index
        %parallel_loop3A_388 = arith.index_cast %parallel_loop3A_385 : i32 to index
        %parallel_loop3A_389 = tpu.vector_load %arg8[%parallel_loop3A_387, %parallel_loop3A_388] {strides = array<i32>} : memref<64x256xf32, #tpu.memory_space<vmem>>, vector<16xf32>,
        tpu.vector_store %arg8[%parallel_loop3A_387, %parallel_loop3A_388], %parallel_loop3A_383 {strides = array<i32>} : memref<64x256xf32, #tpu.memory_space<vmem>>, vector<16xf32>,
        %parallel_loop3A_390 = arith.constant 32 : i32
        %parallel_loop3A_391 = vector.broadcast %parallel_loop3A_390 : i32 to vector<16xi32>
        %parallel_loop3A_392 = tpu.vector_load_idx %arg5[%parallel_loop3A_391, %parallel_loop3A_101] : memref<64x1000xf32, #tpu.memory_space<vmem>>[vector<16xi32>, vector<16xi32>], vector<16xf32>,
        %parallel_loop3A_393 = arith.constant 16 : i32
        %parallel_loop3A_394 = arith.muli %parallel_loop3A_94, %parallel_loop3A_393 : i32
        %parallel_loop3A_395 = arith.constant 32 : i32
        %parallel_loop3A_396 = arith.index_cast %parallel_loop3A_395 : i32 to index
        %parallel_loop3A_397 = arith.index_cast %parallel_loop3A_394 : i32 to index
        %parallel_loop3A_398 = tpu.vector_load %arg8[%parallel_loop3A_396, %parallel_loop3A_397] {strides = array<i32>} : memref<64x256xf32, #tpu.memory_space<vmem>>, vector<16xf32>,
        tpu.vector_store %arg8[%parallel_loop3A_396, %parallel_loop3A_397], %parallel_loop3A_392 {strides = array<i32>} : memref<64x256xf32, #tpu.memory_space<vmem>>, vector<16xf32>,
        %parallel_loop3A_399 = arith.constant 33 : i32
        %parallel_loop3A_400 = vector.broadcast %parallel_loop3A_399 : i32 to vector<16xi32>
        %parallel_loop3A_401 = tpu.vector_load_idx %arg5[%parallel_loop3A_400, %parallel_loop3A_101] : memref<64x1000xf32, #tpu.memory_space<vmem>>[vector<16xi32>, vector<16xi32>], vector<16xf32>,
        %parallel_loop3A_402 = arith.constant 16 : i32
        %parallel_loop3A_403 = arith.muli %parallel_loop3A_94, %parallel_loop3A_402 : i32
        %parallel_loop3A_404 = arith.constant 33 : i32
        %parallel_loop3A_405 = arith.index_cast %parallel_loop3A_404 : i32 to index
        %parallel_loop3A_406 = arith.index_cast %parallel_loop3A_403 : i32 to index
        %parallel_loop3A_407 = tpu.vector_load %arg8[%parallel_loop3A_405, %parallel_loop3A_406] {strides = array<i32>} : memref<64x256xf32, #tpu.memory_space<vmem>>, vector<16xf32>,
        tpu.vector_store %arg8[%parallel_loop3A_405, %parallel_loop3A_406], %parallel_loop3A_401 {strides = array<i32>} : memref<64x256xf32, #tpu.memory_space<vmem>>, vector<16xf32>,
        %parallel_loop3A_408 = arith.constant 34 : i32
        %parallel_loop3A_409 = vector.broadcast %parallel_loop3A_408 : i32 to vector<16xi32>
        %parallel_loop3A_410 = tpu.vector_load_idx %arg5[%parallel_loop3A_409, %parallel_loop3A_101] : memref<64x1000xf32, #tpu.memory_space<vmem>>[vector<16xi32>, vector<16xi32>], vector<16xf32>,
        %parallel_loop3A_411 = arith.constant 16 : i32
        %parallel_loop3A_412 = arith.muli %parallel_loop3A_94, %parallel_loop3A_411 : i32
        %parallel_loop3A_413 = arith.constant 34 : i32
        %parallel_loop3A_414 = arith.index_cast %parallel_loop3A_413 : i32 to index
        %parallel_loop3A_415 = arith.index_cast %parallel_loop3A_412 : i32 to index
        %parallel_loop3A_416 = tpu.vector_load %arg8[%parallel_loop3A_414, %parallel_loop3A_415] {strides = array<i32>} : memref<64x256xf32, #tpu.memory_space<vmem>>, vector<16xf32>,
        tpu.vector_store %arg8[%parallel_loop3A_414, %parallel_loop3A_415], %parallel_loop3A_410 {strides = array<i32>} : memref<64x256xf32, #tpu.memory_space<vmem>>, vector<16xf32>,
        %parallel_loop3A_417 = arith.constant 35 : i32
        %parallel_loop3A_418 = vector.broadcast %parallel_loop3A_417 : i32 to vector<16xi32>
        %parallel_loop3A_419 = tpu.vector_load_idx %arg5[%parallel_loop3A_418, %parallel_loop3A_101] : memref<64x1000xf32, #tpu.memory_space<vmem>>[vector<16xi32>, vector<16xi32>], vector<16xf32>,
        %parallel_loop3A_420 = arith.constant 16 : i32
        %parallel_loop3A_421 = arith.muli %parallel_loop3A_94, %parallel_loop3A_420 : i32
        %parallel_loop3A_422 = arith.constant 35 : i32
        %parallel_loop3A_423 = arith.index_cast %parallel_loop3A_422 : i32 to index
        %parallel_loop3A_424 = arith.index_cast %parallel_loop3A_421 : i32 to index
        %parallel_loop3A_425 = tpu.vector_load %arg8[%parallel_loop3A_423, %parallel_loop3A_424] {strides = array<i32>} : memref<64x256xf32, #tpu.memory_space<vmem>>, vector<16xf32>,
        tpu.vector_store %arg8[%parallel_loop3A_423, %parallel_loop3A_424], %parallel_loop3A_419 {strides = array<i32>} : memref<64x256xf32, #tpu.memory_space<vmem>>, vector<16xf32>,
        %parallel_loop3A_426 = arith.constant 36 : i32
        %parallel_loop3A_427 = vector.broadcast %parallel_loop3A_426 : i32 to vector<16xi32>
        %parallel_loop3A_428 = tpu.vector_load_idx %arg5[%parallel_loop3A_427, %parallel_loop3A_101] : memref<64x1000xf32, #tpu.memory_space<vmem>>[vector<16xi32>, vector<16xi32>], vector<16xf32>,
        %parallel_loop3A_429 = arith.constant 16 : i32
        %parallel_loop3A_430 = arith.muli %parallel_loop3A_94, %parallel_loop3A_429 : i32
        %parallel_loop3A_431 = arith.constant 36 : i32
        %parallel_loop3A_432 = arith.index_cast %parallel_loop3A_431 : i32 to index
        %parallel_loop3A_433 = arith.index_cast %parallel_loop3A_430 : i32 to index
        %parallel_loop3A_434 = tpu.vector_load %arg8[%parallel_loop3A_432, %parallel_loop3A_433] {strides = array<i32>} : memref<64x256xf32, #tpu.memory_space<vmem>>, vector<16xf32>,
        tpu.vector_store %arg8[%parallel_loop3A_432, %parallel_loop3A_433], %parallel_loop3A_428 {strides = array<i32>} : memref<64x256xf32, #tpu.memory_space<vmem>>, vector<16xf32>,
        %parallel_loop3A_435 = arith.constant 37 : i32
        %parallel_loop3A_436 = vector.broadcast %parallel_loop3A_435 : i32 to vector<16xi32>
        %parallel_loop3A_437 = tpu.vector_load_idx %arg5[%parallel_loop3A_436, %parallel_loop3A_101] : memref<64x1000xf32, #tpu.memory_space<vmem>>[vector<16xi32>, vector<16xi32>], vector<16xf32>,
        %parallel_loop3A_438 = arith.constant 16 : i32
        %parallel_loop3A_439 = arith.muli %parallel_loop3A_94, %parallel_loop3A_438 : i32
        %parallel_loop3A_440 = arith.constant 37 : i32
        %parallel_loop3A_441 = arith.index_cast %parallel_loop3A_440 : i32 to index
        %parallel_loop3A_442 = arith.index_cast %parallel_loop3A_439 : i32 to index
        %parallel_loop3A_443 = tpu.vector_load %arg8[%parallel_loop3A_441, %parallel_loop3A_442] {strides = array<i32>} : memref<64x256xf32, #tpu.memory_space<vmem>>, vector<16xf32>,
        tpu.vector_store %arg8[%parallel_loop3A_441, %parallel_loop3A_442], %parallel_loop3A_437 {strides = array<i32>} : memref<64x256xf32, #tpu.memory_space<vmem>>, vector<16xf32>,
        %parallel_loop3A_444 = arith.constant 38 : i32
        %parallel_loop3A_445 = vector.broadcast %parallel_loop3A_444 : i32 to vector<16xi32>
        %parallel_loop3A_446 = tpu.vector_load_idx %arg5[%parallel_loop3A_445, %parallel_loop3A_101] : memref<64x1000xf32, #tpu.memory_space<vmem>>[vector<16xi32>, vector<16xi32>], vector<16xf32>,
        %parallel_loop3A_447 = arith.constant 16 : i32
        %parallel_loop3A_448 = arith.muli %parallel_loop3A_94, %parallel_loop3A_447 : i32
        %parallel_loop3A_449 = arith.constant 38 : i32
        %parallel_loop3A_450 = arith.index_cast %parallel_loop3A_449 : i32 to index
        %parallel_loop3A_451 = arith.index_cast %parallel_loop3A_448 : i32 to index
        %parallel_loop3A_452 = tpu.vector_load %arg8[%parallel_loop3A_450, %parallel_loop3A_451] {strides = array<i32>} : memref<64x256xf32, #tpu.memory_space<vmem>>, vector<16xf32>,
        tpu.vector_store %arg8[%parallel_loop3A_450, %parallel_loop3A_451], %parallel_loop3A_446 {strides = array<i32>} : memref<64x256xf32, #tpu.memory_space<vmem>>, vector<16xf32>,
        %parallel_loop3A_453 = arith.constant 39 : i32
        %parallel_loop3A_454 = vector.broadcast %parallel_loop3A_453 : i32 to vector<16xi32>
        %parallel_loop3A_455 = tpu.vector_load_idx %arg5[%parallel_loop3A_454, %parallel_loop3A_101] : memref<64x1000xf32, #tpu.memory_space<vmem>>[vector<16xi32>, vector<16xi32>], vector<16xf32>,
        %parallel_loop3A_456 = arith.constant 16 : i32
        %parallel_loop3A_457 = arith.muli %parallel_loop3A_94, %parallel_loop3A_456 : i32
        %parallel_loop3A_458 = arith.constant 39 : i32
        %parallel_loop3A_459 = arith.index_cast %parallel_loop3A_458 : i32 to index
        %parallel_loop3A_460 = arith.index_cast %parallel_loop3A_457 : i32 to index
        %parallel_loop3A_461 = tpu.vector_load %arg8[%parallel_loop3A_459, %parallel_loop3A_460] {strides = array<i32>} : memref<64x256xf32, #tpu.memory_space<vmem>>, vector<16xf32>,
        tpu.vector_store %arg8[%parallel_loop3A_459, %parallel_loop3A_460], %parallel_loop3A_455 {strides = array<i32>} : memref<64x256xf32, #tpu.memory_space<vmem>>, vector<16xf32>,
        %parallel_loop3A_462 = arith.constant 40 : i32
        %parallel_loop3A_463 = vector.broadcast %parallel_loop3A_462 : i32 to vector<16xi32>
        %parallel_loop3A_464 = tpu.vector_load_idx %arg5[%parallel_loop3A_463, %parallel_loop3A_101] : memref<64x1000xf32, #tpu.memory_space<vmem>>[vector<16xi32>, vector<16xi32>], vector<16xf32>,
        %parallel_loop3A_465 = arith.constant 16 : i32
        %parallel_loop3A_466 = arith.muli %parallel_loop3A_94, %parallel_loop3A_465 : i32
        %parallel_loop3A_467 = arith.constant 40 : i32
        %parallel_loop3A_468 = arith.index_cast %parallel_loop3A_467 : i32 to index
        %parallel_loop3A_469 = arith.index_cast %parallel_loop3A_466 : i32 to index
        %parallel_loop3A_470 = tpu.vector_load %arg8[%parallel_loop3A_468, %parallel_loop3A_469] {strides = array<i32>} : memref<64x256xf32, #tpu.memory_space<vmem>>, vector<16xf32>,
        tpu.vector_store %arg8[%parallel_loop3A_468, %parallel_loop3A_469], %parallel_loop3A_464 {strides = array<i32>} : memref<64x256xf32, #tpu.memory_space<vmem>>, vector<16xf32>,
        %parallel_loop3A_471 = arith.constant 41 : i32
        %parallel_loop3A_472 = vector.broadcast %parallel_loop3A_471 : i32 to vector<16xi32>
        %parallel_loop3A_473 = tpu.vector_load_idx %arg5[%parallel_loop3A_472, %parallel_loop3A_101] : memref<64x1000xf32, #tpu.memory_space<vmem>>[vector<16xi32>, vector<16xi32>], vector<16xf32>,
        %parallel_loop3A_474 = arith.constant 16 : i32
        %parallel_loop3A_475 = arith.muli %parallel_loop3A_94, %parallel_loop3A_474 : i32
        %parallel_loop3A_476 = arith.constant 41 : i32
        %parallel_loop3A_477 = arith.index_cast %parallel_loop3A_476 : i32 to index
        %parallel_loop3A_478 = arith.index_cast %parallel_loop3A_475 : i32 to index
        %parallel_loop3A_479 = tpu.vector_load %arg8[%parallel_loop3A_477, %parallel_loop3A_478] {strides = array<i32>} : memref<64x256xf32, #tpu.memory_space<vmem>>, vector<16xf32>,
        tpu.vector_store %arg8[%parallel_loop3A_477, %parallel_loop3A_478], %parallel_loop3A_473 {strides = array<i32>} : memref<64x256xf32, #tpu.memory_space<vmem>>, vector<16xf32>,
        %parallel_loop3A_480 = arith.constant 42 : i32
        %parallel_loop3A_481 = vector.broadcast %parallel_loop3A_480 : i32 to vector<16xi32>
        %parallel_loop3A_482 = tpu.vector_load_idx %arg5[%parallel_loop3A_481, %parallel_loop3A_101] : memref<64x1000xf32, #tpu.memory_space<vmem>>[vector<16xi32>, vector<16xi32>], vector<16xf32>,
        %parallel_loop3A_483 = arith.constant 16 : i32
        %parallel_loop3A_484 = arith.muli %parallel_loop3A_94, %parallel_loop3A_483 : i32
        %parallel_loop3A_485 = arith.constant 42 : i32
        %parallel_loop3A_486 = arith.index_cast %parallel_loop3A_485 : i32 to index
        %parallel_loop3A_487 = arith.index_cast %parallel_loop3A_484 : i32 to index
        %parallel_loop3A_488 = tpu.vector_load %arg8[%parallel_loop3A_486, %parallel_loop3A_487] {strides = array<i32>} : memref<64x256xf32, #tpu.memory_space<vmem>>, vector<16xf32>,
        tpu.vector_store %arg8[%parallel_loop3A_486, %parallel_loop3A_487], %parallel_loop3A_482 {strides = array<i32>} : memref<64x256xf32, #tpu.memory_space<vmem>>, vector<16xf32>,
        %parallel_loop3A_489 = arith.constant 43 : i32
        %parallel_loop3A_490 = vector.broadcast %parallel_loop3A_489 : i32 to vector<16xi32>
        %parallel_loop3A_491 = tpu.vector_load_idx %arg5[%parallel_loop3A_490, %parallel_loop3A_101] : memref<64x1000xf32, #tpu.memory_space<vmem>>[vector<16xi32>, vector<16xi32>], vector<16xf32>,
        %parallel_loop3A_492 = arith.constant 16 : i32
        %parallel_loop3A_493 = arith.muli %parallel_loop3A_94, %parallel_loop3A_492 : i32
        %parallel_loop3A_494 = arith.constant 43 : i32
        %parallel_loop3A_495 = arith.index_cast %parallel_loop3A_494 : i32 to index
        %parallel_loop3A_496 = arith.index_cast %parallel_loop3A_493 : i32 to index
        %parallel_loop3A_497 = tpu.vector_load %arg8[%parallel_loop3A_495, %parallel_loop3A_496] {strides = array<i32>} : memref<64x256xf32, #tpu.memory_space<vmem>>, vector<16xf32>,
        tpu.vector_store %arg8[%parallel_loop3A_495, %parallel_loop3A_496], %parallel_loop3A_491 {strides = array<i32>} : memref<64x256xf32, #tpu.memory_space<vmem>>, vector<16xf32>,
        %parallel_loop3A_498 = arith.constant 44 : i32
        %parallel_loop3A_499 = vector.broadcast %parallel_loop3A_498 : i32 to vector<16xi32>
        %parallel_loop3A_500 = tpu.vector_load_idx %arg5[%parallel_loop3A_499, %parallel_loop3A_101] : memref<64x1000xf32, #tpu.memory_space<vmem>>[vector<16xi32>, vector<16xi32>], vector<16xf32>,
        %parallel_loop3A_501 = arith.constant 16 : i32
        %parallel_loop3A_502 = arith.muli %parallel_loop3A_94, %parallel_loop3A_501 : i32
        %parallel_loop3A_503 = arith.constant 44 : i32
        %parallel_loop3A_504 = arith.index_cast %parallel_loop3A_503 : i32 to index
        %parallel_loop3A_505 = arith.index_cast %parallel_loop3A_502 : i32 to index
        %parallel_loop3A_506 = tpu.vector_load %arg8[%parallel_loop3A_504, %parallel_loop3A_505] {strides = array<i32>} : memref<64x256xf32, #tpu.memory_space<vmem>>, vector<16xf32>,
        tpu.vector_store %arg8[%parallel_loop3A_504, %parallel_loop3A_505], %parallel_loop3A_500 {strides = array<i32>} : memref<64x256xf32, #tpu.memory_space<vmem>>, vector<16xf32>,
        %parallel_loop3A_507 = arith.constant 45 : i32
        %parallel_loop3A_508 = vector.broadcast %parallel_loop3A_507 : i32 to vector<16xi32>
        %parallel_loop3A_509 = tpu.vector_load_idx %arg5[%parallel_loop3A_508, %parallel_loop3A_101] : memref<64x1000xf32, #tpu.memory_space<vmem>>[vector<16xi32>, vector<16xi32>], vector<16xf32>,
        %parallel_loop3A_510 = arith.constant 16 : i32
        %parallel_loop3A_511 = arith.muli %parallel_loop3A_94, %parallel_loop3A_510 : i32
        %parallel_loop3A_512 = arith.constant 45 : i32
        %parallel_loop3A_513 = arith.index_cast %parallel_loop3A_512 : i32 to index
        %parallel_loop3A_514 = arith.index_cast %parallel_loop3A_511 : i32 to index
        %parallel_loop3A_515 = tpu.vector_load %arg8[%parallel_loop3A_513, %parallel_loop3A_514] {strides = array<i32>} : memref<64x256xf32, #tpu.memory_space<vmem>>, vector<16xf32>,
        tpu.vector_store %arg8[%parallel_loop3A_513, %parallel_loop3A_514], %parallel_loop3A_509 {strides = array<i32>} : memref<64x256xf32, #tpu.memory_space<vmem>>, vector<16xf32>,
        %parallel_loop3A_516 = arith.constant 46 : i32
        %parallel_loop3A_517 = vector.broadcast %parallel_loop3A_516 : i32 to vector<16xi32>
        %parallel_loop3A_518 = tpu.vector_load_idx %arg5[%parallel_loop3A_517, %parallel_loop3A_101] : memref<64x1000xf32, #tpu.memory_space<vmem>>[vector<16xi32>, vector<16xi32>], vector<16xf32>,
        %parallel_loop3A_519 = arith.constant 16 : i32
        %parallel_loop3A_520 = arith.muli %parallel_loop3A_94, %parallel_loop3A_519 : i32
        %parallel_loop3A_521 = arith.constant 46 : i32
        %parallel_loop3A_522 = arith.index_cast %parallel_loop3A_521 : i32 to index
        %parallel_loop3A_523 = arith.index_cast %parallel_loop3A_520 : i32 to index
        %parallel_loop3A_524 = tpu.vector_load %arg8[%parallel_loop3A_522, %parallel_loop3A_523] {strides = array<i32>} : memref<64x256xf32, #tpu.memory_space<vmem>>, vector<16xf32>,
        tpu.vector_store %arg8[%parallel_loop3A_522, %parallel_loop3A_523], %parallel_loop3A_518 {strides = array<i32>} : memref<64x256xf32, #tpu.memory_space<vmem>>, vector<16xf32>,
        %parallel_loop3A_525 = arith.constant 47 : i32
        %parallel_loop3A_526 = vector.broadcast %parallel_loop3A_525 : i32 to vector<16xi32>
        %parallel_loop3A_527 = tpu.vector_load_idx %arg5[%parallel_loop3A_526, %parallel_loop3A_101] : memref<64x1000xf32, #tpu.memory_space<vmem>>[vector<16xi32>, vector<16xi32>], vector<16xf32>,
        %parallel_loop3A_528 = arith.constant 16 : i32
        %parallel_loop3A_529 = arith.muli %parallel_loop3A_94, %parallel_loop3A_528 : i32
        %parallel_loop3A_530 = arith.constant 47 : i32
        %parallel_loop3A_531 = arith.index_cast %parallel_loop3A_530 : i32 to index
        %parallel_loop3A_532 = arith.index_cast %parallel_loop3A_529 : i32 to index
        %parallel_loop3A_533 = tpu.vector_load %arg8[%parallel_loop3A_531, %parallel_loop3A_532] {strides = array<i32>} : memref<64x256xf32, #tpu.memory_space<vmem>>, vector<16xf32>,
        tpu.vector_store %arg8[%parallel_loop3A_531, %parallel_loop3A_532], %parallel_loop3A_527 {strides = array<i32>} : memref<64x256xf32, #tpu.memory_space<vmem>>, vector<16xf32>,
        %parallel_loop3A_534 = arith.constant 48 : i32
        %parallel_loop3A_535 = vector.broadcast %parallel_loop3A_534 : i32 to vector<16xi32>
        %parallel_loop3A_536 = tpu.vector_load_idx %arg5[%parallel_loop3A_535, %parallel_loop3A_101] : memref<64x1000xf32, #tpu.memory_space<vmem>>[vector<16xi32>, vector<16xi32>], vector<16xf32>,
        %parallel_loop3A_537 = arith.constant 16 : i32
        %parallel_loop3A_538 = arith.muli %parallel_loop3A_94, %parallel_loop3A_537 : i32
        %parallel_loop3A_539 = arith.constant 48 : i32
        %parallel_loop3A_540 = arith.index_cast %parallel_loop3A_539 : i32 to index
        %parallel_loop3A_541 = arith.index_cast %parallel_loop3A_538 : i32 to index
        %parallel_loop3A_542 = tpu.vector_load %arg8[%parallel_loop3A_540, %parallel_loop3A_541] {strides = array<i32>} : memref<64x256xf32, #tpu.memory_space<vmem>>, vector<16xf32>,
        tpu.vector_store %arg8[%parallel_loop3A_540, %parallel_loop3A_541], %parallel_loop3A_536 {strides = array<i32>} : memref<64x256xf32, #tpu.memory_space<vmem>>, vector<16xf32>,
        %parallel_loop3A_543 = arith.constant 49 : i32
        %parallel_loop3A_544 = vector.broadcast %parallel_loop3A_543 : i32 to vector<16xi32>
        %parallel_loop3A_545 = tpu.vector_load_idx %arg5[%parallel_loop3A_544, %parallel_loop3A_101] : memref<64x1000xf32, #tpu.memory_space<vmem>>[vector<16xi32>, vector<16xi32>], vector<16xf32>,
        %parallel_loop3A_546 = arith.constant 16 : i32
        %parallel_loop3A_547 = arith.muli %parallel_loop3A_94, %parallel_loop3A_546 : i32
        %parallel_loop3A_548 = arith.constant 49 : i32
        %parallel_loop3A_549 = arith.index_cast %parallel_loop3A_548 : i32 to index
        %parallel_loop3A_550 = arith.index_cast %parallel_loop3A_547 : i32 to index
        %parallel_loop3A_551 = tpu.vector_load %arg8[%parallel_loop3A_549, %parallel_loop3A_550] {strides = array<i32>} : memref<64x256xf32, #tpu.memory_space<vmem>>, vector<16xf32>,
        tpu.vector_store %arg8[%parallel_loop3A_549, %parallel_loop3A_550], %parallel_loop3A_545 {strides = array<i32>} : memref<64x256xf32, #tpu.memory_space<vmem>>, vector<16xf32>,
        %parallel_loop3A_552 = arith.constant 50 : i32
        %parallel_loop3A_553 = vector.broadcast %parallel_loop3A_552 : i32 to vector<16xi32>
        %parallel_loop3A_554 = tpu.vector_load_idx %arg5[%parallel_loop3A_553, %parallel_loop3A_101] : memref<64x1000xf32, #tpu.memory_space<vmem>>[vector<16xi32>, vector<16xi32>], vector<16xf32>,
        %parallel_loop3A_555 = arith.constant 16 : i32
        %parallel_loop3A_556 = arith.muli %parallel_loop3A_94, %parallel_loop3A_555 : i32
        %parallel_loop3A_557 = arith.constant 50 : i32
        %parallel_loop3A_558 = arith.index_cast %parallel_loop3A_557 : i32 to index
        %parallel_loop3A_559 = arith.index_cast %parallel_loop3A_556 : i32 to index
        %parallel_loop3A_560 = tpu.vector_load %arg8[%parallel_loop3A_558, %parallel_loop3A_559] {strides = array<i32>} : memref<64x256xf32, #tpu.memory_space<vmem>>, vector<16xf32>,
        tpu.vector_store %arg8[%parallel_loop3A_558, %parallel_loop3A_559], %parallel_loop3A_554 {strides = array<i32>} : memref<64x256xf32, #tpu.memory_space<vmem>>, vector<16xf32>,
        %parallel_loop3A_561 = arith.constant 51 : i32
        %parallel_loop3A_562 = vector.broadcast %parallel_loop3A_561 : i32 to vector<16xi32>
        %parallel_loop3A_563 = tpu.vector_load_idx %arg5[%parallel_loop3A_562, %parallel_loop3A_101] : memref<64x1000xf32, #tpu.memory_space<vmem>>[vector<16xi32>, vector<16xi32>], vector<16xf32>,
        %parallel_loop3A_564 = arith.constant 16 : i32
        %parallel_loop3A_565 = arith.muli %parallel_loop3A_94, %parallel_loop3A_564 : i32
        %parallel_loop3A_566 = arith.constant 51 : i32
        %parallel_loop3A_567 = arith.index_cast %parallel_loop3A_566 : i32 to index
        %parallel_loop3A_568 = arith.index_cast %parallel_loop3A_565 : i32 to index
        %parallel_loop3A_569 = tpu.vector_load %arg8[%parallel_loop3A_567, %parallel_loop3A_568] {strides = array<i32>} : memref<64x256xf32, #tpu.memory_space<vmem>>, vector<16xf32>,
        tpu.vector_store %arg8[%parallel_loop3A_567, %parallel_loop3A_568], %parallel_loop3A_563 {strides = array<i32>} : memref<64x256xf32, #tpu.memory_space<vmem>>, vector<16xf32>,
        %parallel_loop3A_570 = arith.constant 52 : i32
        %parallel_loop3A_571 = vector.broadcast %parallel_loop3A_570 : i32 to vector<16xi32>
        %parallel_loop3A_572 = tpu.vector_load_idx %arg5[%parallel_loop3A_571, %parallel_loop3A_101] : memref<64x1000xf32, #tpu.memory_space<vmem>>[vector<16xi32>, vector<16xi32>], vector<16xf32>,
        %parallel_loop3A_573 = arith.constant 16 : i32
        %parallel_loop3A_574 = arith.muli %parallel_loop3A_94, %parallel_loop3A_573 : i32
        %parallel_loop3A_575 = arith.constant 52 : i32
        %parallel_loop3A_576 = arith.index_cast %parallel_loop3A_575 : i32 to index
        %parallel_loop3A_577 = arith.index_cast %parallel_loop3A_574 : i32 to index
        %parallel_loop3A_578 = tpu.vector_load %arg8[%parallel_loop3A_576, %parallel_loop3A_577] {strides = array<i32>} : memref<64x256xf32, #tpu.memory_space<vmem>>, vector<16xf32>,
        tpu.vector_store %arg8[%parallel_loop3A_576, %parallel_loop3A_577], %parallel_loop3A_572 {strides = array<i32>} : memref<64x256xf32, #tpu.memory_space<vmem>>, vector<16xf32>,
        %parallel_loop3A_579 = arith.constant 53 : i32
        %parallel_loop3A_580 = vector.broadcast %parallel_loop3A_579 : i32 to vector<16xi32>
        %parallel_loop3A_581 = tpu.vector_load_idx %arg5[%parallel_loop3A_580, %parallel_loop3A_101] : memref<64x1000xf32, #tpu.memory_space<vmem>>[vector<16xi32>, vector<16xi32>], vector<16xf32>,
        %parallel_loop3A_582 = arith.constant 16 : i32
        %parallel_loop3A_583 = arith.muli %parallel_loop3A_94, %parallel_loop3A_582 : i32
        %parallel_loop3A_584 = arith.constant 53 : i32
        %parallel_loop3A_585 = arith.index_cast %parallel_loop3A_584 : i32 to index
        %parallel_loop3A_586 = arith.index_cast %parallel_loop3A_583 : i32 to index
        %parallel_loop3A_587 = tpu.vector_load %arg8[%parallel_loop3A_585, %parallel_loop3A_586] {strides = array<i32>} : memref<64x256xf32, #tpu.memory_space<vmem>>, vector<16xf32>,
        tpu.vector_store %arg8[%parallel_loop3A_585, %parallel_loop3A_586], %parallel_loop3A_581 {strides = array<i32>} : memref<64x256xf32, #tpu.memory_space<vmem>>, vector<16xf32>,
        %parallel_loop3A_588 = arith.constant 54 : i32
        %parallel_loop3A_589 = vector.broadcast %parallel_loop3A_588 : i32 to vector<16xi32>
        %parallel_loop3A_590 = tpu.vector_load_idx %arg5[%parallel_loop3A_589, %parallel_loop3A_101] : memref<64x1000xf32, #tpu.memory_space<vmem>>[vector<16xi32>, vector<16xi32>], vector<16xf32>,
        %parallel_loop3A_591 = arith.constant 16 : i32
        %parallel_loop3A_592 = arith.muli %parallel_loop3A_94, %parallel_loop3A_591 : i32
        %parallel_loop3A_593 = arith.constant 54 : i32
        %parallel_loop3A_594 = arith.index_cast %parallel_loop3A_593 : i32 to index
        %parallel_loop3A_595 = arith.index_cast %parallel_loop3A_592 : i32 to index
        %parallel_loop3A_596 = tpu.vector_load %arg8[%parallel_loop3A_594, %parallel_loop3A_595] {strides = array<i32>} : memref<64x256xf32, #tpu.memory_space<vmem>>, vector<16xf32>,
        tpu.vector_store %arg8[%parallel_loop3A_594, %parallel_loop3A_595], %parallel_loop3A_590 {strides = array<i32>} : memref<64x256xf32, #tpu.memory_space<vmem>>, vector<16xf32>,
        %parallel_loop3A_597 = arith.constant 55 : i32
        %parallel_loop3A_598 = vector.broadcast %parallel_loop3A_597 : i32 to vector<16xi32>
        %parallel_loop3A_599 = tpu.vector_load_idx %arg5[%parallel_loop3A_598, %parallel_loop3A_101] : memref<64x1000xf32, #tpu.memory_space<vmem>>[vector<16xi32>, vector<16xi32>], vector<16xf32>,
        %parallel_loop3A_600 = arith.constant 16 : i32
        %parallel_loop3A_601 = arith.muli %parallel_loop3A_94, %parallel_loop3A_600 : i32
        %parallel_loop3A_602 = arith.constant 55 : i32
        %parallel_loop3A_603 = arith.index_cast %parallel_loop3A_602 : i32 to index
        %parallel_loop3A_604 = arith.index_cast %parallel_loop3A_601 : i32 to index
        %parallel_loop3A_605 = tpu.vector_load %arg8[%parallel_loop3A_603, %parallel_loop3A_604] {strides = array<i32>} : memref<64x256xf32, #tpu.memory_space<vmem>>, vector<16xf32>,
        tpu.vector_store %arg8[%parallel_loop3A_603, %parallel_loop3A_604], %parallel_loop3A_599 {strides = array<i32>} : memref<64x256xf32, #tpu.memory_space<vmem>>, vector<16xf32>,
        %parallel_loop3A_606 = arith.constant 56 : i32
        %parallel_loop3A_607 = vector.broadcast %parallel_loop3A_606 : i32 to vector<16xi32>
        %parallel_loop3A_608 = tpu.vector_load_idx %arg5[%parallel_loop3A_607, %parallel_loop3A_101] : memref<64x1000xf32, #tpu.memory_space<vmem>>[vector<16xi32>, vector<16xi32>], vector<16xf32>,
        %parallel_loop3A_609 = arith.constant 16 : i32
        %parallel_loop3A_610 = arith.muli %parallel_loop3A_94, %parallel_loop3A_609 : i32
        %parallel_loop3A_611 = arith.constant 56 : i32
        %parallel_loop3A_612 = arith.index_cast %parallel_loop3A_611 : i32 to index
        %parallel_loop3A_613 = arith.index_cast %parallel_loop3A_610 : i32 to index
        %parallel_loop3A_614 = tpu.vector_load %arg8[%parallel_loop3A_612, %parallel_loop3A_613] {strides = array<i32>} : memref<64x256xf32, #tpu.memory_space<vmem>>, vector<16xf32>,
        tpu.vector_store %arg8[%parallel_loop3A_612, %parallel_loop3A_613], %parallel_loop3A_608 {strides = array<i32>} : memref<64x256xf32, #tpu.memory_space<vmem>>, vector<16xf32>,
        %parallel_loop3A_615 = arith.constant 57 : i32
        %parallel_loop3A_616 = vector.broadcast %parallel_loop3A_615 : i32 to vector<16xi32>
        %parallel_loop3A_617 = tpu.vector_load_idx %arg5[%parallel_loop3A_616, %parallel_loop3A_101] : memref<64x1000xf32, #tpu.memory_space<vmem>>[vector<16xi32>, vector<16xi32>], vector<16xf32>,
        %parallel_loop3A_618 = arith.constant 16 : i32
        %parallel_loop3A_619 = arith.muli %parallel_loop3A_94, %parallel_loop3A_618 : i32
        %parallel_loop3A_620 = arith.constant 57 : i32
        %parallel_loop3A_621 = arith.index_cast %parallel_loop3A_620 : i32 to index
        %parallel_loop3A_622 = arith.index_cast %parallel_loop3A_619 : i32 to index
        %parallel_loop3A_623 = tpu.vector_load %arg8[%parallel_loop3A_621, %parallel_loop3A_622] {strides = array<i32>} : memref<64x256xf32, #tpu.memory_space<vmem>>, vector<16xf32>,
        tpu.vector_store %arg8[%parallel_loop3A_621, %parallel_loop3A_622], %parallel_loop3A_617 {strides = array<i32>} : memref<64x256xf32, #tpu.memory_space<vmem>>, vector<16xf32>,
        %parallel_loop3A_624 = arith.constant 58 : i32
        %parallel_loop3A_625 = vector.broadcast %parallel_loop3A_624 : i32 to vector<16xi32>
        %parallel_loop3A_626 = tpu.vector_load_idx %arg5[%parallel_loop3A_625, %parallel_loop3A_101] : memref<64x1000xf32, #tpu.memory_space<vmem>>[vector<16xi32>, vector<16xi32>], vector<16xf32>,
        %parallel_loop3A_627 = arith.constant 16 : i32
        %parallel_loop3A_628 = arith.muli %parallel_loop3A_94, %parallel_loop3A_627 : i32
        %parallel_loop3A_629 = arith.constant 58 : i32
        %parallel_loop3A_630 = arith.index_cast %parallel_loop3A_629 : i32 to index
        %parallel_loop3A_631 = arith.index_cast %parallel_loop3A_628 : i32 to index
        %parallel_loop3A_632 = tpu.vector_load %arg8[%parallel_loop3A_630, %parallel_loop3A_631] {strides = array<i32>} : memref<64x256xf32, #tpu.memory_space<vmem>>, vector<16xf32>,
        tpu.vector_store %arg8[%parallel_loop3A_630, %parallel_loop3A_631], %parallel_loop3A_626 {strides = array<i32>} : memref<64x256xf32, #tpu.memory_space<vmem>>, vector<16xf32>,
        %parallel_loop3A_633 = arith.constant 59 : i32
        %parallel_loop3A_634 = vector.broadcast %parallel_loop3A_633 : i32 to vector<16xi32>
        %parallel_loop3A_635 = tpu.vector_load_idx %arg5[%parallel_loop3A_634, %parallel_loop3A_101] : memref<64x1000xf32, #tpu.memory_space<vmem>>[vector<16xi32>, vector<16xi32>], vector<16xf32>,
        %parallel_loop3A_636 = arith.constant 16 : i32
        %parallel_loop3A_637 = arith.muli %parallel_loop3A_94, %parallel_loop3A_636 : i32
        %parallel_loop3A_638 = arith.constant 59 : i32
        %parallel_loop3A_639 = arith.index_cast %parallel_loop3A_638 : i32 to index
        %parallel_loop3A_640 = arith.index_cast %parallel_loop3A_637 : i32 to index
        %parallel_loop3A_641 = tpu.vector_load %arg8[%parallel_loop3A_639, %parallel_loop3A_640] {strides = array<i32>} : memref<64x256xf32, #tpu.memory_space<vmem>>, vector<16xf32>,
        tpu.vector_store %arg8[%parallel_loop3A_639, %parallel_loop3A_640], %parallel_loop3A_635 {strides = array<i32>} : memref<64x256xf32, #tpu.memory_space<vmem>>, vector<16xf32>,
        %parallel_loop3A_642 = arith.constant 60 : i32
        %parallel_loop3A_643 = vector.broadcast %parallel_loop3A_642 : i32 to vector<16xi32>
        %parallel_loop3A_644 = tpu.vector_load_idx %arg5[%parallel_loop3A_643, %parallel_loop3A_101] : memref<64x1000xf32, #tpu.memory_space<vmem>>[vector<16xi32>, vector<16xi32>], vector<16xf32>,
        %parallel_loop3A_645 = arith.constant 16 : i32
        %parallel_loop3A_646 = arith.muli %parallel_loop3A_94, %parallel_loop3A_645 : i32
        %parallel_loop3A_647 = arith.constant 60 : i32
        %parallel_loop3A_648 = arith.index_cast %parallel_loop3A_647 : i32 to index
        %parallel_loop3A_649 = arith.index_cast %parallel_loop3A_646 : i32 to index
        %parallel_loop3A_650 = tpu.vector_load %arg8[%parallel_loop3A_648, %parallel_loop3A_649] {strides = array<i32>} : memref<64x256xf32, #tpu.memory_space<vmem>>, vector<16xf32>,
        tpu.vector_store %arg8[%parallel_loop3A_648, %parallel_loop3A_649], %parallel_loop3A_644 {strides = array<i32>} : memref<64x256xf32, #tpu.memory_space<vmem>>, vector<16xf32>,
        %parallel_loop3A_651 = arith.constant 61 : i32
        %parallel_loop3A_652 = vector.broadcast %parallel_loop3A_651 : i32 to vector<16xi32>
        %parallel_loop3A_653 = tpu.vector_load_idx %arg5[%parallel_loop3A_652, %parallel_loop3A_101] : memref<64x1000xf32, #tpu.memory_space<vmem>>[vector<16xi32>, vector<16xi32>], vector<16xf32>,
        %parallel_loop3A_654 = arith.constant 16 : i32
        %parallel_loop3A_655 = arith.muli %parallel_loop3A_94, %parallel_loop3A_654 : i32
        %parallel_loop3A_656 = arith.constant 61 : i32
        %parallel_loop3A_657 = arith.index_cast %parallel_loop3A_656 : i32 to index
        %parallel_loop3A_658 = arith.index_cast %parallel_loop3A_655 : i32 to index
        %parallel_loop3A_659 = tpu.vector_load %arg8[%parallel_loop3A_657, %parallel_loop3A_658] {strides = array<i32>} : memref<64x256xf32, #tpu.memory_space<vmem>>, vector<16xf32>,
        tpu.vector_store %arg8[%parallel_loop3A_657, %parallel_loop3A_658], %parallel_loop3A_653 {strides = array<i32>} : memref<64x256xf32, #tpu.memory_space<vmem>>, vector<16xf32>,
        %parallel_loop3A_660 = arith.constant 62 : i32
        %parallel_loop3A_661 = vector.broadcast %parallel_loop3A_660 : i32 to vector<16xi32>
        %parallel_loop3A_662 = tpu.vector_load_idx %arg5[%parallel_loop3A_661, %parallel_loop3A_101] : memref<64x1000xf32, #tpu.memory_space<vmem>>[vector<16xi32>, vector<16xi32>], vector<16xf32>,
        %parallel_loop3A_663 = arith.constant 16 : i32
        %parallel_loop3A_664 = arith.muli %parallel_loop3A_94, %parallel_loop3A_663 : i32
        %parallel_loop3A_665 = arith.constant 62 : i32
        %parallel_loop3A_666 = arith.index_cast %parallel_loop3A_665 : i32 to index
        %parallel_loop3A_667 = arith.index_cast %parallel_loop3A_664 : i32 to index
        %parallel_loop3A_668 = tpu.vector_load %arg8[%parallel_loop3A_666, %parallel_loop3A_667] {strides = array<i32>} : memref<64x256xf32, #tpu.memory_space<vmem>>, vector<16xf32>,
        tpu.vector_store %arg8[%parallel_loop3A_666, %parallel_loop3A_667], %parallel_loop3A_662 {strides = array<i32>} : memref<64x256xf32, #tpu.memory_space<vmem>>, vector<16xf32>,
        %parallel_loop3A_669 = arith.constant 63 : i32
        %parallel_loop3A_670 = vector.broadcast %parallel_loop3A_669 : i32 to vector<16xi32>
        %parallel_loop3A_671 = tpu.vector_load_idx %arg5[%parallel_loop3A_670, %parallel_loop3A_101] : memref<64x1000xf32, #tpu.memory_space<vmem>>[vector<16xi32>, vector<16xi32>], vector<16xf32>,
        %parallel_loop3A_672 = arith.constant 16 : i32
        %parallel_loop3A_673 = arith.muli %parallel_loop3A_94, %parallel_loop3A_672 : i32
        %parallel_loop3A_674 = arith.constant 63 : i32
        %parallel_loop3A_675 = arith.index_cast %parallel_loop3A_674 : i32 to index
        %parallel_loop3A_676 = arith.index_cast %parallel_loop3A_673 : i32 to index
        %parallel_loop3A_677 = tpu.vector_load %arg8[%parallel_loop3A_675, %parallel_loop3A_676] {strides = array<i32>} : memref<64x256xf32, #tpu.memory_space<vmem>>, vector<16xf32>,
        tpu.vector_store %arg8[%parallel_loop3A_675, %parallel_loop3A_676], %parallel_loop3A_671 {strides = array<i32>} : memref<64x256xf32, #tpu.memory_space<vmem>>, vector<16xf32>,
      } {sc.loop_unroll_factor = 4 : i64, sc.parallel_access}
      %add3A_85 = arith.constant 256 : i32
      %add3A_86 = arith.addi %mul3A_2, %add3A_85 : i32
      %dma_start3A_87 = arith.constant 0 : i32
      %dma_start3A_88 = tpu.memref_slice %arg4[%scan3A_37, %dma_start3A_87, %add3A_86] : memref<200x64x16384xf32, #tpu.memory_space<hbm>> -> memref<1x64x256xf32, #tpu.memory_space<hbm>>
      %dma_start3A_89 = tpu.memref_squeeze %dma_start3A_88 : memref<1x64x256xf32, #tpu.memory_space<hbm>> -> memref<64x256xf32, #tpu.memory_space<hbm>>
      %dma_start3A_90 = arith.constant 0 : i32
      %dma_start3A_91 = tpu.memref_slice %arg4[%scan3A_37, %dma_start3A_90, %add3A_86] : memref<200x64x16384xf32, #tpu.memory_space<hbm>> -> memref<1x64x256xf32, #tpu.memory_space<hbm>>
      %dma_start3A_92 = tpu.memref_squeeze %dma_start3A_91 : memref<1x64x256xf32, #tpu.memory_space<hbm>> -> memref<64x256xf32, #tpu.memory_space<hbm>>
      tpu.enqueue_dma source(%arg8 : memref<64x256xf32, #tpu.memory_space<vmem>>) target(%dma_start3A_92 : memref<64x256xf32, #tpu.memory_space<hbm>>) target_semaphore(%arg11 : memref<!tpu.dma_semaphore, #tpu.memory_space<semaphore_mem>>)
      %scan3A_93 = arith.constant 0 : i32
      scf.yield %scan3A_93 : i32
    }
    %scan3A_19 = arith.constant 200 : i32
    %dma_wait3A = arith.constant 0 : i32
    %dma_wait3A_20 = arith.constant 0 : i32
    %dma_wait3A_21 = arith.constant 0 : i32
    %dma_wait3A_22 = tpu.memref_slice %arg4[%dma_wait3A, %dma_wait3A_20, %dma_wait3A_21] : memref<200x64x16384xf32, #tpu.memory_space<hbm>> -> memref<1x64x256xf32, #tpu.memory_space<hbm>>
    %dma_wait3A_23 = tpu.memref_squeeze %dma_wait3A_22 : memref<1x64x256xf32, #tpu.memory_space<hbm>> -> memref<64x256xf32, #tpu.memory_space<hbm>>
    %dma_wait3A_24 = arith.constant 0 : i32
    %dma_wait3A_25 = arith.constant 0 : i32
    %dma_wait3A_26 = tpu.memref_slice %arg4[%dma_wait3A, %dma_wait3A_24, %dma_wait3A_25] : memref<200x64x16384xf32, #tpu.memory_space<hbm>> -> memref<1x64x256xf32, #tpu.memory_space<hbm>>
    %dma_wait3A_27 = tpu.memref_squeeze %dma_wait3A_26 : memref<1x64x256xf32, #tpu.memory_space<hbm>> -> memref<64x256xf32, #tpu.memory_space<hbm>>
    tpu.wait_dma2 semaphore(%arg10 : memref<!tpu.dma_semaphore, #tpu.memory_space<semaphore_mem>>) src(%arg7 : memref<64x256xf32, #tpu.memory_space<vmem>>) dst(%dma_wait3A_27 : memref<64x256xf32, #tpu.memory_space<hbm>>)
    %dma_wait3A_28 = arith.constant 0 : i32
    %dma_wait3A_29 = arith.constant 0 : i32
    %dma_wait3A_30 = arith.constant 0 : i32
    %dma_wait3A_31 = tpu.memref_slice %arg4[%dma_wait3A_28, %dma_wait3A_29, %dma_wait3A_30] : memref<200x64x16384xf32, #tpu.memory_space<hbm>> -> memref<1x64x256xf32, #tpu.memory_space<hbm>>
    %dma_wait3A_32 = tpu.memref_squeeze %dma_wait3A_31 : memref<1x64x256xf32, #tpu.memory_space<hbm>> -> memref<64x256xf32, #tpu.memory_space<hbm>>
    %dma_wait3A_33 = arith.constant 0 : i32
    %dma_wait3A_34 = arith.constant 0 : i32
    %dma_wait3A_35 = tpu.memref_slice %arg4[%dma_wait3A_28, %dma_wait3A_33, %dma_wait3A_34] : memref<200x64x16384xf32, #tpu.memory_space<hbm>> -> memref<1x64x256xf32, #tpu.memory_space<hbm>>
    %dma_wait3A_36 = tpu.memref_squeeze %dma_wait3A_35 : memref<1x64x256xf32, #tpu.memory_space<hbm>> -> memref<64x256xf32, #tpu.memory_space<hbm>>
    tpu.wait_dma2 semaphore(%arg11 : memref<!tpu.dma_semaphore, #tpu.memory_space<semaphore_mem>>) src(%arg8 : memref<64x256xf32, #tpu.memory_space<vmem>>) dst(%dma_wait3A_36 : memref<64x256xf32, #tpu.memory_space<hbm>>)
    return
  }
}

</mosaic_0001>

<sc_bundles>
// kernel: kernel.3.cloned.1.call-start
scs
__scs_entry_jumppad:
0x0: {  	(pc) =	sbr.rel $0x88, $3  }
0x1: {  	(tag) =	ssettag $0x0;
	lr =	simm.s32 $0x1  }
0x2: {  	[smem:$0x3F9F] =	sst lr;
	_ =	strace $0xD0000000  }
0x3: {  	_ = 	snop  }
0x4: {  	_ = 	snop  }
0x5: {  	_ = 	snop  }
0x6: {  	_ = 	snop  }
0x7: {  	_ = 	snop  }
__scs_overlays_trampoline_lowered:
0x8: {  	[smem:$0x3FAE] =	sst s0  }
0x9: {  	[smem:$0x3FAF] =	sst s1  }
0xa: {  	[smem:$0x3FB0] =	sst s2  }
0xb: {  	[smem:$0x3FB1] =	sst s3  }
0xc: {  	[smem:$0x3FB2] =	sst s4  }
0xd: {  	[smem:$0x3FB3] =	sst s5  }
0xe: {  	[smem:$0x3FB4] =	sst s6  }
0xf: {  	[smem:$0x3FB5] =	sst s7  }
0x10: {  	[smem:$0x3FB6] =	sst s8  }
0x11: {  	[smem:$0x3FB7] =	sst s9;
	s0 =	simm.s32 @!p0 $0x0  }
0x12: {  	s1 =	sld [smem:$0x3F9D];
	s0 =	simm.s32 @p0 $0x1  }
0x13: {  	[smem:$0x3FB8] =	sst s0;
	s0 =	simm.s32 @!p1 $0x0  }
0x14: {  	s2 =	sld [smem:$0x3F9C];
	s0 =	simm.s32 @p1 $0x1  }
0x15: {  	[smem:$0x3FB9] =	sst s0;
	s0 =	simm.s32 @!p2 $0x0  }
0x16: {  	s3 =	sld [smem:$0x3FDB];
	s0 =	simm.s32 @p2 $0x1  }
0x17: {  	s4 =	simm.s32 $0x1BF5;
	[smem:$0x3FBB] =	sst s0  }
0x18: {  	s0 =	sld [smem:$0x3F9E];
	_ =	swait.ge [sflag:s4], $0x0  }
0x19: {  	s7 =	sld [smem:$0x3F9F]  }
0x1a: {  	s8 =	sadd.s32 $0xFFFFE003, lr  }
0x1b: {  	s9 =	sadd.s32 $0xFFFFFEF7, lr;
	s5 =	simm.s32 $0xFFFFFFFF;
	p2 =	slt.u32 s8, $0xFFFFF086  }
0x1c: {  	p1 =	slt.u32 s9, $0xF7A;
	s5 =	simm.s32 @!p2 $0x0  }
0x1d: {  	s5 =	simm.s32 @p1 $0x1;
	p0 =	seq.s32 s7, s2  }
0x1e: {  	s7 =	smul.u32 @!p0 $0xF7A, s2;
	p2 =	seq.s32 @!p0 s5, $0x0  }
0x1f: {  	s9 =	smul.u32 $0xF7A, s1;
	s8 =	simm.s32 @!p0 $0x1BF5;
	p2 =	por !p2, p0  }
0x20: {  	[sflag:s8] =	ssyncset.s32 @!p0 $0xFFFFF086;
	s6 =	sadd.s32 @!p0 s3, s7;
	s7 =	simm.s32 @!p0 $0x108  }
0x21: {  	s3 =	sadd.s32 s3, s9;
	s6 =	sadd.s32 @!p0 $0x88, s6;
	s7 =	simm.s32 @p2 $0x1082  }
0x22: {  	[simem:s7], [sflag:s8] =	dma.local @!p0 [hbm:s6], $0xF7A  }
0x23: {  	s9 =	sor.u32 $0xD0000000, s2;
	s6 =	simm.s32 $0x108;
	_ =	swait.ge @!p0 [sflag:s8], $0x0  }
0x24: {  	s3 =	sadd.s32 $0x88, s3;
	s6 =	simm.s32 @!p1 $0x1082;
	[sflag:s4] =	ssyncset.s32 $0xFFFFF086  }
0x25: {  	[simem:s6], [sflag:s4] =	dma.local [hbm:s3], $0xF7A  }
0x26: {  	[smem:$0x3F9F] =	sst s1;
	(tag) =	ssettag s2;
	_ =	strace s9  }
0x27: {  	s1 =	sld [smem:$0x3FAF]  }
0x28: {  	s2 =	sld [smem:$0x3FB0]  }
0x29: {  	s4 =	sld [smem:$0x3FB2]  }
0x2a: {  	p0 =	seq.s32 s5, $0x0;
	s5 =	sld [smem:$0x3FB3]  }
0x2b: {  	s6 =	sld [smem:$0x3FB4]  }
0x2c: {  	s7 =	sld [smem:$0x3FB5]  }
0x2d: {  	s3 =	simm.s32 $0x108;
	s8 =	sld [smem:$0x3FB6]  }
0x2e: {  	s3 =	simm.s32 @!p0 $0x1082;
	s9 =	sld [smem:$0x3FB7]  }
0x2f: {  	lr =	sadd.s32 s0, s3;
	s0 =	sld [smem:$0x3FAE]  }
0x30: {  	s3 =	sld [smem:$0x3FB1]  }
0x31: {  	[smem:$0x3FBA] =	sst s10  }
0x32: {  	s10 =	sld [smem:$0x3FB8];
	_ =	sdelay $0x3  }
0x33: {  	p0 =	seq.s32 s10, $0x1;
	s10 =	sld [smem:$0x3FBA];
	_ =	sdelay $0x3  }
0x34: {  	[smem:$0x3FBA] =	sst s10  }
0x35: {  	s10 =	sld [smem:$0x3FB9];
	_ =	sdelay $0x3  }
0x36: {  	p1 =	seq.s32 s10, $0x1;
	s10 =	sld [smem:$0x3FBA];
	_ =	sdelay $0x3  }
0x37: {  	[smem:$0x3FBA] =	sst s10  }
0x38: {  	s10 =	sld [smem:$0x3FBB]  }
0x39: {  	_ = 	snop;
	(pc) =	sbr.ind lr, $3  }
0x3a: {  	_ = 	snop  }
0x3b: {  	_ = 	snop  }
0x3c: {  	p2 =	seq.s32 s10, $0x1;
	s10 =	sld [smem:$0x3FBA]  }
0x3d: {  	_ =	shalt  }
0x3e: {  	_ =	shalt  }
0x3f: {  	_ =	shalt  }
0x40: {  	_ =	shalt  }
0x41: {  	_ =	shalt  }
0x42: {  	_ =	shalt  }
0x43: {  	_ =	shalt  }
0x44: {  	_ =	shalt  }
0x45: {  	_ =	shalt  }
0x46: {  	_ =	shalt  }
0x47: {  	_ =	shalt  }
0x48: {  	_ =	shalt  }
0x49: {  	_ =	shalt  }
0x4a: {  	_ =	shalt  }
0x4b: {  	_ =	shalt  }
0x4c: {  	_ =	shalt  }
0x4d: {  	_ =	shalt  }
0x4e: {  	_ =	shalt  }
0x4f: {  	_ =	shalt  }
0x50: {  	_ =	shalt  }
0x51: {  	_ =	shalt  }
0x52: {  	_ =	shalt  }
0x53: {  	_ =	shalt  }
0x54: {  	_ =	shalt  }
0x55: {  	_ =	shalt  }
0x56: {  	_ =	shalt  }
0x57: {  	_ =	shalt  }
0x58: {  	_ =	shalt  }
0x59: {  	_ =	shalt  }
0x5a: {  	_ =	shalt  }
0x5b: {  	_ =	shalt  }
0x5c: {  	_ =	shalt  }
0x5d: {  	_ =	shalt  }
0x5e: {  	_ =	shalt  }
0x5f: {  	_ =	shalt  }
0x60: {  	_ =	shalt  }
0x61: {  	_ =	shalt  }
0x62: {  	_ =	shalt  }
0x63: {  	_ =	shalt  }
0x64: {  	_ =	shalt  }
0x65: {  	_ =	shalt  }
0x66: {  	_ =	shalt  }
0x67: {  	_ =	shalt  }
0x68: {  	_ =	shalt  }
0x69: {  	_ =	shalt  }
0x6a: {  	_ =	shalt  }
0x6b: {  	_ =	shalt  }
0x6c: {  	_ =	shalt  }
0x6d: {  	_ =	shalt  }
0x6e: {  	_ =	shalt  }
0x6f: {  	_ =	shalt  }
0x70: {  	_ =	shalt  }
0x71: {  	_ =	shalt  }
0x72: {  	_ =	shalt  }
0x73: {  	_ =	shalt  }
0x74: {  	_ =	shalt  }
0x75: {  	_ =	shalt  }
0x76: {  	_ =	shalt  }
0x77: {  	_ =	shalt  }
0x78: {  	_ =	shalt  }
0x79: {  	_ =	shalt  }
0x7a: {  	_ =	shalt  }
0x7b: {  	_ =	shalt  }
0x7c: {  	_ =	shalt  }
0x7d: {  	_ =	shalt  }
0x7e: {  	_ =	shalt  }
0x7f: {  	_ =	shalt  }
0x80: {  	_ =	shalt  }
0x81: {  	_ =	shalt  }
0x82: {  	_ =	shalt  }
0x83: {  	_ =	shalt  }
0x84: {  	_ =	shalt  }
0x85: {  	_ =	shalt  }
0x86: {  	_ =	shalt  }
0x87: {  	_ =	shalt  }
.Lfunc_end0:
.L_simem_size_0:
called_computation_lowered:
.L_overlay_start_0:
0x88: {  	s2 =	sld [smem:$0x3FD9]  }
0x89: {  	s3 =	sld [smem:$0x3FFE];
	_ =	sdelay $0x1  }
0x8a: {  	s1 =	srdreg.scid  }
0x8b: {  	s0 =	sand.u32 $0x1, s1  }
0x8c: {  	s18 =	sshll.u32 s0, $0xA;
	s2 =	sadd.s32 s3, s2  }
0x8d: {  	s2 =	sadd.s32 s2, s18  }
0x8e: {  	[smem:$0x3FC6] =	sst s2  }
0x8f: {  	_ = 	snop  }
0x90: {  	s2 =	sld [smem:$0x3FC9]  }
0x91: {  	s19 =	sld [smem:$0x3FC8]  }
0x92: {  	s4 =	sld [smem:$0x3FD0];
	(tm) =	ssettm $0x1  }
0x93: {  	s5 =	sld [smem:$0x3FFB];
	_ =	sdelay $0x3  }
0x94: {  	_ =	strace s5  }
0x95: {  	s5 =	sld [smem:$0x3FFC];
	_ =	sdelay $0x3  }
0x96: {  	_ =	strace s5  }
0x97: {  	s5 =	sld [smem:$0x3FFD];
	_ =	sdelay $0x3  }
0x98: {  	_ =	strace s5  }
0x99: {  	_ =	strace $0x8FFFFFFF  }
0x9a: {  	s20 =	sld [smem:$0x3FDB];
	_ =	sdelay $0x1  }
0x9b: {  	s6 =	simm.s32 $_scs_section_size  }
0x9c: {  	s7 =	simm.s32 $_size__tile_overlayer_lowered;
	s8 =	simm.s32 $_tile_overlayer_lowered  }
0x9d: {  	s23 =	simm.s32 $0x1BFF;
	s22 =	sshll.u32 s8, $0x1;
	s5 =	sadd.s32 s6, s20  }
0x9e: {  	s9 =	simm.s32 $0x0;
	s21 =	sshll.u32 s7, $0x1;
	s7 =	sadd.s32 s22, s5  }
0x9f: {  	[timem:s9], [sflag:s23] =	dma.local [hbm:s7], s21  }
0xa0: {  	_ =	swait.ge [sflag:s23], s21  }
0xa1: {  	s6 =	ssub.s32 $0x0, s21;
	[sflag:s23] =	ssyncset.done $0x0  }
0xa2: {  	[sflag:s23] =	ssyncadd.s32 s6;
	_ =	sdelay $0x1  }
0xa3: {  	s24 =	simm.s32 $0x1B8B  }
0xa4: {  	_ =	swait.ge [sflag:s24], $0x1  }
0xa5: {  	[sflag:s24] =	ssyncset.done $0x0  }
0xa6: {  	s25 =	simm.s32 $0x1B8E;
	[sflag:s24] =	ssyncadd.s32 $0xFFFFFFFF  }
0xa7: {  	s26 =	simm.s32 $execute0_lowered;
	[smem:$0x3FD2] =	sst s25  }
0xa8: {  	s6 =	sshll.u32 s26, $0x1;
	_ =	strace $0x80000046;
	[dreg:$0x1] =	wrdreg $0xFFFFFFFF  }
0xa9: {  	s28 =	simm.s32 $_size_execute0_lowered;
	s5 =	sadd.s32 s5, s6;
	[dreg:$0x0] =	wrdreg $0x0  }
0xaa: {  	s6 =	sshll.u32 s28, $0x1;
	[dreg:$0x2] =	wrdreg s5  }
0xab: {  	[dreg:$0x3] =	wrdreg s6  }
0xac: {  	[dreg:$0x4] =	wrdreg $0xC0  }
0xad: {  	_ =	task [dreg:s9], $0x5FFFF  }
0xae: {  	[dreg:$0x1] =	wrdreg $0xFFFFFFFF  }
0xaf: {  	[dreg:$0x0] =	wrdreg $0x60  }
0xb0: {  	[dreg:$0x2] =	wrdreg s2  }
0xb1: {  	[dreg:$0x3] =	wrdreg s19  }
0xb2: {  	[dreg:$0x4] =	wrdreg s4  }
0xb3: {  	[dreg:$0x5] =	wrdreg $0x9  }
0xb4: {  	_ =	task.clear_ibuf [dreg:s9], $0x6FFFF;
	_ =	strace $0x90000046  }
0xb5: {  	s29 =	simm.s32 $0x9;
	_ =	strace $0x80000048  }
0xb6: {  	_ =	swait.ge [sflag:s29], $0x1  }
0xb7: {  	[sflag:s29] =	ssyncadd.s32 $0xFFFFFFFF  }
0xb8: {  	_ =	strace $0x90000048  }
0xb9: {  	_ =	sfence  }
0xba: {  	s30 =	sld [smem:$0x0];
	_ =	sdelay $0x2  }
0xbb: {  	s31 =	sshll.u32 s1, $0xD;
	s1 =	sshrl.u32 s1, $0x2  }
0xbc: {  	s3 =	sand.u32 $0x4000, s31;
	s1 =	sadd.s32 s1, s30  }
0xbd: {  	s0 =	sor.u32 s3, s0;
	s1 =	sshll.u32 s1, $0x11  }
0xbe: {  	s0 =	sor.u32 s1, s0  }
0xbf: {  	s0 =	sadd.s32 $0x8F2B, s0  }
0xc0: {  	[sflag:s0] =	ssyncadd.remote.s32 $0x1  }
0xc1: {  	_ =	sfence.sel $0xFFFF  }
0xc2: {  	[dreg:$0x0] =	wrdreg $0xFFFFFFFF;
	(pc) =	sbr.abs _section_cstart, $3  }
0xc3: {  	[dreg:$0x1] =	wrdreg $0xFFFFFFFF  }
0xc4: {  	_ =	task.clear_ibuf [dreg:s9], $0x2FFFF;
	_ =	strace $0x9FFFFFFF  }
0xc5: {  	(tm) =	ssettm $0x7FFFFFFF  }
tec
execute0_lowered:
.L_overlay_start_1:
0x0: {  	(tag) =	ssettag $0x1  }
0x1: {  	s0 =	rddreg [dreg:$0x0]  }
0x2: {  	s1 =	rddreg [dreg:$0x2]  }
0x3: {  	s3 =	simm.s32 $0x0;
	s2 =	srdreg.scid;
	s5 =	stileid.u32  }
0x4: {  	s8 =	simm.s32 $0x4;
	s16 =	simm.s32 $0x1;
	s17 =	simm.s32 $0x800  }
0x5: {  	s18 =	simm.s32 $0x20000;
	s19 =	simm.s32 $0x10400;
	s20 =	simm.s32 $0x14400  }
0x6: {  	s21 =	simm.s32 $0x2;
	s22 =	simm.s32 $0x3;
	s2 =	sand.u32 $0x1, s2  }
0x7: {  	s23 =	simm.s32 $0x0;
	[smem:$0x7FF] =	sst s3;
	s4 =	ssub.s32 $0x2, s2  }
0x8: {  	s5 =	sshll.u32 s5, $0xA;
	s2 =	sshll.u32 s2, $0x9;
	s6 =	sshrl.u32 s4, $0x1  }
0x9: {  	_ =	strace $0x80000047;
	s2 =	sor.u32 s2, s5;
	s7 =	ssub.s32 s4, s6  }
0xa: {  	s4 =	sadd.s32 s0, s2;
	s5 =	sadd.s32 s1, s2;
	s30 =	smax.u32 s7, $0x1  }
0xb: {  	s6 =	sadd.s32 $0x100, s5;
	s31 =	sadd.s32 $0x80, s4;
	[dreg:$0x5] =	wrdreg s30  }
0xc: {  	s12 =	sadd.s32 $0x100, s4;
	s14 =	sadd.s32 $0x180, s4;
	[dreg:$0x6] =	wrdreg s31  }
.LBB2_1:
0xd: {  	s0 =	rddreg [dreg:$0x1]  }
0xe: {  	[tilespmem:s3], [sflag:$0x4] =	stream.linear.gather [hbm4b:s0+s3], $0x10000, $0x38;
	[tilespmem:$0x18400] =	vst v63  }
0xf: {  	_ =	swait.ge [sflag:s8], $0x10000  }
0x10: {  	[sflag:s8] =	ssyncset.done $0x0  }
0x11: {  	s28 =	simm.s32 $0x10000;
	[sflag:s8] =	ssyncadd.s32 $0xFFFF0000  }
0x12: {  	[tilespmem:s28], [sflag:$0x1] =	stream.linear.gather [hbm4b:s4+s3], $0x80, $0x38;
	[tilespmem:$0x18400] =	vst v63  }
0x13: {  	s1 =	simm.s32 $0x10100;
	s29 =	rddreg [dreg:$0x6]  }
0x14: {  	[tilespmem:s1], [sflag:$0x1] =	stream.linear.gather [hbm4b:s29+s3], $0x80, $0x38;
	[tilespmem:$0x18400] =	vst v63  }
0x15: {  	s30 =	simm.s32 $0x10200  }
0x16: {  	[tilespmem:s30], [sflag:$0x1] =	stream.linear.gather [hbm4b:s12+s3], $0x80, $0x38;
	[tilespmem:$0x18400] =	vst v63  }
0x17: {  	s31 =	simm.s32 $0x10300;
	s24 =	simm.s32 $0x0  }
0x18: {  	[tilespmem:s31], [sflag:$0x1] =	stream.linear.gather [hbm4b:s14+s3], $0x80, $0x38;
	[tilespmem:$0x18400] =	vst v63  }
.LBB2_2:
0x19: {  	p0 =	seq.s32 s24, $0xC7;
	_ =	swait.ge [sflag:s16], $0x200  }
0x1a: {  	s0 =	sadd.s32 @!p0 $0x1, s24;
	[sflag:s16] =	ssyncset.done $0x0  }
0x1b: {  	s9 =	simm.s32 @!p0 $0x0;
	s1 =	sshll.u32 @!p0 s0, $0x4;
	s2 =	sshll.u32 @!p0 s0, $0xB  }
0x1c: {  	s0 =	sshll.u32 @!p0 s0, $0x7;
	s1 =	sand.u32 @!p0 $0x70, s1;
	s2 =	sand.u32 @!p0 $0xFC000, s2  }
0x1d: {  	p1 =	seq.s32 @!p0 s24, $0x0;
	s0 =	sand.u32 @!p0 $0x80, s0;
	s1 =	sor.u32 @!p0 s1, s2  }
0x1e: {  	[sflag:s16] =	ssyncadd.s32 $0xFFFFFE00;
	s2 =	sor.u32 @!p0 $0x10000, s0;
	s1 =	sadd.s32 @!p0 s1, s4  }
0x1f: {  	[tilespmem:s2], [sflag:$0x1] =	stream.linear.gather @!p0 [hbm4b:s1+s9], $0x80, $0x38;
	[tilespmem:$0x18400] =	vst v63  }
0x20: {  	p1 =	por p0, !p1;
	s11 =	sor.u32 @!p0 $0x10100, s0;
	s2 =	sadd.s32 @!p0 $0x80, s1  }
0x21: {  	[tilespmem:s11], [sflag:$0x1] =	stream.linear.gather @!p0 [hbm4b:s2+s9], $0x80, $0x38;
	[tilespmem:$0x18400] =	vst v63  }
.Ltmp0:
0x22: {  	_ = 	snop;
	(pc) =	sbr.rel @!p1 .LBB2_3-.Ltmp0, $4  }
0x23: {  	s2 =	sadd.s32 @!p0 $0x100, s1;
	s11 =	sor.u32 @!p0 $0x10200, s0  }
0x24: {  	[tilespmem:s11], [sflag:$0x1] =	stream.linear.gather @!p0 [hbm4b:s2+s9], $0x80, $0x38;
	[tilespmem:$0x18400] =	vst v63  }
0x25: {  	s1 =	sadd.s32 @!p0 $0x180, s1;
	s0 =	sor.u32 @!p0 $0x10300, s0  }
0x26: {  	[tilespmem:s0], [sflag:$0x1] =	stream.linear.gather @!p0 [hbm4b:s1+s9], $0x80, $0x38;
	[tilespmem:$0x18400] =	vst v63  }
.Ltmp1:
0x27: {  	(pc) =	sbr.rel .LBB2_5-.Ltmp1, $4  }
0x28: {  	_ = 	snop  }
0x29: {  	_ =	swait.ge [sflag:s21], $0x4000  }
0x2a: {  	[sflag:s21] =	ssyncset.done $0x0  }
0x2b: {  	p0 =	por $0x0, $0x0;
	[sflag:s21] =	ssyncadd.s32 $0xFFFFC000  }
.LBB2_3:
0x2c: {  	p0 =	por @!p0 $0x1, $0x1  }
.LBB2_5:
0x2d: {  	s0 =	sand.u32 $0x1, s24  }
0x2e: {  	s30 =	sshll.u32 s0, $0x7  }
0x2f: {  	s2 =	simm.s32 $0x0;
	s0 =	sor.u32 $0x10000, s30  }
0x30: {  	s25 =	simm.s32 $0x0;
	[dreg:$0x4] =	wrdreg s0;
	s0 =	simm.s32 $0xFFFFFFFC  }
.LBB2_6:
0x31: {  	s28 =	sand.u32 $0x400, s2  }
0x32: {  	s1 =	rddreg [dreg:$0x4];
	s9 =	sshrl.u32 s28, $0x2  }
0x33: {  	s26 =	sand.u32 $0x40, s25;
	s9 =	sadd.s32 s9, s1  }
0x34: {  	s1 =	sadd.s32 s26, s9  }
0x35: {  	v0 =	vld [tilespmem:s1+$0x0];
	_ =	sdelay $0x4  }
0x36: {  	v1 =	vshll.u32 v0, $0x3  }
0x37: {  	v0 =	vand.u32 $0x7F, v0;
	v1 =	vand.u32 $0xFFFFFC00, v1  }
0x38: {  	v0 =	vor.u32 v0, v1;
	_ =	sdelay $0x4  }
0x39: {  	v1 =	vld.idx.msk [tilespmem:v0+s3+$0x0], $0xffff  }
0x3a: {  	v2 =	vor.u32 $0x80, v0;
	_ =	sdelay $0x1  }
0x3b: {  	s11 =	sadd.s32 $0x10400, s28  }
0x3c: {  	s31 =	sor.u32 s26, s11  }
0x3d: {  	[tilespmem:s31+$0x0] =	vst v1  }
0x3e: {  	v1 =	vld.idx.msk [tilespmem:v2+s3+$0x0], $0xffff  }
0x3f: {  	v22 =	vor.u32 $0x100, v0;
	_ =	sdelay $0x3  }
0x40: {  	[tilespmem:s31+$0x80] =	vst v1  }
0x41: {  	v1 =	vld.idx.msk [tilespmem:v22+s3+$0x0], $0xffff  }
0x42: {  	v23 =	vor.u32 $0x180, v0;
	_ =	sdelay $0x3  }
0x43: {  	[tilespmem:s31+$0x100] =	vst v1  }
0x44: {  	v1 =	vld.idx.msk [tilespmem:v23+s3+$0x0], $0xffff  }
0x45: {  	v24 =	vor.u32 $0x200, v0;
	_ =	sdelay $0x3  }
0x46: {  	[tilespmem:s31+$0x180] =	vst v1  }
0x47: {  	v1 =	vld.idx.msk [tilespmem:v24+s3+$0x0], $0xffff  }
0x48: {  	v25 =	vor.u32 $0x280, v0;
	_ =	sdelay $0x3  }
0x49: {  	[tilespmem:s31+$0x200] =	vst v1  }
0x4a: {  	v1 =	vld.idx.msk [tilespmem:v25+s3+$0x0], $0xffff  }
0x4b: {  	v26 =	vor.u32 $0x300, v0;
	_ =	sdelay $0x3  }
0x4c: {  	[tilespmem:s31+$0x280] =	vst v1  }
0x4d: {  	v1 =	vld.idx.msk [tilespmem:v26+s3+$0x0], $0xffff  }
0x4e: {  	v27 =	vor.u32 $0x380, v0;
	_ =	sdelay $0x3  }
0x4f: {  	[tilespmem:s31+$0x300] =	vst v1  }
0x50: {  	v1 =	vld.idx.msk [tilespmem:v27+s3+$0x0], $0xffff;
	_ =	sdelay $0x3  }
0x51: {  	s29 =	sor.u32 $0x10, s26  }
0x52: {  	s7 =	sadd.s32 s29, s9;
	s1 =	sor.u32 $0x20, s26;
	[tilespmem:s31+$0x380] =	vst v1  }
0x53: {  	s13 =	sadd.s32 s1, s9;
	s31 =	sor.u32 $0x30, s26;
	v1 =	vld [tilespmem:s7+$0x0]  }
0x54: {  	v28 =	vld [tilespmem:s13+$0x0];
	s9 =	sadd.s32 s31, s9  }
0x55: {  	v3 =	vld [tilespmem:s9+$0x0];
	_ =	sdelay $0x2  }
0x56: {  	v4 =	vshll.u32 v1, $0x3;
	v1 =	vand.u32 $0x7F, v1  }
0x57: {  	v29 =	vshll.u32 v28, $0x3;
	v2 =	vand.u32 $0x7F, v28;
	v4 =	vand.u32 $0xFFFFFC00, v4  }
0x58: {  	v5 =	vshll.u32 v3, $0x3;
	v1 =	vor.u32 v1, v4;
	v4 =	vand.u32 $0xFFFFFC00, v29  }
0x59: {  	v3 =	vand.u32 $0x7F, v3;
	v30 =	vand.u32 $0xFFFFFC00, v5;
	v2 =	vor.u32 v2, v4  }
0x5a: {  	v3 =	vor.u32 v3, v30;
	_ =	sdelay $0x2  }
0x5b: {  	v31 =	vld.idx.msk [tilespmem:v1+s3+$0x0], $0xffff  }
0x5c: {  	v32 =	vor.u32 $0x80, v1;
	v6 =	vld.idx.msk [tilespmem:v2+s3+$0x0], $0xffff  }
0x5d: {  	v7 =	vor.u32 $0x80, v2;
	v8 =	vld.idx.msk [tilespmem:v3+s3+$0x0], $0xffff  }
0x5e: {  	v9 =	vor.u32 $0x80, v3  }
0x5f: {  	s9 =	sor.u32 s29, s11  }
0x60: {  	s10 =	sor.u32 s1, s11;
	[tilespmem:s9+$0x0] =	vst v31  }
0x61: {  	s11 =	sor.u32 s31, s11;
	v4 =	vld.idx.msk [tilespmem:v32+s3+$0x0], $0xffff;
	[tilespmem:s10+$0x0] =	vst v6  }
0x62: {  	v33 =	vor.u32 $0x100, v1;
	[tilespmem:s11+$0x0] =	vst v8;
	v6 =	vld.idx.msk [tilespmem:v7+s3+$0x0], $0xffff  }
0x63: {  	v34 =	vor.u32 $0x100, v2;
	v8 =	vld.idx.msk [tilespmem:v9+s3+$0x0], $0xffff  }
0x64: {  	v35 =	vor.u32 $0x100, v3;
	_ =	sdelay $0x1  }
0x65: {  	[tilespmem:s9+$0x80] =	vst v4  }
0x66: {  	v4 =	vld.idx.msk [tilespmem:v33+s3+$0x0], $0xffff;
	[tilespmem:s10+$0x80] =	vst v6  }
0x67: {  	v36 =	vor.u32 $0x180, v1;
	[tilespmem:s11+$0x80] =	vst v8;
	v6 =	vld.idx.msk [tilespmem:v34+s3+$0x0], $0xffff  }
0x68: {  	v37 =	vor.u32 $0x180, v2;
	v8 =	vld.idx.msk [tilespmem:v35+s3+$0x0], $0xffff  }
0x69: {  	v38 =	vor.u32 $0x180, v3;
	_ =	sdelay $0x1  }
0x6a: {  	[tilespmem:s9+$0x100] =	vst v4  }
0x6b: {  	v4 =	vld.idx.msk [tilespmem:v36+s3+$0x0], $0xffff;
	[tilespmem:s10+$0x100] =	vst v6  }
0x6c: {  	v39 =	vor.u32 $0x200, v1;
	[tilespmem:s11+$0x100] =	vst v8;
	v6 =	vld.idx.msk [tilespmem:v37+s3+$0x0], $0xffff  }
0x6d: {  	v40 =	vor.u32 $0x200, v2;
	v8 =	vld.idx.msk [tilespmem:v38+s3+$0x0], $0xffff  }
0x6e: {  	v41 =	vor.u32 $0x200, v3;
	_ =	sdelay $0x1  }
0x6f: {  	[tilespmem:s9+$0x180] =	vst v4  }
0x70: {  	v4 =	vld.idx.msk [tilespmem:v39+s3+$0x0], $0xffff;
	[tilespmem:s10+$0x180] =	vst v6  }
0x71: {  	v42 =	vor.u32 $0x280, v1;
	[tilespmem:s11+$0x180] =	vst v8;
	v6 =	vld.idx.msk [tilespmem:v40+s3+$0x0], $0xffff  }
0x72: {  	v43 =	vor.u32 $0x280, v2;
	v8 =	vld.idx.msk [tilespmem:v41+s3+$0x0], $0xffff  }
0x73: {  	v44 =	vor.u32 $0x280, v3;
	_ =	sdelay $0x1  }
0x74: {  	[tilespmem:s9+$0x200] =	vst v4  }
0x75: {  	v4 =	vld.idx.msk [tilespmem:v42+s3+$0x0], $0xffff;
	[tilespmem:s10+$0x200] =	vst v6  }
0x76: {  	v45 =	vor.u32 $0x300, v1;
	[tilespmem:s11+$0x200] =	vst v8;
	v6 =	vld.idx.msk [tilespmem:v43+s3+$0x0], $0xffff  }
0x77: {  	v46 =	vor.u32 $0x300, v2;
	v8 =	vld.idx.msk [tilespmem:v44+s3+$0x0], $0xffff  }
0x78: {  	v47 =	vor.u32 $0x300, v3;
	_ =	sdelay $0x1  }
0x79: {  	[tilespmem:s9+$0x280] =	vst v4  }
0x7a: {  	v4 =	vld.idx.msk [tilespmem:v45+s3+$0x0], $0xffff;
	[tilespmem:s10+$0x280] =	vst v6  }
0x7b: {  	v48 =	vor.u32 $0x380, v1;
	[tilespmem:s11+$0x280] =	vst v8;
	v6 =	vld.idx.msk [tilespmem:v46+s3+$0x0], $0xffff  }
0x7c: {  	v49 =	vor.u32 $0x380, v2;
	v8 =	vld.idx.msk [tilespmem:v47+s3+$0x0], $0xffff  }
0x7d: {  	v50 =	vor.u32 $0x380, v3;
	_ =	sdelay $0x1  }
0x7e: {  	[tilespmem:s9+$0x300] =	vst v4  }
0x7f: {  	v51 =	vadd.s32 $0x2000, v0;
	v5 =	vld.idx.msk [tilespmem:v48+s3+$0x0], $0xffff;
	[tilespmem:s10+$0x300] =	vst v6  }
0x80: {  	v52 =	vadd.s32 $0x2000, v1;
	[tilespmem:s11+$0x300] =	vst v8;
	v7 =	vld.idx.msk [tilespmem:v49+s3+$0x0], $0xffff  }
0x81: {  	v53 =	vadd.s32 $0x2000, v2;
	v9 =	vld.idx.msk [tilespmem:v50+s3+$0x0], $0xffff  }
0x82: {  	v10 =	vadd.s32 $0x2000, v3;
	_ =	sdelay $0x1  }
0x83: {  	v4 =	vld.idx.msk [tilespmem:v51+s3+$0x0], $0xffff;
	[tilespmem:s9+$0x380] =	vst v5  }
0x84: {  	v54 =	vadd.s32 $0x2080, v0;
	v6 =	vld.idx.msk [tilespmem:v52+s3+$0x0], $0xffff;
	[tilespmem:s10+$0x380] =	vst v7  }
0x85: {  	v55 =	vadd.s32 $0x2080, v1;
	[tilespmem:s11+$0x380] =	vst v9;
	v8 =	vld.idx.msk [tilespmem:v53+s3+$0x0], $0xffff  }
0x86: {  	s15 =	sadd.s32 $0x10C00, s28;
	v56 =	vadd.s32 $0x2080, v2;
	v10 =	vld.idx.msk [tilespmem:v10+s3+$0x0], $0xffff  }
0x87: {  	s7 =	sor.u32 s26, s15;
	v11 =	vadd.s32 $0x2080, v3  }
0x88: {  	[tilespmem:s7+$0x0] =	vst v4;
	s10 =	sor.u32 s29, s15  }
0x89: {  	s13 =	sor.u32 s1, s15;
	v4 =	vld.idx.msk [tilespmem:v54+s3+$0x0], $0xffff;
	[tilespmem:s10+$0x0] =	vst v6  }
0x8a: {  	v57 =	vadd.s32 $0x2100, v0;
	s9 =	sor.u32 s31, s15;
	v6 =	vld.idx.msk [tilespmem:v55+s3+$0x0], $0xffff;
	[tilespmem:s13+$0x0] =	vst v8  }
0x8b: {  	v58 =	vadd.s32 $0x2100, v1;
	[tilespmem:s9+$0x0] =	vst v10;
	v8 =	vld.idx.msk [tilespmem:v56+s3+$0x0], $0xffff  }
0x8c: {  	v59 =	vadd.s32 $0x2100, v2;
	s15 =	sadd.s32 $0x10C80, s28;
	v10 =	vld.idx.msk [tilespmem:v11+s3+$0x0], $0xffff  }
0x8d: {  	v60 =	vadd.s32 $0x2100, v3;
	s7 =	sor.u32 s26, s15  }
0x8e: {  	[tilespmem:s7+$0x0] =	vst v4;
	s10 =	sor.u32 s29, s15  }
0x8f: {  	v4 =	vld.idx.msk [tilespmem:v57+s3+$0x0], $0xffff;
	s13 =	sor.u32 s1, s15;
	[tilespmem:s10+$0x0] =	vst v6  }
0x90: {  	v61 =	vadd.s32 $0x2180, v0;
	s9 =	sor.u32 s31, s15;
	v6 =	vld.idx.msk [tilespmem:v58+s3+$0x0], $0xffff;
	[tilespmem:s13+$0x0] =	vst v8  }
0x91: {  	v62 =	vadd.s32 $0x2180, v1;
	[tilespmem:s9+$0x0] =	vst v10;
	v8 =	vld.idx.msk [tilespmem:v59+s3+$0x0], $0xffff  }
0x92: {  	v63 =	vadd.s32 $0x2180, v2;
	s15 =	sadd.s32 $0x10D00, s28;
	v10 =	vld.idx.msk [tilespmem:v60+s3+$0x0], $0xffff  }
0x93: {  	v12 =	vadd.s32 $0x2180, v3;
	s7 =	sor.u32 s26, s15  }
0x94: {  	[tilespmem:s7+$0x0] =	vst v4;
	s10 =	sor.u32 s29, s15  }
0x95: {  	v4 =	vld.idx.msk [tilespmem:v61+s3+$0x0], $0xffff;
	s13 =	sor.u32 s1, s15;
	[tilespmem:s10+$0x0] =	vst v6  }
0x96: {  	v13 =	vadd.s32 $0x2200, v0;
	s9 =	sor.u32 s31, s15;
	v6 =	vld.idx.msk [tilespmem:v62+s3+$0x0], $0xffff;
	[tilespmem:s13+$0x0] =	vst v8  }
0x97: {  	v14 =	vadd.s32 $0x2200, v1;
	[tilespmem:s9+$0x0] =	vst v10;
	v8 =	vld.idx.msk [tilespmem:v63+s3+$0x0], $0xffff  }
0x98: {  	v15 =	vadd.s32 $0x2200, v2;
	s15 =	sadd.s32 $0x10D80, s28;
	v10 =	vld.idx.msk [tilespmem:v12+s3+$0x0], $0xffff  }
0x99: {  	v16 =	vadd.s32 $0x2200, v3;
	s7 =	sor.u32 s26, s15  }
0x9a: {  	[tilespmem:s7+$0x0] =	vst v4;
	s10 =	sor.u32 s29, s15  }
0x9b: {  	v4 =	vld.idx.msk [tilespmem:v13+s3+$0x0], $0xffff;
	s13 =	sor.u32 s1, s15;
	[tilespmem:s10+$0x0] =	vst v6  }
0x9c: {  	v17 =	vadd.s32 $0x2280, v0;
	s9 =	sor.u32 s31, s15;
	v6 =	vld.idx.msk [tilespmem:v14+s3+$0x0], $0xffff;
	[tilespmem:s13+$0x0] =	vst v8  }
0x9d: {  	v18 =	vadd.s32 $0x2280, v1;
	[tilespmem:s9+$0x0] =	vst v10;
	v8 =	vld.idx.msk [tilespmem:v15+s3+$0x0], $0xffff  }
0x9e: {  	v19 =	vadd.s32 $0x2280, v2;
	s15 =	sadd.s32 $0x10E00, s28;
	v10 =	vld.idx.msk [tilespmem:v16+s3+$0x0], $0xffff  }
0x9f: {  	v20 =	vadd.s32 $0x2280, v3;
	s7 =	sor.u32 s26, s15  }
0xa0: {  	[tilespmem:s7+$0x0] =	vst v4;
	s10 =	sor.u32 s29, s15  }
0xa1: {  	v4 =	vld.idx.msk [tilespmem:v17+s3+$0x0], $0xffff;
	s13 =	sor.u32 s1, s15;
	[tilespmem:s10+$0x0] =	vst v6  }
0xa2: {  	v21 =	vadd.s32 $0x2300, v0;
	s9 =	sor.u32 s31, s15;
	v6 =	vld.idx.msk [tilespmem:v18+s3+$0x0], $0xffff;
	[tilespmem:s13+$0x0] =	vst v8  }
0xa3: {  	v22 =	vadd.s32 $0x2300, v1;
	[tilespmem:s9+$0x0] =	vst v10;
	v8 =	vld.idx.msk [tilespmem:v19+s3+$0x0], $0xffff  }
0xa4: {  	v23 =	vadd.s32 $0x2300, v2;
	s15 =	sadd.s32 $0x10E80, s28;
	v10 =	vld.idx.msk [tilespmem:v20+s3+$0x0], $0xffff  }
0xa5: {  	v24 =	vadd.s32 $0x2300, v3;
	s7 =	sor.u32 s26, s15  }
0xa6: {  	[tilespmem:s7+$0x0] =	vst v4;
	s10 =	sor.u32 s29, s15  }
0xa7: {  	v4 =	vld.idx.msk [tilespmem:v21+s3+$0x0], $0xffff;
	s13 =	sor.u32 s1, s15;
	[tilespmem:s10+$0x0] =	vst v6  }
0xa8: {  	v25 =	vadd.s32 $0x2380, v0;
	s9 =	sor.u32 s31, s15;
	v6 =	vld.idx.msk [tilespmem:v22+s3+$0x0], $0xffff;
	[tilespmem:s13+$0x0] =	vst v8  }
0xa9: {  	v26 =	vadd.s32 $0x2380, v1;
	[tilespmem:s9+$0x0] =	vst v10;
	v8 =	vld.idx.msk [tilespmem:v23+s3+$0x0], $0xffff  }
0xaa: {  	v27 =	vadd.s32 $0x2380, v2;
	s15 =	sadd.s32 $0x10F00, s28;
	v10 =	vld.idx.msk [tilespmem:v24+s3+$0x0], $0xffff  }
0xab: {  	v28 =	vadd.s32 $0x2380, v3;
	s7 =	sor.u32 s26, s15  }
0xac: {  	[tilespmem:s7+$0x0] =	vst v4;
	s10 =	sor.u32 s29, s15  }
0xad: {  	v4 =	vld.idx.msk [tilespmem:v25+s3+$0x0], $0xffff;
	s13 =	sor.u32 s1, s15;
	[tilespmem:s10+$0x0] =	vst v6  }
0xae: {  	v29 =	vadd.s32 $0x4000, v0;
	s9 =	sor.u32 s31, s15;
	v6 =	vld.idx.msk [tilespmem:v26+s3+$0x0], $0xffff;
	[tilespmem:s13+$0x0] =	vst v8  }
0xaf: {  	v30 =	vadd.s32 $0x4000, v1;
	[tilespmem:s9+$0x0] =	vst v10;
	v8 =	vld.idx.msk [tilespmem:v27+s3+$0x0], $0xffff  }
0xb0: {  	v31 =	vadd.s32 $0x4000, v2;
	s15 =	sadd.s32 $0x10F80, s28;
	v10 =	vld.idx.msk [tilespmem:v28+s3+$0x0], $0xffff  }
0xb1: {  	v32 =	vadd.s32 $0x4000, v3;
	s7 =	sor.u32 s26, s15  }
0xb2: {  	[tilespmem:s7+$0x0] =	vst v4;
	s10 =	sor.u32 s29, s15  }
0xb3: {  	v4 =	vld.idx.msk [tilespmem:v29+s3+$0x0], $0xffff;
	s13 =	sor.u32 s1, s15;
	[tilespmem:s10+$0x0] =	vst v6  }
0xb4: {  	v33 =	vadd.s32 $0x4080, v0;
	s9 =	sor.u32 s31, s15;
	v6 =	vld.idx.msk [tilespmem:v30+s3+$0x0], $0xffff;
	[tilespmem:s13+$0x0] =	vst v8  }
0xb5: {  	v34 =	vadd.s32 $0x4080, v1;
	[tilespmem:s9+$0x0] =	vst v10;
	v8 =	vld.idx.msk [tilespmem:v31+s3+$0x0], $0xffff  }
0xb6: {  	v35 =	vadd.s32 $0x4080, v2;
	s15 =	sadd.s32 $0x11400, s28;
	v10 =	vld.idx.msk [tilespmem:v32+s3+$0x0], $0xffff  }
0xb7: {  	v36 =	vadd.s32 $0x4080, v3;
	s7 =	sor.u32 s26, s15  }
0xb8: {  	[tilespmem:s7+$0x0] =	vst v4;
	s10 =	sor.u32 s29, s15  }
0xb9: {  	v4 =	vld.idx.msk [tilespmem:v33+s3+$0x0], $0xffff;
	s13 =	sor.u32 s1, s15;
	[tilespmem:s10+$0x0] =	vst v6  }
0xba: {  	v37 =	vadd.s32 $0x4100, v0;
	s9 =	sor.u32 s31, s15;
	v6 =	vld.idx.msk [tilespmem:v34+s3+$0x0], $0xffff;
	[tilespmem:s13+$0x0] =	vst v8  }
0xbb: {  	v38 =	vadd.s32 $0x4100, v1;
	[tilespmem:s9+$0x0] =	vst v10;
	v8 =	vld.idx.msk [tilespmem:v35+s3+$0x0], $0xffff  }
0xbc: {  	v39 =	vadd.s32 $0x4100, v2;
	s15 =	sadd.s32 $0x11480, s28;
	v10 =	vld.idx.msk [tilespmem:v36+s3+$0x0], $0xffff  }
0xbd: {  	v40 =	vadd.s32 $0x4100, v3;
	s7 =	sor.u32 s26, s15  }
0xbe: {  	[tilespmem:s7+$0x0] =	vst v4;
	s10 =	sor.u32 s29, s15  }
0xbf: {  	v4 =	vld.idx.msk [tilespmem:v37+s3+$0x0], $0xffff;
	s13 =	sor.u32 s1, s15;
	[tilespmem:s10+$0x0] =	vst v6  }
0xc0: {  	v41 =	vadd.s32 $0x4180, v0;
	s9 =	sor.u32 s31, s15;
	v6 =	vld.idx.msk [tilespmem:v38+s3+$0x0], $0xffff;
	[tilespmem:s13+$0x0] =	vst v8  }
0xc1: {  	v42 =	vadd.s32 $0x4180, v1;
	[tilespmem:s9+$0x0] =	vst v10;
	v8 =	vld.idx.msk [tilespmem:v39+s3+$0x0], $0xffff  }
0xc2: {  	v43 =	vadd.s32 $0x4180, v2;
	s15 =	sadd.s32 $0x11500, s28;
	v10 =	vld.idx.msk [tilespmem:v40+s3+$0x0], $0xffff  }
0xc3: {  	v44 =	vadd.s32 $0x4180, v3;
	s7 =	sor.u32 s26, s15  }
0xc4: {  	[tilespmem:s7+$0x0] =	vst v4;
	s10 =	sor.u32 s29, s15  }
0xc5: {  	v4 =	vld.idx.msk [tilespmem:v41+s3+$0x0], $0xffff;
	s13 =	sor.u32 s1, s15;
	[tilespmem:s10+$0x0] =	vst v6  }
0xc6: {  	v45 =	vadd.s32 $0x4200, v0;
	s9 =	sor.u32 s31, s15;
	v6 =	vld.idx.msk [tilespmem:v42+s3+$0x0], $0xffff;
	[tilespmem:s13+$0x0] =	vst v8  }
0xc7: {  	v46 =	vadd.s32 $0x4200, v1;
	[tilespmem:s9+$0x0] =	vst v10;
	v8 =	vld.idx.msk [tilespmem:v43+s3+$0x0], $0xffff  }
0xc8: {  	v47 =	vadd.s32 $0x4200, v2;
	s15 =	sadd.s32 $0x11580, s28;
	v10 =	vld.idx.msk [tilespmem:v44+s3+$0x0], $0xffff  }
0xc9: {  	v48 =	vadd.s32 $0x4200, v3;
	s7 =	sor.u32 s26, s15  }
0xca: {  	[tilespmem:s7+$0x0] =	vst v4;
	s10 =	sor.u32 s29, s15  }
0xcb: {  	v4 =	vld.idx.msk [tilespmem:v45+s3+$0x0], $0xffff;
	s13 =	sor.u32 s1, s15;
	[tilespmem:s10+$0x0] =	vst v6  }
0xcc: {  	v49 =	vadd.s32 $0x4280, v0;
	s9 =	sor.u32 s31, s15;
	v6 =	vld.idx.msk [tilespmem:v46+s3+$0x0], $0xffff;
	[tilespmem:s13+$0x0] =	vst v8  }
0xcd: {  	v50 =	vadd.s32 $0x4280, v1;
	[tilespmem:s9+$0x0] =	vst v10;
	v8 =	vld.idx.msk [tilespmem:v47+s3+$0x0], $0xffff  }
0xce: {  	v51 =	vadd.s32 $0x4280, v2;
	s15 =	sadd.s32 $0x11600, s28;
	v10 =	vld.idx.msk [tilespmem:v48+s3+$0x0], $0xffff  }
0xcf: {  	v52 =	vadd.s32 $0x4280, v3;
	s7 =	sor.u32 s26, s15  }
0xd0: {  	[tilespmem:s7+$0x0] =	vst v4;
	s10 =	sor.u32 s29, s15  }
0xd1: {  	v4 =	vld.idx.msk [tilespmem:v49+s3+$0x0], $0xffff;
	s13 =	sor.u32 s1, s15;
	[tilespmem:s10+$0x0] =	vst v6  }
0xd2: {  	v53 =	vadd.s32 $0x4300, v0;
	s9 =	sor.u32 s31, s15;
	v6 =	vld.idx.msk [tilespmem:v50+s3+$0x0], $0xffff;
	[tilespmem:s13+$0x0] =	vst v8  }
0xd3: {  	v54 =	vadd.s32 $0x4300, v1;
	[tilespmem:s9+$0x0] =	vst v10;
	v8 =	vld.idx.msk [tilespmem:v51+s3+$0x0], $0xffff  }
0xd4: {  	v55 =	vadd.s32 $0x4300, v2;
	s15 =	sadd.s32 $0x11680, s28;
	v10 =	vld.idx.msk [tilespmem:v52+s3+$0x0], $0xffff  }
0xd5: {  	v56 =	vadd.s32 $0x4300, v3;
	s7 =	sor.u32 s26, s15  }
0xd6: {  	[tilespmem:s7+$0x0] =	vst v4;
	s10 =	sor.u32 s29, s15  }
0xd7: {  	v4 =	vld.idx.msk [tilespmem:v53+s3+$0x0], $0xffff;
	s13 =	sor.u32 s1, s15;
	[tilespmem:s10+$0x0] =	vst v6  }
0xd8: {  	v57 =	vadd.s32 $0x4380, v0;
	s9 =	sor.u32 s31, s15;
	v6 =	vld.idx.msk [tilespmem:v54+s3+$0x0], $0xffff;
	[tilespmem:s13+$0x0] =	vst v8  }
0xd9: {  	v58 =	vadd.s32 $0x4380, v1;
	[tilespmem:s9+$0x0] =	vst v10;
	v8 =	vld.idx.msk [tilespmem:v55+s3+$0x0], $0xffff  }
0xda: {  	v59 =	vadd.s32 $0x4380, v2;
	s15 =	sadd.s32 $0x11700, s28;
	v10 =	vld.idx.msk [tilespmem:v56+s3+$0x0], $0xffff  }
0xdb: {  	v60 =	vadd.s32 $0x4380, v3;
	s7 =	sor.u32 s26, s15  }
0xdc: {  	[tilespmem:s7+$0x0] =	vst v4;
	s10 =	sor.u32 s29, s15  }
0xdd: {  	v4 =	vld.idx.msk [tilespmem:v57+s3+$0x0], $0xffff;
	s13 =	sor.u32 s1, s15;
	[tilespmem:s10+$0x0] =	vst v6  }
0xde: {  	v61 =	vadd.s32 $0x6000, v0;
	s9 =	sor.u32 s31, s15;
	v6 =	vld.idx.msk [tilespmem:v58+s3+$0x0], $0xffff;
	[tilespmem:s13+$0x0] =	vst v8  }
0xdf: {  	v62 =	vadd.s32 $0x6000, v1;
	[tilespmem:s9+$0x0] =	vst v10;
	v8 =	vld.idx.msk [tilespmem:v59+s3+$0x0], $0xffff  }
0xe0: {  	v63 =	vadd.s32 $0x6000, v2;
	s15 =	sadd.s32 $0x11780, s28;
	v10 =	vld.idx.msk [tilespmem:v60+s3+$0x0], $0xffff  }
0xe1: {  	v12 =	vadd.s32 $0x6000, v3;
	s7 =	sor.u32 s26, s15  }
0xe2: {  	[tilespmem:s7+$0x0] =	vst v4;
	s10 =	sor.u32 s29, s15  }
0xe3: {  	v4 =	vld.idx.msk [tilespmem:v61+s3+$0x0], $0xffff;
	s13 =	sor.u32 s1, s15;
	[tilespmem:s10+$0x0] =	vst v6  }
0xe4: {  	v13 =	vadd.s32 $0x6080, v0;
	s9 =	sor.u32 s31, s15;
	v6 =	vld.idx.msk [tilespmem:v62+s3+$0x0], $0xffff;
	[tilespmem:s13+$0x0] =	vst v8  }
0xe5: {  	v14 =	vadd.s32 $0x6080, v1;
	[tilespmem:s9+$0x0] =	vst v10;
	v8 =	vld.idx.msk [tilespmem:v63+s3+$0x0], $0xffff  }
0xe6: {  	v15 =	vadd.s32 $0x6080, v2;
	s15 =	sadd.s32 $0x11C00, s28;
	v10 =	vld.idx.msk [tilespmem:v12+s3+$0x0], $0xffff  }
0xe7: {  	v16 =	vadd.s32 $0x6080, v3;
	s7 =	sor.u32 s26, s15  }
0xe8: {  	[tilespmem:s7+$0x0] =	vst v4;
	s10 =	sor.u32 s29, s15  }
0xe9: {  	v4 =	vld.idx.msk [tilespmem:v13+s3+$0x0], $0xffff;
	s13 =	sor.u32 s1, s15;
	[tilespmem:s10+$0x0] =	vst v6  }
0xea: {  	v17 =	vadd.s32 $0x6100, v0;
	s9 =	sor.u32 s31, s15;
	v6 =	vld.idx.msk [tilespmem:v14+s3+$0x0], $0xffff;
	[tilespmem:s13+$0x0] =	vst v8  }
0xeb: {  	v18 =	vadd.s32 $0x6100, v1;
	[tilespmem:s9+$0x0] =	vst v10;
	v8 =	vld.idx.msk [tilespmem:v15+s3+$0x0], $0xffff  }
0xec: {  	v19 =	vadd.s32 $0x6100, v2;
	s15 =	sadd.s32 $0x11C80, s28;
	v10 =	vld.idx.msk [tilespmem:v16+s3+$0x0], $0xffff  }
0xed: {  	v20 =	vadd.s32 $0x6100, v3;
	s7 =	sor.u32 s26, s15  }
0xee: {  	[tilespmem:s7+$0x0] =	vst v4;
	s10 =	sor.u32 s29, s15  }
0xef: {  	v4 =	vld.idx.msk [tilespmem:v17+s3+$0x0], $0xffff;
	s13 =	sor.u32 s1, s15;
	[tilespmem:s10+$0x0] =	vst v6  }
0xf0: {  	v21 =	vadd.s32 $0x6180, v0;
	s9 =	sor.u32 s31, s15;
	v6 =	vld.idx.msk [tilespmem:v18+s3+$0x0], $0xffff;
	[tilespmem:s13+$0x0] =	vst v8  }
0xf1: {  	v22 =	vadd.s32 $0x6180, v1;
	[tilespmem:s9+$0x0] =	vst v10;
	v8 =	vld.idx.msk [tilespmem:v19+s3+$0x0], $0xffff  }
0xf2: {  	v23 =	vadd.s32 $0x6180, v2;
	s15 =	sadd.s32 $0x11D00, s28;
	v10 =	vld.idx.msk [tilespmem:v20+s3+$0x0], $0xffff  }
0xf3: {  	v24 =	vadd.s32 $0x6180, v3;
	s7 =	sor.u32 s26, s15  }
0xf4: {  	[tilespmem:s7+$0x0] =	vst v4;
	s10 =	sor.u32 s29, s15  }
0xf5: {  	v4 =	vld.idx.msk [tilespmem:v21+s3+$0x0], $0xffff;
	s13 =	sor.u32 s1, s15;
	[tilespmem:s10+$0x0] =	vst v6  }
0xf6: {  	v25 =	vadd.s32 $0x6200, v0;
	s9 =	sor.u32 s31, s15;
	v6 =	vld.idx.msk [tilespmem:v22+s3+$0x0], $0xffff;
	[tilespmem:s13+$0x0] =	vst v8  }
0xf7: {  	v26 =	vadd.s32 $0x6200, v1;
	[tilespmem:s9+$0x0] =	vst v10;
	v8 =	vld.idx.msk [tilespmem:v23+s3+$0x0], $0xffff  }
0xf8: {  	v27 =	vadd.s32 $0x6200, v2;
	s15 =	sadd.s32 $0x11D80, s28;
	v10 =	vld.idx.msk [tilespmem:v24+s3+$0x0], $0xffff  }
0xf9: {  	v28 =	vadd.s32 $0x6200, v3;
	s7 =	sor.u32 s26, s15  }
0xfa: {  	[tilespmem:s7+$0x0] =	vst v4;
	s10 =	sor.u32 s29, s15  }
0xfb: {  	v4 =	vld.idx.msk [tilespmem:v25+s3+$0x0], $0xffff;
	s13 =	sor.u32 s1, s15;
	[tilespmem:s10+$0x0] =	vst v6  }
0xfc: {  	v29 =	vadd.s32 $0x6280, v0;
	s9 =	sor.u32 s31, s15;
	v6 =	vld.idx.msk [tilespmem:v26+s3+$0x0], $0xffff;
	[tilespmem:s13+$0x0] =	vst v8  }
0xfd: {  	v30 =	vadd.s32 $0x6280, v1;
	[tilespmem:s9+$0x0] =	vst v10;
	v8 =	vld.idx.msk [tilespmem:v27+s3+$0x0], $0xffff  }
0xfe: {  	v31 =	vadd.s32 $0x6280, v2;
	s15 =	sadd.s32 $0x11E00, s28;
	v10 =	vld.idx.msk [tilespmem:v28+s3+$0x0], $0xffff  }
0xff: {  	v32 =	vadd.s32 $0x6280, v3;
	s7 =	sor.u32 s26, s15  }
0x100: {  	[tilespmem:s7+$0x0] =	vst v4;
	s10 =	sor.u32 s29, s15  }
0x101: {  	v4 =	vld.idx.msk [tilespmem:v29+s3+$0x0], $0xffff;
	s13 =	sor.u32 s1, s15;
	[tilespmem:s10+$0x0] =	vst v6  }
0x102: {  	v33 =	vadd.s32 $0x6300, v0;
	s9 =	sor.u32 s31, s15;
	v6 =	vld.idx.msk [tilespmem:v30+s3+$0x0], $0xffff;
	[tilespmem:s13+$0x0] =	vst v8  }
0x103: {  	v34 =	vadd.s32 $0x6300, v1;
	[tilespmem:s9+$0x0] =	vst v10;
	v8 =	vld.idx.msk [tilespmem:v31+s3+$0x0], $0xffff  }
0x104: {  	v35 =	vadd.s32 $0x6300, v2;
	s15 =	sadd.s32 $0x11E80, s28;
	v10 =	vld.idx.msk [tilespmem:v32+s3+$0x0], $0xffff  }
0x105: {  	v36 =	vadd.s32 $0x6300, v3;
	s7 =	sor.u32 s26, s15  }
0x106: {  	[tilespmem:s7+$0x0] =	vst v4;
	s10 =	sor.u32 s29, s15  }
0x107: {  	v4 =	vld.idx.msk [tilespmem:v33+s3+$0x0], $0xffff;
	s13 =	sor.u32 s1, s15;
	[tilespmem:s10+$0x0] =	vst v6  }
0x108: {  	v37 =	vadd.s32 $0x6380, v0;
	s9 =	sor.u32 s31, s15;
	v6 =	vld.idx.msk [tilespmem:v34+s3+$0x0], $0xffff;
	[tilespmem:s13+$0x0] =	vst v8  }
0x109: {  	v38 =	vadd.s32 $0x6380, v1;
	[tilespmem:s9+$0x0] =	vst v10;
	v8 =	vld.idx.msk [tilespmem:v35+s3+$0x0], $0xffff  }
0x10a: {  	v39 =	vadd.s32 $0x6380, v2;
	s15 =	sadd.s32 $0x11F00, s28;
	v10 =	vld.idx.msk [tilespmem:v36+s3+$0x0], $0xffff  }
0x10b: {  	v40 =	vadd.s32 $0x6380, v3;
	s7 =	sor.u32 s26, s15  }
0x10c: {  	[tilespmem:s7+$0x0] =	vst v4;
	s10 =	sor.u32 s29, s15  }
0x10d: {  	v4 =	vld.idx.msk [tilespmem:v37+s3+$0x0], $0xffff;
	s13 =	sor.u32 s1, s15;
	[tilespmem:s10+$0x0] =	vst v6  }
0x10e: {  	v41 =	vadd.s32 $0x8000, v0;
	s9 =	sor.u32 s31, s15;
	v6 =	vld.idx.msk [tilespmem:v38+s3+$0x0], $0xffff;
	[tilespmem:s13+$0x0] =	vst v8  }
0x10f: {  	v42 =	vadd.s32 $0x8000, v1;
	[tilespmem:s9+$0x0] =	vst v10;
	v8 =	vld.idx.msk [tilespmem:v39+s3+$0x0], $0xffff  }
0x110: {  	v43 =	vadd.s32 $0x8000, v2;
	s15 =	sadd.s32 $0x11F80, s28;
	v10 =	vld.idx.msk [tilespmem:v40+s3+$0x0], $0xffff  }
0x111: {  	v44 =	vadd.s32 $0x8000, v3;
	s7 =	sor.u32 s26, s15  }
0x112: {  	[tilespmem:s7+$0x0] =	vst v4;
	s10 =	sor.u32 s29, s15  }
0x113: {  	v4 =	vld.idx.msk [tilespmem:v41+s3+$0x0], $0xffff;
	s13 =	sor.u32 s1, s15;
	[tilespmem:s10+$0x0] =	vst v6  }
0x114: {  	v45 =	vadd.s32 $0x8080, v0;
	s9 =	sor.u32 s31, s15;
	v6 =	vld.idx.msk [tilespmem:v42+s3+$0x0], $0xffff;
	[tilespmem:s13+$0x0] =	vst v8  }
0x115: {  	v46 =	vadd.s32 $0x8080, v1;
	[tilespmem:s9+$0x0] =	vst v10;
	v8 =	vld.idx.msk [tilespmem:v43+s3+$0x0], $0xffff  }
0x116: {  	v47 =	vadd.s32 $0x8080, v2;
	s15 =	sadd.s32 $0x12400, s28;
	v10 =	vld.idx.msk [tilespmem:v44+s3+$0x0], $0xffff  }
0x117: {  	v48 =	vadd.s32 $0x8080, v3;
	s7 =	sor.u32 s26, s15  }
0x118: {  	[tilespmem:s7+$0x0] =	vst v4;
	s10 =	sor.u32 s29, s15  }
0x119: {  	v4 =	vld.idx.msk [tilespmem:v45+s3+$0x0], $0xffff;
	s13 =	sor.u32 s1, s15;
	[tilespmem:s10+$0x0] =	vst v6  }
0x11a: {  	v49 =	vadd.s32 $0x8100, v0;
	s9 =	sor.u32 s31, s15;
	v6 =	vld.idx.msk [tilespmem:v46+s3+$0x0], $0xffff;
	[tilespmem:s13+$0x0] =	vst v8  }
0x11b: {  	v50 =	vadd.s32 $0x8100, v1;
	[tilespmem:s9+$0x0] =	vst v10;
	v8 =	vld.idx.msk [tilespmem:v47+s3+$0x0], $0xffff  }
0x11c: {  	v51 =	vadd.s32 $0x8100, v2;
	s15 =	sadd.s32 $0x12480, s28;
	v10 =	vld.idx.msk [tilespmem:v48+s3+$0x0], $0xffff  }
0x11d: {  	v52 =	vadd.s32 $0x8100, v3;
	s7 =	sor.u32 s26, s15  }
0x11e: {  	[tilespmem:s7+$0x0] =	vst v4;
	s10 =	sor.u32 s29, s15  }
0x11f: {  	v4 =	vld.idx.msk [tilespmem:v49+s3+$0x0], $0xffff;
	s13 =	sor.u32 s1, s15;
	[tilespmem:s10+$0x0] =	vst v6  }
0x120: {  	v53 =	vadd.s32 $0x8180, v0;
	s9 =	sor.u32 s31, s15;
	v6 =	vld.idx.msk [tilespmem:v50+s3+$0x0], $0xffff;
	[tilespmem:s13+$0x0] =	vst v8  }
0x121: {  	v54 =	vadd.s32 $0x8180, v1;
	[tilespmem:s9+$0x0] =	vst v10;
	v8 =	vld.idx.msk [tilespmem:v51+s3+$0x0], $0xffff  }
0x122: {  	v55 =	vadd.s32 $0x8180, v2;
	s15 =	sadd.s32 $0x12500, s28;
	v10 =	vld.idx.msk [tilespmem:v52+s3+$0x0], $0xffff  }
0x123: {  	v56 =	vadd.s32 $0x8180, v3;
	s7 =	sor.u32 s26, s15  }
0x124: {  	[tilespmem:s7+$0x0] =	vst v4;
	s10 =	sor.u32 s29, s15  }
0x125: {  	v4 =	vld.idx.msk [tilespmem:v53+s3+$0x0], $0xffff;
	s13 =	sor.u32 s1, s15;
	[tilespmem:s10+$0x0] =	vst v6  }
0x126: {  	v57 =	vadd.s32 $0x8200, v0;
	s9 =	sor.u32 s31, s15;
	v6 =	vld.idx.msk [tilespmem:v54+s3+$0x0], $0xffff;
	[tilespmem:s13+$0x0] =	vst v8  }
0x127: {  	v58 =	vadd.s32 $0x8200, v1;
	[tilespmem:s9+$0x0] =	vst v10;
	v8 =	vld.idx.msk [tilespmem:v55+s3+$0x0], $0xffff  }
0x128: {  	v59 =	vadd.s32 $0x8200, v2;
	s15 =	sadd.s32 $0x12580, s28;
	v10 =	vld.idx.msk [tilespmem:v56+s3+$0x0], $0xffff  }
0x129: {  	v60 =	vadd.s32 $0x8200, v3;
	s7 =	sor.u32 s26, s15  }
0x12a: {  	[tilespmem:s7+$0x0] =	vst v4;
	s10 =	sor.u32 s29, s15  }
0x12b: {  	v4 =	vld.idx.msk [tilespmem:v57+s3+$0x0], $0xffff;
	s13 =	sor.u32 s1, s15;
	[tilespmem:s10+$0x0] =	vst v6  }
0x12c: {  	v61 =	vadd.s32 $0x8280, v0;
	s9 =	sor.u32 s31, s15;
	v6 =	vld.idx.msk [tilespmem:v58+s3+$0x0], $0xffff;
	[tilespmem:s13+$0x0] =	vst v8  }
0x12d: {  	v62 =	vadd.s32 $0x8280, v1;
	[tilespmem:s9+$0x0] =	vst v10;
	v8 =	vld.idx.msk [tilespmem:v59+s3+$0x0], $0xffff  }
0x12e: {  	v63 =	vadd.s32 $0x8280, v2;
	s15 =	sadd.s32 $0x12600, s28;
	v10 =	vld.idx.msk [tilespmem:v60+s3+$0x0], $0xffff  }
0x12f: {  	v12 =	vadd.s32 $0x8280, v3;
	s7 =	sor.u32 s26, s15  }
0x130: {  	[tilespmem:s7+$0x0] =	vst v4;
	s10 =	sor.u32 s29, s15  }
0x131: {  	v4 =	vld.idx.msk [tilespmem:v61+s3+$0x0], $0xffff;
	s13 =	sor.u32 s1, s15;
	[tilespmem:s10+$0x0] =	vst v6  }
0x132: {  	v13 =	vadd.s32 $0x8300, v0;
	s9 =	sor.u32 s31, s15;
	v6 =	vld.idx.msk [tilespmem:v62+s3+$0x0], $0xffff;
	[tilespmem:s13+$0x0] =	vst v8  }
0x133: {  	v14 =	vadd.s32 $0x8300, v1;
	[tilespmem:s9+$0x0] =	vst v10;
	v8 =	vld.idx.msk [tilespmem:v63+s3+$0x0], $0xffff  }
0x134: {  	v15 =	vadd.s32 $0x8300, v2;
	s15 =	sadd.s32 $0x12680, s28;
	v10 =	vld.idx.msk [tilespmem:v12+s3+$0x0], $0xffff  }
0x135: {  	v16 =	vadd.s32 $0x8300, v3;
	s7 =	sor.u32 s26, s15  }
0x136: {  	[tilespmem:s7+$0x0] =	vst v4;
	s10 =	sor.u32 s29, s15  }
0x137: {  	v4 =	vld.idx.msk [tilespmem:v13+s3+$0x0], $0xffff;
	s13 =	sor.u32 s1, s15;
	[tilespmem:s10+$0x0] =	vst v6  }
0x138: {  	v17 =	vadd.s32 $0x8380, v0;
	s9 =	sor.u32 s31, s15;
	v6 =	vld.idx.msk [tilespmem:v14+s3+$0x0], $0xffff;
	[tilespmem:s13+$0x0] =	vst v8  }
0x139: {  	v18 =	vadd.s32 $0x8380, v1;
	[tilespmem:s9+$0x0] =	vst v10;
	v8 =	vld.idx.msk [tilespmem:v15+s3+$0x0], $0xffff  }
0x13a: {  	v19 =	vadd.s32 $0x8380, v2;
	s15 =	sadd.s32 $0x12700, s28;
	v10 =	vld.idx.msk [tilespmem:v16+s3+$0x0], $0xffff  }
0x13b: {  	v20 =	vadd.s32 $0x8380, v3;
	s7 =	sor.u32 s26, s15  }
0x13c: {  	[tilespmem:s7+$0x0] =	vst v4;
	s10 =	sor.u32 s29, s15  }
0x13d: {  	v4 =	vld.idx.msk [tilespmem:v17+s3+$0x0], $0xffff;
	s13 =	sor.u32 s1, s15;
	[tilespmem:s10+$0x0] =	vst v6  }
0x13e: {  	v21 =	vadd.s32 $0xA000, v0;
	s9 =	sor.u32 s31, s15;
	v6 =	vld.idx.msk [tilespmem:v18+s3+$0x0], $0xffff;
	[tilespmem:s13+$0x0] =	vst v8  }
0x13f: {  	v22 =	vadd.s32 $0xA000, v1;
	[tilespmem:s9+$0x0] =	vst v10;
	v8 =	vld.idx.msk [tilespmem:v19+s3+$0x0], $0xffff  }
0x140: {  	v23 =	vadd.s32 $0xA000, v2;
	s15 =	sadd.s32 $0x12780, s28;
	v10 =	vld.idx.msk [tilespmem:v20+s3+$0x0], $0xffff  }
0x141: {  	v24 =	vadd.s32 $0xA000, v3;
	s7 =	sor.u32 s26, s15  }
0x142: {  	[tilespmem:s7+$0x0] =	vst v4;
	s10 =	sor.u32 s29, s15  }
0x143: {  	v4 =	vld.idx.msk [tilespmem:v21+s3+$0x0], $0xffff;
	s13 =	sor.u32 s1, s15;
	[tilespmem:s10+$0x0] =	vst v6  }
0x144: {  	v25 =	vadd.s32 $0xA080, v0;
	s9 =	sor.u32 s31, s15;
	v6 =	vld.idx.msk [tilespmem:v22+s3+$0x0], $0xffff;
	[tilespmem:s13+$0x0] =	vst v8  }
0x145: {  	v26 =	vadd.s32 $0xA080, v1;
	[tilespmem:s9+$0x0] =	vst v10;
	v8 =	vld.idx.msk [tilespmem:v23+s3+$0x0], $0xffff  }
0x146: {  	v27 =	vadd.s32 $0xA080, v2;
	s15 =	sadd.s32 $0x12C00, s28;
	v10 =	vld.idx.msk [tilespmem:v24+s3+$0x0], $0xffff  }
0x147: {  	v28 =	vadd.s32 $0xA080, v3;
	s7 =	sor.u32 s26, s15  }
0x148: {  	[tilespmem:s7+$0x0] =	vst v4;
	s10 =	sor.u32 s29, s15  }
0x149: {  	v4 =	vld.idx.msk [tilespmem:v25+s3+$0x0], $0xffff;
	s13 =	sor.u32 s1, s15;
	[tilespmem:s10+$0x0] =	vst v6  }
0x14a: {  	v29 =	vadd.s32 $0xA100, v0;
	s9 =	sor.u32 s31, s15;
	v6 =	vld.idx.msk [tilespmem:v26+s3+$0x0], $0xffff;
	[tilespmem:s13+$0x0] =	vst v8  }
0x14b: {  	v30 =	vadd.s32 $0xA100, v1;
	[tilespmem:s9+$0x0] =	vst v10;
	v8 =	vld.idx.msk [tilespmem:v27+s3+$0x0], $0xffff  }
0x14c: {  	v31 =	vadd.s32 $0xA100, v2;
	s15 =	sadd.s32 $0x12C80, s28;
	v10 =	vld.idx.msk [tilespmem:v28+s3+$0x0], $0xffff  }
0x14d: {  	v32 =	vadd.s32 $0xA100, v3;
	s7 =	sor.u32 s26, s15  }
0x14e: {  	[tilespmem:s7+$0x0] =	vst v4;
	s10 =	sor.u32 s29, s15  }
0x14f: {  	v4 =	vld.idx.msk [tilespmem:v29+s3+$0x0], $0xffff;
	s13 =	sor.u32 s1, s15;
	[tilespmem:s10+$0x0] =	vst v6  }
0x150: {  	v33 =	vadd.s32 $0xA180, v0;
	s9 =	sor.u32 s31, s15;
	v6 =	vld.idx.msk [tilespmem:v30+s3+$0x0], $0xffff;
	[tilespmem:s13+$0x0] =	vst v8  }
0x151: {  	v34 =	vadd.s32 $0xA180, v1;
	[tilespmem:s9+$0x0] =	vst v10;
	v8 =	vld.idx.msk [tilespmem:v31+s3+$0x0], $0xffff  }
0x152: {  	v35 =	vadd.s32 $0xA180, v2;
	s15 =	sadd.s32 $0x12D00, s28;
	v10 =	vld.idx.msk [tilespmem:v32+s3+$0x0], $0xffff  }
0x153: {  	v36 =	vadd.s32 $0xA180, v3;
	s7 =	sor.u32 s26, s15  }
0x154: {  	[tilespmem:s7+$0x0] =	vst v4;
	s10 =	sor.u32 s29, s15  }
0x155: {  	v4 =	vld.idx.msk [tilespmem:v33+s3+$0x0], $0xffff;
	s13 =	sor.u32 s1, s15;
	[tilespmem:s10+$0x0] =	vst v6  }
0x156: {  	v37 =	vadd.s32 $0xA200, v0;
	s9 =	sor.u32 s31, s15;
	v6 =	vld.idx.msk [tilespmem:v34+s3+$0x0], $0xffff;
	[tilespmem:s13+$0x0] =	vst v8  }
0x157: {  	v38 =	vadd.s32 $0xA200, v1;
	[tilespmem:s9+$0x0] =	vst v10;
	v8 =	vld.idx.msk [tilespmem:v35+s3+$0x0], $0xffff  }
0x158: {  	v39 =	vadd.s32 $0xA200, v2;
	s15 =	sadd.s32 $0x12D80, s28;
	v10 =	vld.idx.msk [tilespmem:v36+s3+$0x0], $0xffff  }
0x159: {  	v40 =	vadd.s32 $0xA200, v3;
	s7 =	sor.u32 s26, s15  }
0x15a: {  	[tilespmem:s7+$0x0] =	vst v4;
	s10 =	sor.u32 s29, s15  }
0x15b: {  	v4 =	vld.idx.msk [tilespmem:v37+s3+$0x0], $0xffff;
	s13 =	sor.u32 s1, s15;
	[tilespmem:s10+$0x0] =	vst v6  }
0x15c: {  	v41 =	vadd.s32 $0xA280, v0;
	s9 =	sor.u32 s31, s15;
	v6 =	vld.idx.msk [tilespmem:v38+s3+$0x0], $0xffff;
	[tilespmem:s13+$0x0] =	vst v8  }
0x15d: {  	v42 =	vadd.s32 $0xA280, v1;
	[tilespmem:s9+$0x0] =	vst v10;
	v8 =	vld.idx.msk [tilespmem:v39+s3+$0x0], $0xffff  }
0x15e: {  	v43 =	vadd.s32 $0xA280, v2;
	s15 =	sadd.s32 $0x12E00, s28;
	v10 =	vld.idx.msk [tilespmem:v40+s3+$0x0], $0xffff  }
0x15f: {  	v44 =	vadd.s32 $0xA280, v3;
	s7 =	sor.u32 s26, s15  }
0x160: {  	[tilespmem:s7+$0x0] =	vst v4;
	s10 =	sor.u32 s29, s15  }
0x161: {  	v4 =	vld.idx.msk [tilespmem:v41+s3+$0x0], $0xffff;
	s13 =	sor.u32 s1, s15;
	[tilespmem:s10+$0x0] =	vst v6  }
0x162: {  	v45 =	vadd.s32 $0xA300, v0;
	s9 =	sor.u32 s31, s15;
	v6 =	vld.idx.msk [tilespmem:v42+s3+$0x0], $0xffff;
	[tilespmem:s13+$0x0] =	vst v8  }
0x163: {  	v46 =	vadd.s32 $0xA300, v1;
	[tilespmem:s9+$0x0] =	vst v10;
	v8 =	vld.idx.msk [tilespmem:v43+s3+$0x0], $0xffff  }
0x164: {  	v47 =	vadd.s32 $0xA300, v2;
	s15 =	sadd.s32 $0x12E80, s28;
	v10 =	vld.idx.msk [tilespmem:v44+s3+$0x0], $0xffff  }
0x165: {  	v48 =	vadd.s32 $0xA300, v3;
	s7 =	sor.u32 s26, s15  }
0x166: {  	[tilespmem:s7+$0x0] =	vst v4;
	s10 =	sor.u32 s29, s15  }
0x167: {  	v4 =	vld.idx.msk [tilespmem:v45+s3+$0x0], $0xffff;
	s13 =	sor.u32 s1, s15;
	[tilespmem:s10+$0x0] =	vst v6  }
0x168: {  	v49 =	vadd.s32 $0xA380, v0;
	s9 =	sor.u32 s31, s15;
	v6 =	vld.idx.msk [tilespmem:v46+s3+$0x0], $0xffff;
	[tilespmem:s13+$0x0] =	vst v8  }
0x169: {  	v50 =	vadd.s32 $0xA380, v1;
	[tilespmem:s9+$0x0] =	vst v10;
	v8 =	vld.idx.msk [tilespmem:v47+s3+$0x0], $0xffff  }
0x16a: {  	v51 =	vadd.s32 $0xA380, v2;
	s15 =	sadd.s32 $0x12F00, s28;
	v10 =	vld.idx.msk [tilespmem:v48+s3+$0x0], $0xffff  }
0x16b: {  	v52 =	vadd.s32 $0xA380, v3;
	s7 =	sor.u32 s26, s15  }
0x16c: {  	[tilespmem:s7+$0x0] =	vst v4;
	s10 =	sor.u32 s29, s15  }
0x16d: {  	v4 =	vld.idx.msk [tilespmem:v49+s3+$0x0], $0xffff;
	s13 =	sor.u32 s1, s15;
	[tilespmem:s10+$0x0] =	vst v6  }
0x16e: {  	v53 =	vadd.s32 $0xC000, v0;
	s9 =	sor.u32 s31, s15;
	v6 =	vld.idx.msk [tilespmem:v50+s3+$0x0], $0xffff;
	[tilespmem:s13+$0x0] =	vst v8  }
0x16f: {  	v54 =	vadd.s32 $0xC000, v1;
	[tilespmem:s9+$0x0] =	vst v10;
	v8 =	vld.idx.msk [tilespmem:v51+s3+$0x0], $0xffff  }
0x170: {  	v55 =	vadd.s32 $0xC000, v2;
	s15 =	sadd.s32 $0x12F80, s28;
	v10 =	vld.idx.msk [tilespmem:v52+s3+$0x0], $0xffff  }
0x171: {  	v56 =	vadd.s32 $0xC000, v3;
	s7 =	sor.u32 s26, s15  }
0x172: {  	[tilespmem:s7+$0x0] =	vst v4;
	s10 =	sor.u32 s29, s15  }
0x173: {  	v4 =	vld.idx.msk [tilespmem:v53+s3+$0x0], $0xffff;
	s13 =	sor.u32 s1, s15;
	[tilespmem:s10+$0x0] =	vst v6  }
0x174: {  	v57 =	vadd.s32 $0xC080, v0;
	s9 =	sor.u32 s31, s15;
	v6 =	vld.idx.msk [tilespmem:v54+s3+$0x0], $0xffff;
	[tilespmem:s13+$0x0] =	vst v8  }
0x175: {  	v58 =	vadd.s32 $0xC080, v1;
	[tilespmem:s9+$0x0] =	vst v10;
	v8 =	vld.idx.msk [tilespmem:v55+s3+$0x0], $0xffff  }
0x176: {  	v59 =	vadd.s32 $0xC080, v2;
	s15 =	sadd.s32 $0x13400, s28;
	v10 =	vld.idx.msk [tilespmem:v56+s3+$0x0], $0xffff  }
0x177: {  	v60 =	vadd.s32 $0xC080, v3;
	s7 =	sor.u32 s26, s15  }
0x178: {  	[tilespmem:s7+$0x0] =	vst v4;
	s10 =	sor.u32 s29, s15  }
0x179: {  	v4 =	vld.idx.msk [tilespmem:v57+s3+$0x0], $0xffff;
	s13 =	sor.u32 s1, s15;
	[tilespmem:s10+$0x0] =	vst v6  }
0x17a: {  	v61 =	vadd.s32 $0xC100, v0;
	s9 =	sor.u32 s31, s15;
	v6 =	vld.idx.msk [tilespmem:v58+s3+$0x0], $0xffff;
	[tilespmem:s13+$0x0] =	vst v8  }
0x17b: {  	v62 =	vadd.s32 $0xC100, v1;
	[tilespmem:s9+$0x0] =	vst v10;
	v8 =	vld.idx.msk [tilespmem:v59+s3+$0x0], $0xffff  }
0x17c: {  	v63 =	vadd.s32 $0xC100, v2;
	s15 =	sadd.s32 $0x13480, s28;
	v10 =	vld.idx.msk [tilespmem:v60+s3+$0x0], $0xffff  }
0x17d: {  	v12 =	vadd.s32 $0xC100, v3;
	s7 =	sor.u32 s26, s15  }
0x17e: {  	[tilespmem:s7+$0x0] =	vst v4;
	s10 =	sor.u32 s29, s15  }
0x17f: {  	v4 =	vld.idx.msk [tilespmem:v61+s3+$0x0], $0xffff;
	s13 =	sor.u32 s1, s15;
	[tilespmem:s10+$0x0] =	vst v6  }
0x180: {  	v13 =	vadd.s32 $0xC180, v0;
	s9 =	sor.u32 s31, s15;
	v6 =	vld.idx.msk [tilespmem:v62+s3+$0x0], $0xffff;
	[tilespmem:s13+$0x0] =	vst v8  }
0x181: {  	v14 =	vadd.s32 $0xC180, v1;
	[tilespmem:s9+$0x0] =	vst v10;
	v8 =	vld.idx.msk [tilespmem:v63+s3+$0x0], $0xffff  }
0x182: {  	v15 =	vadd.s32 $0xC180, v2;
	s15 =	sadd.s32 $0x13500, s28;
	v10 =	vld.idx.msk [tilespmem:v12+s3+$0x0], $0xffff  }
0x183: {  	v16 =	vadd.s32 $0xC180, v3;
	s7 =	sor.u32 s26, s15  }
0x184: {  	[tilespmem:s7+$0x0] =	vst v4;
	s10 =	sor.u32 s29, s15  }
0x185: {  	v4 =	vld.idx.msk [tilespmem:v13+s3+$0x0], $0xffff;
	s13 =	sor.u32 s1, s15;
	[tilespmem:s10+$0x0] =	vst v6  }
0x186: {  	v17 =	vadd.s32 $0xC200, v0;
	s9 =	sor.u32 s31, s15;
	v6 =	vld.idx.msk [tilespmem:v14+s3+$0x0], $0xffff;
	[tilespmem:s13+$0x0] =	vst v8  }
0x187: {  	v18 =	vadd.s32 $0xC200, v1;
	[tilespmem:s9+$0x0] =	vst v10;
	v8 =	vld.idx.msk [tilespmem:v15+s3+$0x0], $0xffff  }
0x188: {  	v19 =	vadd.s32 $0xC200, v2;
	s15 =	sadd.s32 $0x13580, s28;
	v10 =	vld.idx.msk [tilespmem:v16+s3+$0x0], $0xffff  }
0x189: {  	v20 =	vadd.s32 $0xC200, v3;
	s7 =	sor.u32 s26, s15  }
0x18a: {  	[tilespmem:s7+$0x0] =	vst v4;
	s10 =	sor.u32 s29, s15  }
0x18b: {  	v4 =	vld.idx.msk [tilespmem:v17+s3+$0x0], $0xffff;
	s13 =	sor.u32 s1, s15;
	[tilespmem:s10+$0x0] =	vst v6  }
0x18c: {  	v21 =	vadd.s32 $0xC280, v0;
	s9 =	sor.u32 s31, s15;
	v6 =	vld.idx.msk [tilespmem:v18+s3+$0x0], $0xffff;
	[tilespmem:s13+$0x0] =	vst v8  }
0x18d: {  	v22 =	vadd.s32 $0xC280, v1;
	[tilespmem:s9+$0x0] =	vst v10;
	v8 =	vld.idx.msk [tilespmem:v19+s3+$0x0], $0xffff  }
0x18e: {  	v23 =	vadd.s32 $0xC280, v2;
	s15 =	sadd.s32 $0x13600, s28;
	v10 =	vld.idx.msk [tilespmem:v20+s3+$0x0], $0xffff  }
0x18f: {  	v24 =	vadd.s32 $0xC280, v3;
	s7 =	sor.u32 s26, s15  }
0x190: {  	[tilespmem:s7+$0x0] =	vst v4;
	s10 =	sor.u32 s29, s15  }
0x191: {  	v4 =	vld.idx.msk [tilespmem:v21+s3+$0x0], $0xffff;
	s13 =	sor.u32 s1, s15;
	[tilespmem:s10+$0x0] =	vst v6  }
0x192: {  	v25 =	vadd.s32 $0xC300, v0;
	s9 =	sor.u32 s31, s15;
	v6 =	vld.idx.msk [tilespmem:v22+s3+$0x0], $0xffff;
	[tilespmem:s13+$0x0] =	vst v8  }
0x193: {  	v26 =	vadd.s32 $0xC300, v1;
	[tilespmem:s9+$0x0] =	vst v10;
	v8 =	vld.idx.msk [tilespmem:v23+s3+$0x0], $0xffff  }
0x194: {  	v27 =	vadd.s32 $0xC300, v2;
	s15 =	sadd.s32 $0x13680, s28;
	v10 =	vld.idx.msk [tilespmem:v24+s3+$0x0], $0xffff  }
0x195: {  	v28 =	vadd.s32 $0xC300, v3;
	s7 =	sor.u32 s26, s15  }
0x196: {  	[tilespmem:s7+$0x0] =	vst v4;
	s10 =	sor.u32 s29, s15  }
0x197: {  	v4 =	vld.idx.msk [tilespmem:v25+s3+$0x0], $0xffff;
	s13 =	sor.u32 s1, s15;
	[tilespmem:s10+$0x0] =	vst v6  }
0x198: {  	v29 =	vadd.s32 $0xC380, v0;
	s9 =	sor.u32 s31, s15;
	v6 =	vld.idx.msk [tilespmem:v26+s3+$0x0], $0xffff;
	[tilespmem:s13+$0x0] =	vst v8  }
0x199: {  	v30 =	vadd.s32 $0xC380, v1;
	[tilespmem:s9+$0x0] =	vst v10;
	v8 =	vld.idx.msk [tilespmem:v27+s3+$0x0], $0xffff  }
0x19a: {  	v31 =	vadd.s32 $0xC380, v2;
	s15 =	sadd.s32 $0x13700, s28;
	v10 =	vld.idx.msk [tilespmem:v28+s3+$0x0], $0xffff  }
0x19b: {  	v32 =	vadd.s32 $0xC380, v3;
	s7 =	sor.u32 s26, s15  }
0x19c: {  	[tilespmem:s7+$0x0] =	vst v4;
	s10 =	sor.u32 s29, s15  }
0x19d: {  	v4 =	vld.idx.msk [tilespmem:v29+s3+$0x0], $0xffff;
	s13 =	sor.u32 s1, s15;
	[tilespmem:s10+$0x0] =	vst v6  }
0x19e: {  	v33 =	vadd.s32 $0xE000, v0;
	s9 =	sor.u32 s31, s15;
	v6 =	vld.idx.msk [tilespmem:v30+s3+$0x0], $0xffff;
	[tilespmem:s13+$0x0] =	vst v8  }
0x19f: {  	v34 =	vadd.s32 $0xE000, v1;
	[tilespmem:s9+$0x0] =	vst v10;
	v8 =	vld.idx.msk [tilespmem:v31+s3+$0x0], $0xffff  }
0x1a0: {  	v35 =	vadd.s32 $0xE000, v2;
	s15 =	sadd.s32 $0x13780, s28;
	v10 =	vld.idx.msk [tilespmem:v32+s3+$0x0], $0xffff  }
0x1a1: {  	v36 =	vadd.s32 $0xE000, v3;
	s7 =	sor.u32 s26, s15  }
0x1a2: {  	[tilespmem:s7+$0x0] =	vst v4;
	s10 =	sor.u32 s29, s15  }
0x1a3: {  	v4 =	vld.idx.msk [tilespmem:v33+s3+$0x0], $0xffff;
	s13 =	sor.u32 s1, s15;
	[tilespmem:s10+$0x0] =	vst v6  }
0x1a4: {  	v37 =	vadd.s32 $0xE080, v0;
	s9 =	sor.u32 s31, s15;
	v6 =	vld.idx.msk [tilespmem:v34+s3+$0x0], $0xffff;
	[tilespmem:s13+$0x0] =	vst v8  }
0x1a5: {  	v38 =	vadd.s32 $0xE080, v1;
	[tilespmem:s9+$0x0] =	vst v10;
	v8 =	vld.idx.msk [tilespmem:v35+s3+$0x0], $0xffff  }
0x1a6: {  	v39 =	vadd.s32 $0xE080, v2;
	s15 =	sadd.s32 $0x13C00, s28;
	v10 =	vld.idx.msk [tilespmem:v36+s3+$0x0], $0xffff  }
0x1a7: {  	v40 =	vadd.s32 $0xE080, v3;
	s7 =	sor.u32 s26, s15  }
0x1a8: {  	[tilespmem:s7+$0x0] =	vst v4;
	s10 =	sor.u32 s29, s15  }
0x1a9: {  	v4 =	vld.idx.msk [tilespmem:v37+s3+$0x0], $0xffff;
	s13 =	sor.u32 s1, s15;
	[tilespmem:s10+$0x0] =	vst v6  }
0x1aa: {  	v41 =	vadd.s32 $0xE100, v0;
	s9 =	sor.u32 s31, s15;
	v6 =	vld.idx.msk [tilespmem:v38+s3+$0x0], $0xffff;
	[tilespmem:s13+$0x0] =	vst v8  }
0x1ab: {  	v42 =	vadd.s32 $0xE100, v1;
	[tilespmem:s9+$0x0] =	vst v10;
	v8 =	vld.idx.msk [tilespmem:v39+s3+$0x0], $0xffff  }
0x1ac: {  	v43 =	vadd.s32 $0xE100, v2;
	s15 =	sadd.s32 $0x13C80, s28;
	v10 =	vld.idx.msk [tilespmem:v40+s3+$0x0], $0xffff  }
0x1ad: {  	v44 =	vadd.s32 $0xE100, v3;
	s7 =	sor.u32 s26, s15  }
0x1ae: {  	[tilespmem:s7+$0x0] =	vst v4;
	s10 =	sor.u32 s29, s15  }
0x1af: {  	v4 =	vld.idx.msk [tilespmem:v41+s3+$0x0], $0xffff;
	s13 =	sor.u32 s1, s15;
	[tilespmem:s10+$0x0] =	vst v6  }
0x1b0: {  	v45 =	vadd.s32 $0xE180, v0;
	s9 =	sor.u32 s31, s15;
	v6 =	vld.idx.msk [tilespmem:v42+s3+$0x0], $0xffff;
	[tilespmem:s13+$0x0] =	vst v8  }
0x1b1: {  	v46 =	vadd.s32 $0xE180, v1;
	[tilespmem:s9+$0x0] =	vst v10;
	v8 =	vld.idx.msk [tilespmem:v43+s3+$0x0], $0xffff  }
0x1b2: {  	v47 =	vadd.s32 $0xE180, v2;
	s15 =	sadd.s32 $0x13D00, s28;
	v10 =	vld.idx.msk [tilespmem:v44+s3+$0x0], $0xffff  }
0x1b3: {  	v48 =	vadd.s32 $0xE180, v3;
	s7 =	sor.u32 s26, s15  }
0x1b4: {  	[tilespmem:s7+$0x0] =	vst v4;
	s10 =	sor.u32 s29, s15  }
0x1b5: {  	v4 =	vld.idx.msk [tilespmem:v45+s3+$0x0], $0xffff;
	s13 =	sor.u32 s1, s15;
	[tilespmem:s10+$0x0] =	vst v6  }
0x1b6: {  	v49 =	vadd.s32 $0xE200, v0;
	s9 =	sor.u32 s31, s15;
	v6 =	vld.idx.msk [tilespmem:v46+s3+$0x0], $0xffff;
	[tilespmem:s13+$0x0] =	vst v8  }
0x1b7: {  	v50 =	vadd.s32 $0xE200, v1;
	[tilespmem:s9+$0x0] =	vst v10;
	v8 =	vld.idx.msk [tilespmem:v47+s3+$0x0], $0xffff  }
0x1b8: {  	v51 =	vadd.s32 $0xE200, v2;
	s15 =	sadd.s32 $0x13D80, s28;
	v10 =	vld.idx.msk [tilespmem:v48+s3+$0x0], $0xffff  }
0x1b9: {  	v52 =	vadd.s32 $0xE200, v3;
	s7 =	sor.u32 s26, s15  }
0x1ba: {  	[tilespmem:s7+$0x0] =	vst v4;
	s10 =	sor.u32 s29, s15  }
0x1bb: {  	v4 =	vld.idx.msk [tilespmem:v49+s3+$0x0], $0xffff;
	s13 =	sor.u32 s1, s15;
	[tilespmem:s10+$0x0] =	vst v6  }
0x1bc: {  	v53 =	vadd.s32 $0xE280, v0;
	s9 =	sor.u32 s31, s15;
	v6 =	vld.idx.msk [tilespmem:v50+s3+$0x0], $0xffff;
	[tilespmem:s13+$0x0] =	vst v8  }
0x1bd: {  	v54 =	vadd.s32 $0xE280, v1;
	[tilespmem:s9+$0x0] =	vst v10;
	v8 =	vld.idx.msk [tilespmem:v51+s3+$0x0], $0xffff  }
0x1be: {  	v55 =	vadd.s32 $0xE280, v2;
	s15 =	sadd.s32 $0x13E00, s28;
	v10 =	vld.idx.msk [tilespmem:v52+s3+$0x0], $0xffff  }
0x1bf: {  	v56 =	vadd.s32 $0xE280, v3;
	s7 =	sor.u32 s26, s15  }
0x1c0: {  	[tilespmem:s7+$0x0] =	vst v4;
	s10 =	sor.u32 s29, s15  }
0x1c1: {  	v4 =	vld.idx.msk [tilespmem:v53+s3+$0x0], $0xffff;
	s13 =	sor.u32 s1, s15;
	[tilespmem:s10+$0x0] =	vst v6  }
0x1c2: {  	v57 =	vadd.s32 $0xE300, v0;
	s9 =	sor.u32 s31, s15;
	v6 =	vld.idx.msk [tilespmem:v54+s3+$0x0], $0xffff;
	[tilespmem:s13+$0x0] =	vst v8  }
0x1c3: {  	v58 =	vadd.s32 $0xE300, v1;
	[tilespmem:s9+$0x0] =	vst v10;
	v8 =	vld.idx.msk [tilespmem:v55+s3+$0x0], $0xffff  }
0x1c4: {  	v59 =	vadd.s32 $0xE300, v2;
	s15 =	sadd.s32 $0x13E80, s28;
	v10 =	vld.idx.msk [tilespmem:v56+s3+$0x0], $0xffff  }
0x1c5: {  	v60 =	vadd.s32 $0xE300, v3;
	s7 =	sor.u32 s26, s15  }
0x1c6: {  	[tilespmem:s7+$0x0] =	vst v4;
	s10 =	sor.u32 s29, s15  }
0x1c7: {  	v4 =	vld.idx.msk [tilespmem:v57+s3+$0x0], $0xffff;
	s13 =	sor.u32 s1, s15;
	[tilespmem:s10+$0x0] =	vst v6  }
0x1c8: {  	v0 =	vadd.s32 $0xE380, v0;
	s9 =	sor.u32 s31, s15;
	[tilespmem:s13+$0x0] =	vst v8;
	v61 =	vld.idx.msk [tilespmem:v58+s3+$0x0], $0xffff  }
0x1c9: {  	v1 =	vadd.s32 $0xE380, v1;
	[tilespmem:s9+$0x0] =	vst v10;
	v62 =	vld.idx.msk [tilespmem:v59+s3+$0x0], $0xffff  }
0x1ca: {  	v2 =	vadd.s32 $0xE380, v2;
	s15 =	sadd.s32 $0x13F00, s28;
	v63 =	vld.idx.msk [tilespmem:v60+s3+$0x0], $0xffff  }
0x1cb: {  	v3 =	vadd.s32 $0xE380, v3;
	s7 =	sor.u32 s26, s15  }
0x1cc: {  	[tilespmem:s7+$0x0] =	vst v4;
	s10 =	sor.u32 s29, s15  }
0x1cd: {  	v0 =	vld.idx.msk [tilespmem:v0+s3+$0x0], $0xffff;
	s13 =	sor.u32 s1, s15;
	[tilespmem:s10+$0x0] =	vst v61  }
0x1ce: {  	s9 =	sor.u32 s31, s15;
	[tilespmem:s13+$0x0] =	vst v62;
	v1 =	vld.idx.msk [tilespmem:v1+s3+$0x0], $0xffff  }
0x1cf: {  	s0 =	sadd.s32 $0x4, s0;
	[tilespmem:s9+$0x0] =	vst v63;
	v2 =	vld.idx.msk [tilespmem:v2+s3+$0x0], $0xffff  }
0x1d0: {  	p1 =	slt.u32 s0, $0xC;
	s15 =	sadd.s32 $0x13F80, s28;
	v3 =	vld.idx.msk [tilespmem:v3+s3+$0x0], $0xffff  }
.Ltmp2:
0x1d1: {  	s28 =	sor.u32 s26, s15;
	(pc) =	sbr.rel @p1 .LBB2_6-.Ltmp2, $4  }
0x1d2: {  	s29 =	sor.u32 s29, s15;
	[tilespmem:s28+$0x0] =	vst v0  }
0x1d3: {  	s1 =	sor.u32 s1, s15;
	[tilespmem:s29+$0x0] =	vst v1  }
0x1d4: {  	s31 =	sor.u32 s31, s15;
	[tilespmem:s1+$0x0] =	vst v2  }
0x1d5: {  	s25 =	sadd.s32 $0x40, s25;
	s2 =	sadd.s32 $0x200, s2;
	[tilespmem:s31+$0x0] =	vst v3  }
0x1d6: {  	s25 =	sshll.u32 s24, $0x11  }
0x1d7: {  	s0 =	sadd.s32 s25, s5  }
0x1d8: {  	[hbm4b:s0+s17] =	stream.strided.scatter [tilespmem:s19], [sflag:$0x2], $0x4000, s18, s17, $0x38;
	[tilespmem:$0x18400] =	vst v63  }
0x1d9: {  	s0 =	simm.s32 @!p0 $0x3  }
0x1da: {  	s26 =	simm.s32 $0xFFFFFFFC;
	s28 =	simm.s32 $0x0;
	_ =	swait.ge @!p0 [sflag:s0], $0x4000  }
0x1db: {  	s29 =	simm.s32 $0x130;
	v0 =	vmov s30;
	s30 =	simm.s32 $0x0;
	[sflag:s0] =	ssyncset.done @!p0 $0x0  }
0x1dc: {  	s31 =	simm.s32 $0x0;
	[sflag:s0] =	ssyncadd.s32 @!p0 $0xFFFFC000;
	p0 =	por $0x0, $0x0  }
.LBB2_8:
0x1dd: {  	s0 =	sadd.s32 $0xFFFFFED0, s29  }
0x1de: {  	s1 =	sand.u32 $0x100, s28;
	s0 =	sand.u32 $0x40, s0  }
0x1df: {  	s1 =	sor.u32 s0, s1  }
0x1e0: {  	v1 =	vld.idx.msk [tilespmem:v0+s1+$0x10200 ss:$0x1], $0xffff;
	_ =	sdelay $0x4  }
0x1e1: {  	v2 =	vshll.u32 v1, $0x3  }
0x1e2: {  	v1 =	vand.u32 $0x7F, v1;
	v2 =	vand.u32 $0xFFFFFC00, v2  }
0x1e3: {  	v1 =	vor.u32 v1, v2;
	_ =	sdelay $0x4  }
0x1e4: {  	v2 =	vld.idx.msk [tilespmem:v1+s3+$0x0], $0xffff  }
0x1e5: {  	v3 =	vor.u32 $0x80, v1  }
0x1e6: {  	s2 =	sand.u32 $0x400, s31  }
0x1e7: {  	s15 =	sadd.s32 $0x14400, s2  }
0x1e8: {  	s13 =	sor.u32 s0, s15  }
0x1e9: {  	[tilespmem:s13+$0x0] =	vst v2  }
0x1ea: {  	v2 =	vld.idx.msk [tilespmem:v3+s3+$0x0], $0xffff  }
0x1eb: {  	v3 =	vor.u32 $0x100, v1;
	_ =	sdelay $0x3  }
0x1ec: {  	[tilespmem:s13+$0x80] =	vst v2  }
0x1ed: {  	v2 =	vld.idx.msk [tilespmem:v3+s3+$0x0], $0xffff  }
0x1ee: {  	v3 =	vor.u32 $0x180, v1;
	_ =	sdelay $0x3  }
0x1ef: {  	[tilespmem:s13+$0x100] =	vst v2  }
0x1f0: {  	v2 =	vld.idx.msk [tilespmem:v3+s3+$0x0], $0xffff  }
0x1f1: {  	v3 =	vor.u32 $0x200, v1;
	_ =	sdelay $0x3  }
0x1f2: {  	[tilespmem:s13+$0x180] =	vst v2  }
0x1f3: {  	s1 =	simm.s32 $0x1;
	v2 =	vld.idx.msk [tilespmem:v3+s3+$0x0], $0xffff  }
0x1f4: {  	s1 =	simm.s32 @!p0 $0x0;
	v3 =	vor.u32 $0x280, v1  }
0x1f5: {  	s1 =	sshll.u32 s1, $0x6  }
0x1f6: {  	s13 =	sadd.s32 s1, s31  }
0x1f7: {  	s1 =	sor.u32 $0x200, s13  }
0x1f8: {  	[tilespmem:s1+$0x14400] =	vst v2  }
0x1f9: {  	v2 =	vld.idx.msk [tilespmem:v3+s3+$0x0], $0xffff  }
0x1fa: {  	v3 =	vor.u32 $0x300, v1;
	_ =	sdelay $0x2  }
0x1fb: {  	s7 =	sor.u32 $0x280, s30  }
0x1fc: {  	[tilespmem:s7+$0x14400] =	vst v2  }
0x1fd: {  	v2 =	vld.idx.msk [tilespmem:v3+s3+$0x0], $0xffff  }
0x1fe: {  	v3 =	vor.u32 $0x380, v1;
	_ =	sdelay $0x2  }
0x1ff: {  	s9 =	sor.u32 $0x300, s13  }
0x200: {  	[tilespmem:s9+$0x14400] =	vst v2  }
0x201: {  	v2 =	vld.idx.msk [tilespmem:v3+s3+$0x0], $0xffff;
	_ =	sdelay $0x2  }
0x202: {  	s10 =	sadd.s32 $0xFFFFFFE0, s29;
	s9 =	sadd.s32 $0x220, s28  }
0x203: {  	s11 =	sor.u32 $0x380, s30;
	s1 =	sand.u32 $0x50, s10;
	s9 =	sand.u32 $0x300, s9  }
0x204: {  	s7 =	sadd.s32 $0x240, s28;
	s1 =	sor.u32 s1, s9;
	[tilespmem:s11+$0x14400] =	vst v2;
	s11 =	sadd.s32 $0xFFFFFFF0, s29  }
0x205: {  	s10 =	sadd.s32 $0x260, s28;
	s7 =	sand.u32 $0x300, s7;
	v2 =	vld.idx.msk [tilespmem:v0+s1+$0x10000 ss:$0x1], $0xffff;
	s9 =	sand.u32 $0x60, s11  }
0x206: {  	s11 =	sand.u32 $0x300, s10;
	s1 =	sor.u32 s9, s7;
	s7 =	sand.u32 $0x70, s29  }
0x207: {  	v3 =	vld.idx.msk [tilespmem:v0+s1+$0x10000 ss:$0x1], $0xffff;
	s9 =	sor.u32 s7, s11  }
0x208: {  	v4 =	vld.idx.msk [tilespmem:v0+s9+$0x10000 ss:$0x1], $0xffff;
	_ =	sdelay $0x1  }
0x209: {  	v5 =	vshll.u32 v2, $0x3  }
0x20a: {  	v2 =	vand.u32 $0x7F, v2;
	v5 =	vand.u32 $0xFFFFFC00, v5  }
0x20b: {  	v2 =	vor.u32 v2, v5;
	v13 =	vshll.u32 v3, $0x3  }
0x20c: {  	v3 =	vand.u32 $0x7F, v3;
	v5 =	vand.u32 $0xFFFFFC00, v13;
	v6 =	vshll.u32 v4, $0x3  }
0x20d: {  	v4 =	vand.u32 $0x7F, v4;
	v3 =	vor.u32 v3, v5;
	v14 =	vand.u32 $0xFFFFFC00, v6  }
0x20e: {  	v4 =	vor.u32 v4, v14;
	_ =	sdelay $0x2  }
0x20f: {  	v15 =	vld.idx.msk [tilespmem:v2+s3+$0x0], $0xffff  }
0x210: {  	v16 =	vor.u32 $0x80, v2;
	v7 =	vld.idx.msk [tilespmem:v3+s3+$0x0], $0xffff  }
0x211: {  	v8 =	vor.u32 $0x80, v3;
	v9 =	vld.idx.msk [tilespmem:v4+s3+$0x0], $0xffff  }
0x212: {  	s1 =	sor.u32 $0x10, s0;
	v10 =	vor.u32 $0x80, v4  }
0x213: {  	s7 =	sor.u32 s1, s15;
	s9 =	sor.u32 $0x20, s0  }
0x214: {  	s11 =	sor.u32 $0x30, s0;
	s10 =	sor.u32 s9, s15;
	[tilespmem:s7+$0x0] =	vst v15  }
0x215: {  	s15 =	sor.u32 s11, s15;
	v5 =	vld.idx.msk [tilespmem:v16+s3+$0x0], $0xffff;
	[tilespmem:s10+$0x0] =	vst v7  }
0x216: {  	v17 =	vor.u32 $0x100, v2;
	v7 =	vld.idx.msk [tilespmem:v8+s3+$0x0], $0xffff;
	[tilespmem:s15+$0x0] =	vst v9  }
0x217: {  	v18 =	vor.u32 $0x100, v3;
	v9 =	vld.idx.msk [tilespmem:v10+s3+$0x0], $0xffff  }
0x218: {  	v19 =	vor.u32 $0x100, v4;
	_ =	sdelay $0x1  }
0x219: {  	[tilespmem:s7+$0x80] =	vst v5  }
0x21a: {  	v5 =	vld.idx.msk [tilespmem:v17+s3+$0x0], $0xffff;
	[tilespmem:s10+$0x80] =	vst v7  }
0x21b: {  	v20 =	vor.u32 $0x180, v2;
	v7 =	vld.idx.msk [tilespmem:v18+s3+$0x0], $0xffff;
	[tilespmem:s15+$0x80] =	vst v9  }
0x21c: {  	v21 =	vor.u32 $0x180, v3;
	v9 =	vld.idx.msk [tilespmem:v19+s3+$0x0], $0xffff  }
0x21d: {  	v22 =	vor.u32 $0x180, v4;
	_ =	sdelay $0x1  }
0x21e: {  	[tilespmem:s7+$0x100] =	vst v5  }
0x21f: {  	v5 =	vld.idx.msk [tilespmem:v20+s3+$0x0], $0xffff;
	[tilespmem:s10+$0x100] =	vst v7  }
0x220: {  	v23 =	vor.u32 $0x200, v2;
	v7 =	vld.idx.msk [tilespmem:v21+s3+$0x0], $0xffff;
	[tilespmem:s15+$0x100] =	vst v9  }
0x221: {  	v24 =	vor.u32 $0x200, v3;
	v9 =	vld.idx.msk [tilespmem:v22+s3+$0x0], $0xffff  }
0x222: {  	v25 =	vor.u32 $0x200, v4;
	_ =	sdelay $0x1  }
0x223: {  	[tilespmem:s7+$0x180] =	vst v5  }
0x224: {  	v5 =	vld.idx.msk [tilespmem:v23+s3+$0x0], $0xffff;
	[tilespmem:s10+$0x180] =	vst v7  }
0x225: {  	v26 =	vor.u32 $0x280, v2;
	v7 =	vld.idx.msk [tilespmem:v24+s3+$0x0], $0xffff;
	[tilespmem:s15+$0x180] =	vst v9  }
0x226: {  	v27 =	vor.u32 $0x280, v3;
	v9 =	vld.idx.msk [tilespmem:v25+s3+$0x0], $0xffff  }
0x227: {  	v28 =	vor.u32 $0x280, v4;
	s7 =	sadd.s32 $0x10, s13  }
0x228: {  	s10 =	sor.u32 $0x200, s7;
	s15 =	sadd.s32 $0x20, s13  }
0x229: {  	s13 =	sadd.s32 $0x30, s13;
	[tilespmem:s10+$0x14400] =	vst v5;
	s10 =	sor.u32 $0x200, s15  }
0x22a: {  	v5 =	vld.idx.msk [tilespmem:v26+s3+$0x0], $0xffff;
	[tilespmem:s10+$0x14400] =	vst v7;
	s10 =	sor.u32 $0x200, s13  }
0x22b: {  	v29 =	vor.u32 $0x300, v2;
	v7 =	vld.idx.msk [tilespmem:v27+s3+$0x0], $0xffff;
	[tilespmem:s10+$0x14400] =	vst v9  }
0x22c: {  	v30 =	vor.u32 $0x300, v3;
	v9 =	vld.idx.msk [tilespmem:v28+s3+$0x0], $0xffff  }
0x22d: {  	v31 =	vor.u32 $0x300, v4  }
0x22e: {  	s10 =	sor.u32 $0x280, s7  }
0x22f: {  	[tilespmem:s10+$0x14400] =	vst v5;
	s10 =	sor.u32 $0x280, s15  }
0x230: {  	v5 =	vld.idx.msk [tilespmem:v29+s3+$0x0], $0xffff;
	[tilespmem:s10+$0x14400] =	vst v7;
	s10 =	sor.u32 $0x280, s13  }
0x231: {  	v32 =	vor.u32 $0x380, v2;
	v7 =	vld.idx.msk [tilespmem:v30+s3+$0x0], $0xffff;
	[tilespmem:s10+$0x14400] =	vst v9  }
0x232: {  	v33 =	vor.u32 $0x380, v3;
	v9 =	vld.idx.msk [tilespmem:v31+s3+$0x0], $0xffff  }
0x233: {  	v34 =	vor.u32 $0x380, v4  }
0x234: {  	s10 =	sor.u32 $0x300, s7  }
0x235: {  	[tilespmem:s10+$0x14400] =	vst v5;
	s10 =	sor.u32 $0x300, s15  }
0x236: {  	v35 =	vadd.s32 $0x2000, v1;
	v6 =	vld.idx.msk [tilespmem:v32+s3+$0x0], $0xffff;
	[tilespmem:s10+$0x14400] =	vst v7;
	s10 =	sor.u32 $0x300, s13  }
0x237: {  	v36 =	vadd.s32 $0x2000, v2;
	[tilespmem:s10+$0x14400] =	vst v9;
	v8 =	vld.idx.msk [tilespmem:v33+s3+$0x0], $0xffff  }
0x238: {  	v37 =	vadd.s32 $0x2000, v3;
	v10 =	vld.idx.msk [tilespmem:v34+s3+$0x0], $0xffff  }
0x239: {  	v11 =	vadd.s32 $0x2000, v4  }
0x23a: {  	s7 =	sor.u32 $0x380, s7  }
0x23b: {  	v5 =	vld.idx.msk [tilespmem:v35+s3+$0x0], $0xffff;
	s10 =	sor.u32 $0x380, s15;
	[tilespmem:s7+$0x14400] =	vst v6  }
0x23c: {  	v38 =	vadd.s32 $0x2080, v1;
	s13 =	sor.u32 $0x380, s13;
	v7 =	vld.idx.msk [tilespmem:v36+s3+$0x0], $0xffff;
	[tilespmem:s10+$0x14400] =	vst v8  }
0x23d: {  	v39 =	vadd.s32 $0x2080, v2;
	v9 =	vld.idx.msk [tilespmem:v37+s3+$0x0], $0xffff;
	[tilespmem:s13+$0x14400] =	vst v10  }
0x23e: {  	v40 =	vadd.s32 $0x2080, v3;
	s7 =	sadd.s32 $0x14C00, s2;
	v11 =	vld.idx.msk [tilespmem:v11+s3+$0x0], $0xffff  }
0x23f: {  	v12 =	vadd.s32 $0x2080, v4;
	s15 =	sor.u32 s0, s7  }
0x240: {  	[tilespmem:s15+$0x0] =	vst v5;
	s13 =	sor.u32 s1, s7  }
0x241: {  	s15 =	sor.u32 s9, s7;
	v5 =	vld.idx.msk [tilespmem:v38+s3+$0x0], $0xffff;
	[tilespmem:s13+$0x0] =	vst v7  }
0x242: {  	v41 =	vadd.s32 $0x2100, v1;
	s7 =	sor.u32 s11, s7;
	v7 =	vld.idx.msk [tilespmem:v39+s3+$0x0], $0xffff;
	[tilespmem:s15+$0x0] =	vst v9  }
0x243: {  	v42 =	vadd.s32 $0x2100, v2;
	v9 =	vld.idx.msk [tilespmem:v40+s3+$0x0], $0xffff;
	[tilespmem:s7+$0x0] =	vst v11  }
0x244: {  	v43 =	vadd.s32 $0x2100, v3;
	s7 =	sadd.s32 $0x14C80, s2;
	v11 =	vld.idx.msk [tilespmem:v12+s3+$0x0], $0xffff  }
0x245: {  	v44 =	vadd.s32 $0x2100, v4;
	s13 =	sor.u32 s0, s7  }
0x246: {  	s15 =	sor.u32 s1, s7;
	[tilespmem:s13+$0x0] =	vst v5  }
0x247: {  	s13 =	sor.u32 s9, s7;
	v5 =	vld.idx.msk [tilespmem:v41+s3+$0x0], $0xffff;
	[tilespmem:s15+$0x0] =	vst v7  }
0x248: {  	v45 =	vadd.s32 $0x2180, v1;
	s7 =	sor.u32 s11, s7;
	v7 =	vld.idx.msk [tilespmem:v42+s3+$0x0], $0xffff;
	[tilespmem:s13+$0x0] =	vst v9  }
0x249: {  	v46 =	vadd.s32 $0x2180, v2;
	v9 =	vld.idx.msk [tilespmem:v43+s3+$0x0], $0xffff;
	[tilespmem:s7+$0x0] =	vst v11  }
0x24a: {  	v47 =	vadd.s32 $0x2180, v3;
	s7 =	sadd.s32 $0x14D00, s2;
	v11 =	vld.idx.msk [tilespmem:v44+s3+$0x0], $0xffff  }
0x24b: {  	v48 =	vadd.s32 $0x2180, v4;
	s15 =	sor.u32 s0, s7  }
0x24c: {  	s13 =	sor.u32 s1, s7;
	[tilespmem:s15+$0x0] =	vst v5  }
0x24d: {  	s15 =	sor.u32 s9, s7;
	v5 =	vld.idx.msk [tilespmem:v45+s3+$0x0], $0xffff;
	[tilespmem:s13+$0x0] =	vst v7  }
0x24e: {  	v49 =	vadd.s32 $0x2200, v1;
	s7 =	sor.u32 s11, s7;
	v7 =	vld.idx.msk [tilespmem:v46+s3+$0x0], $0xffff;
	[tilespmem:s15+$0x0] =	vst v9  }
0x24f: {  	v50 =	vadd.s32 $0x2200, v2;
	v9 =	vld.idx.msk [tilespmem:v47+s3+$0x0], $0xffff;
	[tilespmem:s7+$0x0] =	vst v11  }
0x250: {  	v51 =	vadd.s32 $0x2200, v3;
	s7 =	sadd.s32 $0x14D80, s2;
	v11 =	vld.idx.msk [tilespmem:v48+s3+$0x0], $0xffff  }
0x251: {  	v52 =	vadd.s32 $0x2200, v4;
	s13 =	sor.u32 s0, s7  }
0x252: {  	s15 =	sor.u32 s1, s7;
	[tilespmem:s13+$0x0] =	vst v5  }
0x253: {  	s13 =	sor.u32 s9, s7;
	v5 =	vld.idx.msk [tilespmem:v49+s3+$0x0], $0xffff;
	[tilespmem:s15+$0x0] =	vst v7  }
0x254: {  	v53 =	vadd.s32 $0x2280, v1;
	s7 =	sor.u32 s11, s7;
	v7 =	vld.idx.msk [tilespmem:v50+s3+$0x0], $0xffff;
	[tilespmem:s13+$0x0] =	vst v9  }
0x255: {  	v54 =	vadd.s32 $0x2280, v2;
	v9 =	vld.idx.msk [tilespmem:v51+s3+$0x0], $0xffff;
	[tilespmem:s7+$0x0] =	vst v11  }
0x256: {  	v55 =	vadd.s32 $0x2280, v3;
	s7 =	sadd.s32 $0x14E00, s2;
	v11 =	vld.idx.msk [tilespmem:v52+s3+$0x0], $0xffff  }
0x257: {  	v56 =	vadd.s32 $0x2280, v4;
	s15 =	sor.u32 s0, s7  }
0x258: {  	s13 =	sor.u32 s1, s7;
	[tilespmem:s15+$0x0] =	vst v5  }
0x259: {  	s15 =	sor.u32 s9, s7;
	v5 =	vld.idx.msk [tilespmem:v53+s3+$0x0], $0xffff;
	[tilespmem:s13+$0x0] =	vst v7  }
0x25a: {  	v57 =	vadd.s32 $0x2300, v1;
	s7 =	sor.u32 s11, s7;
	v7 =	vld.idx.msk [tilespmem:v54+s3+$0x0], $0xffff;
	[tilespmem:s15+$0x0] =	vst v9  }
0x25b: {  	v58 =	vadd.s32 $0x2300, v2;
	v9 =	vld.idx.msk [tilespmem:v55+s3+$0x0], $0xffff;
	[tilespmem:s7+$0x0] =	vst v11  }
0x25c: {  	v59 =	vadd.s32 $0x2300, v3;
	s7 =	sadd.s32 $0x14E80, s2;
	v11 =	vld.idx.msk [tilespmem:v56+s3+$0x0], $0xffff  }
0x25d: {  	v60 =	vadd.s32 $0x2300, v4;
	s13 =	sor.u32 s0, s7  }
0x25e: {  	s15 =	sor.u32 s1, s7;
	[tilespmem:s13+$0x0] =	vst v5  }
0x25f: {  	s13 =	sor.u32 s9, s7;
	v5 =	vld.idx.msk [tilespmem:v57+s3+$0x0], $0xffff;
	[tilespmem:s15+$0x0] =	vst v7  }
0x260: {  	v61 =	vadd.s32 $0x2380, v1;
	s7 =	sor.u32 s11, s7;
	v7 =	vld.idx.msk [tilespmem:v58+s3+$0x0], $0xffff;
	[tilespmem:s13+$0x0] =	vst v9  }
0x261: {  	v62 =	vadd.s32 $0x2380, v2;
	v9 =	vld.idx.msk [tilespmem:v59+s3+$0x0], $0xffff;
	[tilespmem:s7+$0x0] =	vst v11  }
0x262: {  	v63 =	vadd.s32 $0x2380, v3;
	s7 =	sadd.s32 $0x14F00, s2;
	v11 =	vld.idx.msk [tilespmem:v60+s3+$0x0], $0xffff  }
0x263: {  	v16 =	vadd.s32 $0x2380, v4;
	s15 =	sor.u32 s0, s7  }
0x264: {  	s13 =	sor.u32 s1, s7;
	[tilespmem:s15+$0x0] =	vst v5  }
0x265: {  	s15 =	sor.u32 s9, s7;
	v5 =	vld.idx.msk [tilespmem:v61+s3+$0x0], $0xffff;
	[tilespmem:s13+$0x0] =	vst v7  }
0x266: {  	v17 =	vadd.s32 $0x4000, v1;
	s7 =	sor.u32 s11, s7;
	v7 =	vld.idx.msk [tilespmem:v62+s3+$0x0], $0xffff;
	[tilespmem:s15+$0x0] =	vst v9  }
0x267: {  	v18 =	vadd.s32 $0x4000, v2;
	v9 =	vld.idx.msk [tilespmem:v63+s3+$0x0], $0xffff;
	[tilespmem:s7+$0x0] =	vst v11  }
0x268: {  	v19 =	vadd.s32 $0x4000, v3;
	s7 =	sadd.s32 $0x14F80, s2;
	v11 =	vld.idx.msk [tilespmem:v16+s3+$0x0], $0xffff  }
0x269: {  	v20 =	vadd.s32 $0x4000, v4;
	s13 =	sor.u32 s0, s7  }
0x26a: {  	s15 =	sor.u32 s1, s7;
	[tilespmem:s13+$0x0] =	vst v5  }
0x26b: {  	s13 =	sor.u32 s9, s7;
	v5 =	vld.idx.msk [tilespmem:v17+s3+$0x0], $0xffff;
	[tilespmem:s15+$0x0] =	vst v7  }
0x26c: {  	v21 =	vadd.s32 $0x4080, v1;
	s7 =	sor.u32 s11, s7;
	v7 =	vld.idx.msk [tilespmem:v18+s3+$0x0], $0xffff;
	[tilespmem:s13+$0x0] =	vst v9  }
0x26d: {  	v22 =	vadd.s32 $0x4080, v2;
	v9 =	vld.idx.msk [tilespmem:v19+s3+$0x0], $0xffff;
	[tilespmem:s7+$0x0] =	vst v11  }
0x26e: {  	v23 =	vadd.s32 $0x4080, v3;
	s7 =	sadd.s32 $0x15400, s2;
	v11 =	vld.idx.msk [tilespmem:v20+s3+$0x0], $0xffff  }
0x26f: {  	v24 =	vadd.s32 $0x4080, v4;
	s15 =	sor.u32 s0, s7  }
0x270: {  	s13 =	sor.u32 s1, s7;
	[tilespmem:s15+$0x0] =	vst v5  }
0x271: {  	s15 =	sor.u32 s9, s7;
	v5 =	vld.idx.msk [tilespmem:v21+s3+$0x0], $0xffff;
	[tilespmem:s13+$0x0] =	vst v7  }
0x272: {  	v25 =	vadd.s32 $0x4100, v1;
	s7 =	sor.u32 s11, s7;
	v7 =	vld.idx.msk [tilespmem:v22+s3+$0x0], $0xffff;
	[tilespmem:s15+$0x0] =	vst v9  }
0x273: {  	v26 =	vadd.s32 $0x4100, v2;
	v9 =	vld.idx.msk [tilespmem:v23+s3+$0x0], $0xffff;
	[tilespmem:s7+$0x0] =	vst v11  }
0x274: {  	v27 =	vadd.s32 $0x4100, v3;
	s7 =	sadd.s32 $0x15480, s2;
	v11 =	vld.idx.msk [tilespmem:v24+s3+$0x0], $0xffff  }
0x275: {  	v28 =	vadd.s32 $0x4100, v4;
	s13 =	sor.u32 s0, s7  }
0x276: {  	s15 =	sor.u32 s1, s7;
	[tilespmem:s13+$0x0] =	vst v5  }
0x277: {  	s13 =	sor.u32 s9, s7;
	v5 =	vld.idx.msk [tilespmem:v25+s3+$0x0], $0xffff;
	[tilespmem:s15+$0x0] =	vst v7  }
0x278: {  	v29 =	vadd.s32 $0x4180, v1;
	s7 =	sor.u32 s11, s7;
	v7 =	vld.idx.msk [tilespmem:v26+s3+$0x0], $0xffff;
	[tilespmem:s13+$0x0] =	vst v9  }
0x279: {  	v30 =	vadd.s32 $0x4180, v2;
	v9 =	vld.idx.msk [tilespmem:v27+s3+$0x0], $0xffff;
	[tilespmem:s7+$0x0] =	vst v11  }
0x27a: {  	v31 =	vadd.s32 $0x4180, v3;
	s7 =	sadd.s32 $0x15500, s2;
	v11 =	vld.idx.msk [tilespmem:v28+s3+$0x0], $0xffff  }
0x27b: {  	v32 =	vadd.s32 $0x4180, v4;
	s15 =	sor.u32 s0, s7  }
0x27c: {  	s13 =	sor.u32 s1, s7;
	[tilespmem:s15+$0x0] =	vst v5  }
0x27d: {  	s15 =	sor.u32 s9, s7;
	v5 =	vld.idx.msk [tilespmem:v29+s3+$0x0], $0xffff;
	[tilespmem:s13+$0x0] =	vst v7  }
0x27e: {  	v33 =	vadd.s32 $0x4200, v1;
	s7 =	sor.u32 s11, s7;
	v7 =	vld.idx.msk [tilespmem:v30+s3+$0x0], $0xffff;
	[tilespmem:s15+$0x0] =	vst v9  }
0x27f: {  	v34 =	vadd.s32 $0x4200, v2;
	v9 =	vld.idx.msk [tilespmem:v31+s3+$0x0], $0xffff;
	[tilespmem:s7+$0x0] =	vst v11  }
0x280: {  	v35 =	vadd.s32 $0x4200, v3;
	s7 =	sadd.s32 $0x15580, s2;
	v11 =	vld.idx.msk [tilespmem:v32+s3+$0x0], $0xffff  }
0x281: {  	v36 =	vadd.s32 $0x4200, v4;
	s13 =	sor.u32 s0, s7  }
0x282: {  	s15 =	sor.u32 s1, s7;
	[tilespmem:s13+$0x0] =	vst v5  }
0x283: {  	s13 =	sor.u32 s9, s7;
	v5 =	vld.idx.msk [tilespmem:v33+s3+$0x0], $0xffff;
	[tilespmem:s15+$0x0] =	vst v7  }
0x284: {  	v37 =	vadd.s32 $0x4280, v1;
	s7 =	sor.u32 s11, s7;
	v7 =	vld.idx.msk [tilespmem:v34+s3+$0x0], $0xffff;
	[tilespmem:s13+$0x0] =	vst v9  }
0x285: {  	v38 =	vadd.s32 $0x4280, v2;
	v9 =	vld.idx.msk [tilespmem:v35+s3+$0x0], $0xffff;
	[tilespmem:s7+$0x0] =	vst v11  }
0x286: {  	v39 =	vadd.s32 $0x4280, v3;
	s7 =	sadd.s32 $0x15600, s2;
	v11 =	vld.idx.msk [tilespmem:v36+s3+$0x0], $0xffff  }
0x287: {  	v40 =	vadd.s32 $0x4280, v4;
	s15 =	sor.u32 s0, s7  }
0x288: {  	s13 =	sor.u32 s1, s7;
	[tilespmem:s15+$0x0] =	vst v5  }
0x289: {  	s15 =	sor.u32 s9, s7;
	v5 =	vld.idx.msk [tilespmem:v37+s3+$0x0], $0xffff;
	[tilespmem:s13+$0x0] =	vst v7  }
0x28a: {  	v41 =	vadd.s32 $0x4300, v1;
	s7 =	sor.u32 s11, s7;
	v7 =	vld.idx.msk [tilespmem:v38+s3+$0x0], $0xffff;
	[tilespmem:s15+$0x0] =	vst v9  }
0x28b: {  	v42 =	vadd.s32 $0x4300, v2;
	v9 =	vld.idx.msk [tilespmem:v39+s3+$0x0], $0xffff;
	[tilespmem:s7+$0x0] =	vst v11  }
0x28c: {  	v43 =	vadd.s32 $0x4300, v3;
	s7 =	sadd.s32 $0x15680, s2;
	v11 =	vld.idx.msk [tilespmem:v40+s3+$0x0], $0xffff  }
0x28d: {  	v44 =	vadd.s32 $0x4300, v4;
	s13 =	sor.u32 s0, s7  }
0x28e: {  	s15 =	sor.u32 s1, s7;
	[tilespmem:s13+$0x0] =	vst v5  }
0x28f: {  	s13 =	sor.u32 s9, s7;
	v5 =	vld.idx.msk [tilespmem:v41+s3+$0x0], $0xffff;
	[tilespmem:s15+$0x0] =	vst v7  }
0x290: {  	v45 =	vadd.s32 $0x4380, v1;
	s7 =	sor.u32 s11, s7;
	v7 =	vld.idx.msk [tilespmem:v42+s3+$0x0], $0xffff;
	[tilespmem:s13+$0x0] =	vst v9  }
0x291: {  	v46 =	vadd.s32 $0x4380, v2;
	v9 =	vld.idx.msk [tilespmem:v43+s3+$0x0], $0xffff;
	[tilespmem:s7+$0x0] =	vst v11  }
0x292: {  	v47 =	vadd.s32 $0x4380, v3;
	s7 =	sadd.s32 $0x15700, s2;
	v11 =	vld.idx.msk [tilespmem:v44+s3+$0x0], $0xffff  }
0x293: {  	v48 =	vadd.s32 $0x4380, v4;
	s15 =	sor.u32 s0, s7  }
0x294: {  	s13 =	sor.u32 s1, s7;
	[tilespmem:s15+$0x0] =	vst v5  }
0x295: {  	s15 =	sor.u32 s9, s7;
	v5 =	vld.idx.msk [tilespmem:v45+s3+$0x0], $0xffff;
	[tilespmem:s13+$0x0] =	vst v7  }
0x296: {  	v49 =	vadd.s32 $0x6000, v1;
	s7 =	sor.u32 s11, s7;
	v7 =	vld.idx.msk [tilespmem:v46+s3+$0x0], $0xffff;
	[tilespmem:s15+$0x0] =	vst v9  }
0x297: {  	v50 =	vadd.s32 $0x6000, v2;
	v9 =	vld.idx.msk [tilespmem:v47+s3+$0x0], $0xffff;
	[tilespmem:s7+$0x0] =	vst v11  }
0x298: {  	v51 =	vadd.s32 $0x6000, v3;
	s7 =	sadd.s32 $0x15780, s2;
	v11 =	vld.idx.msk [tilespmem:v48+s3+$0x0], $0xffff  }
0x299: {  	v52 =	vadd.s32 $0x6000, v4;
	s13 =	sor.u32 s0, s7  }
0x29a: {  	s15 =	sor.u32 s1, s7;
	[tilespmem:s13+$0x0] =	vst v5  }
0x29b: {  	s13 =	sor.u32 s9, s7;
	v5 =	vld.idx.msk [tilespmem:v49+s3+$0x0], $0xffff;
	[tilespmem:s15+$0x0] =	vst v7  }
0x29c: {  	v53 =	vadd.s32 $0x6080, v1;
	s7 =	sor.u32 s11, s7;
	v7 =	vld.idx.msk [tilespmem:v50+s3+$0x0], $0xffff;
	[tilespmem:s13+$0x0] =	vst v9  }
0x29d: {  	v54 =	vadd.s32 $0x6080, v2;
	v9 =	vld.idx.msk [tilespmem:v51+s3+$0x0], $0xffff;
	[tilespmem:s7+$0x0] =	vst v11  }
0x29e: {  	v55 =	vadd.s32 $0x6080, v3;
	s7 =	sadd.s32 $0x15C00, s2;
	v11 =	vld.idx.msk [tilespmem:v52+s3+$0x0], $0xffff  }
0x29f: {  	v56 =	vadd.s32 $0x6080, v4;
	s15 =	sor.u32 s0, s7  }
0x2a0: {  	s13 =	sor.u32 s1, s7;
	[tilespmem:s15+$0x0] =	vst v5  }
0x2a1: {  	s15 =	sor.u32 s9, s7;
	v5 =	vld.idx.msk [tilespmem:v53+s3+$0x0], $0xffff;
	[tilespmem:s13+$0x0] =	vst v7  }
0x2a2: {  	v57 =	vadd.s32 $0x6100, v1;
	s7 =	sor.u32 s11, s7;
	v7 =	vld.idx.msk [tilespmem:v54+s3+$0x0], $0xffff;
	[tilespmem:s15+$0x0] =	vst v9  }
0x2a3: {  	v58 =	vadd.s32 $0x6100, v2;
	v9 =	vld.idx.msk [tilespmem:v55+s3+$0x0], $0xffff;
	[tilespmem:s7+$0x0] =	vst v11  }
0x2a4: {  	v59 =	vadd.s32 $0x6100, v3;
	s7 =	sadd.s32 $0x15C80, s2;
	v11 =	vld.idx.msk [tilespmem:v56+s3+$0x0], $0xffff  }
0x2a5: {  	v60 =	vadd.s32 $0x6100, v4;
	s13 =	sor.u32 s0, s7  }
0x2a6: {  	s15 =	sor.u32 s1, s7;
	[tilespmem:s13+$0x0] =	vst v5  }
0x2a7: {  	s13 =	sor.u32 s9, s7;
	v5 =	vld.idx.msk [tilespmem:v57+s3+$0x0], $0xffff;
	[tilespmem:s15+$0x0] =	vst v7  }
0x2a8: {  	v61 =	vadd.s32 $0x6180, v1;
	s7 =	sor.u32 s11, s7;
	v7 =	vld.idx.msk [tilespmem:v58+s3+$0x0], $0xffff;
	[tilespmem:s13+$0x0] =	vst v9  }
0x2a9: {  	v62 =	vadd.s32 $0x6180, v2;
	v9 =	vld.idx.msk [tilespmem:v59+s3+$0x0], $0xffff;
	[tilespmem:s7+$0x0] =	vst v11  }
0x2aa: {  	v63 =	vadd.s32 $0x6180, v3;
	s7 =	sadd.s32 $0x15D00, s2;
	v11 =	vld.idx.msk [tilespmem:v60+s3+$0x0], $0xffff  }
0x2ab: {  	v16 =	vadd.s32 $0x6180, v4;
	s15 =	sor.u32 s0, s7  }
0x2ac: {  	s13 =	sor.u32 s1, s7;
	[tilespmem:s15+$0x0] =	vst v5  }
0x2ad: {  	s15 =	sor.u32 s9, s7;
	v5 =	vld.idx.msk [tilespmem:v61+s3+$0x0], $0xffff;
	[tilespmem:s13+$0x0] =	vst v7  }
0x2ae: {  	v17 =	vadd.s32 $0x6200, v1;
	s7 =	sor.u32 s11, s7;
	v7 =	vld.idx.msk [tilespmem:v62+s3+$0x0], $0xffff;
	[tilespmem:s15+$0x0] =	vst v9  }
0x2af: {  	v18 =	vadd.s32 $0x6200, v2;
	v9 =	vld.idx.msk [tilespmem:v63+s3+$0x0], $0xffff;
	[tilespmem:s7+$0x0] =	vst v11  }
0x2b0: {  	v19 =	vadd.s32 $0x6200, v3;
	s7 =	sadd.s32 $0x15D80, s2;
	v11 =	vld.idx.msk [tilespmem:v16+s3+$0x0], $0xffff  }
0x2b1: {  	v20 =	vadd.s32 $0x6200, v4;
	s13 =	sor.u32 s0, s7  }
0x2b2: {  	s15 =	sor.u32 s1, s7;
	[tilespmem:s13+$0x0] =	vst v5  }
0x2b3: {  	s13 =	sor.u32 s9, s7;
	v5 =	vld.idx.msk [tilespmem:v17+s3+$0x0], $0xffff;
	[tilespmem:s15+$0x0] =	vst v7  }
0x2b4: {  	v21 =	vadd.s32 $0x6280, v1;
	s7 =	sor.u32 s11, s7;
	v7 =	vld.idx.msk [tilespmem:v18+s3+$0x0], $0xffff;
	[tilespmem:s13+$0x0] =	vst v9  }
0x2b5: {  	v22 =	vadd.s32 $0x6280, v2;
	v9 =	vld.idx.msk [tilespmem:v19+s3+$0x0], $0xffff;
	[tilespmem:s7+$0x0] =	vst v11  }
0x2b6: {  	v23 =	vadd.s32 $0x6280, v3;
	s7 =	sadd.s32 $0x15E00, s2;
	v11 =	vld.idx.msk [tilespmem:v20+s3+$0x0], $0xffff  }
0x2b7: {  	v24 =	vadd.s32 $0x6280, v4;
	s15 =	sor.u32 s0, s7  }
0x2b8: {  	s13 =	sor.u32 s1, s7;
	[tilespmem:s15+$0x0] =	vst v5  }
0x2b9: {  	s15 =	sor.u32 s9, s7;
	v5 =	vld.idx.msk [tilespmem:v21+s3+$0x0], $0xffff;
	[tilespmem:s13+$0x0] =	vst v7  }
0x2ba: {  	v25 =	vadd.s32 $0x6300, v1;
	s7 =	sor.u32 s11, s7;
	v7 =	vld.idx.msk [tilespmem:v22+s3+$0x0], $0xffff;
	[tilespmem:s15+$0x0] =	vst v9  }
0x2bb: {  	v26 =	vadd.s32 $0x6300, v2;
	v9 =	vld.idx.msk [tilespmem:v23+s3+$0x0], $0xffff;
	[tilespmem:s7+$0x0] =	vst v11  }
0x2bc: {  	v27 =	vadd.s32 $0x6300, v3;
	s7 =	sadd.s32 $0x15E80, s2;
	v11 =	vld.idx.msk [tilespmem:v24+s3+$0x0], $0xffff  }
0x2bd: {  	v28 =	vadd.s32 $0x6300, v4;
	s13 =	sor.u32 s0, s7  }
0x2be: {  	s15 =	sor.u32 s1, s7;
	[tilespmem:s13+$0x0] =	vst v5  }
0x2bf: {  	s13 =	sor.u32 s9, s7;
	v5 =	vld.idx.msk [tilespmem:v25+s3+$0x0], $0xffff;
	[tilespmem:s15+$0x0] =	vst v7  }
0x2c0: {  	v29 =	vadd.s32 $0x6380, v1;
	s7 =	sor.u32 s11, s7;
	v7 =	vld.idx.msk [tilespmem:v26+s3+$0x0], $0xffff;
	[tilespmem:s13+$0x0] =	vst v9  }
0x2c1: {  	v30 =	vadd.s32 $0x6380, v2;
	v9 =	vld.idx.msk [tilespmem:v27+s3+$0x0], $0xffff;
	[tilespmem:s7+$0x0] =	vst v11  }
0x2c2: {  	v31 =	vadd.s32 $0x6380, v3;
	s7 =	sadd.s32 $0x15F00, s2;
	v11 =	vld.idx.msk [tilespmem:v28+s3+$0x0], $0xffff  }
0x2c3: {  	v32 =	vadd.s32 $0x6380, v4;
	s15 =	sor.u32 s0, s7  }
0x2c4: {  	s13 =	sor.u32 s1, s7;
	[tilespmem:s15+$0x0] =	vst v5  }
0x2c5: {  	s15 =	sor.u32 s9, s7;
	v5 =	vld.idx.msk [tilespmem:v29+s3+$0x0], $0xffff;
	[tilespmem:s13+$0x0] =	vst v7  }
0x2c6: {  	v33 =	vadd.s32 $0x8000, v1;
	s7 =	sor.u32 s11, s7;
	v7 =	vld.idx.msk [tilespmem:v30+s3+$0x0], $0xffff;
	[tilespmem:s15+$0x0] =	vst v9  }
0x2c7: {  	v34 =	vadd.s32 $0x8000, v2;
	v9 =	vld.idx.msk [tilespmem:v31+s3+$0x0], $0xffff;
	[tilespmem:s7+$0x0] =	vst v11  }
0x2c8: {  	v35 =	vadd.s32 $0x8000, v3;
	s7 =	sadd.s32 $0x15F80, s2;
	v11 =	vld.idx.msk [tilespmem:v32+s3+$0x0], $0xffff  }
0x2c9: {  	v36 =	vadd.s32 $0x8000, v4;
	s13 =	sor.u32 s0, s7  }
0x2ca: {  	s15 =	sor.u32 s1, s7;
	[tilespmem:s13+$0x0] =	vst v5  }
0x2cb: {  	s13 =	sor.u32 s9, s7;
	v5 =	vld.idx.msk [tilespmem:v33+s3+$0x0], $0xffff;
	[tilespmem:s15+$0x0] =	vst v7  }
0x2cc: {  	v37 =	vadd.s32 $0x8080, v1;
	s7 =	sor.u32 s11, s7;
	v7 =	vld.idx.msk [tilespmem:v34+s3+$0x0], $0xffff;
	[tilespmem:s13+$0x0] =	vst v9  }
0x2cd: {  	v38 =	vadd.s32 $0x8080, v2;
	v9 =	vld.idx.msk [tilespmem:v35+s3+$0x0], $0xffff;
	[tilespmem:s7+$0x0] =	vst v11  }
0x2ce: {  	v39 =	vadd.s32 $0x8080, v3;
	s7 =	sadd.s32 $0x16400, s2;
	v11 =	vld.idx.msk [tilespmem:v36+s3+$0x0], $0xffff  }
0x2cf: {  	v40 =	vadd.s32 $0x8080, v4;
	s15 =	sor.u32 s0, s7  }
0x2d0: {  	s13 =	sor.u32 s1, s7;
	[tilespmem:s15+$0x0] =	vst v5  }
0x2d1: {  	s15 =	sor.u32 s9, s7;
	v5 =	vld.idx.msk [tilespmem:v37+s3+$0x0], $0xffff;
	[tilespmem:s13+$0x0] =	vst v7  }
0x2d2: {  	v41 =	vadd.s32 $0x8100, v1;
	s7 =	sor.u32 s11, s7;
	v7 =	vld.idx.msk [tilespmem:v38+s3+$0x0], $0xffff;
	[tilespmem:s15+$0x0] =	vst v9  }
0x2d3: {  	v42 =	vadd.s32 $0x8100, v2;
	v9 =	vld.idx.msk [tilespmem:v39+s3+$0x0], $0xffff;
	[tilespmem:s7+$0x0] =	vst v11  }
0x2d4: {  	v43 =	vadd.s32 $0x8100, v3;
	s7 =	sadd.s32 $0x16480, s2;
	v11 =	vld.idx.msk [tilespmem:v40+s3+$0x0], $0xffff  }
0x2d5: {  	v44 =	vadd.s32 $0x8100, v4;
	s13 =	sor.u32 s0, s7  }
0x2d6: {  	s15 =	sor.u32 s1, s7;
	[tilespmem:s13+$0x0] =	vst v5  }
0x2d7: {  	s13 =	sor.u32 s9, s7;
	v5 =	vld.idx.msk [tilespmem:v41+s3+$0x0], $0xffff;
	[tilespmem:s15+$0x0] =	vst v7  }
0x2d8: {  	v45 =	vadd.s32 $0x8180, v1;
	s7 =	sor.u32 s11, s7;
	v7 =	vld.idx.msk [tilespmem:v42+s3+$0x0], $0xffff;
	[tilespmem:s13+$0x0] =	vst v9  }
0x2d9: {  	v46 =	vadd.s32 $0x8180, v2;
	v9 =	vld.idx.msk [tilespmem:v43+s3+$0x0], $0xffff;
	[tilespmem:s7+$0x0] =	vst v11  }
0x2da: {  	v47 =	vadd.s32 $0x8180, v3;
	s7 =	sadd.s32 $0x16500, s2;
	v11 =	vld.idx.msk [tilespmem:v44+s3+$0x0], $0xffff  }
0x2db: {  	v48 =	vadd.s32 $0x8180, v4;
	s15 =	sor.u32 s0, s7  }
0x2dc: {  	s13 =	sor.u32 s1, s7;
	[tilespmem:s15+$0x0] =	vst v5  }
0x2dd: {  	s15 =	sor.u32 s9, s7;
	v5 =	vld.idx.msk [tilespmem:v45+s3+$0x0], $0xffff;
	[tilespmem:s13+$0x0] =	vst v7  }
0x2de: {  	v49 =	vadd.s32 $0x8200, v1;
	s7 =	sor.u32 s11, s7;
	v7 =	vld.idx.msk [tilespmem:v46+s3+$0x0], $0xffff;
	[tilespmem:s15+$0x0] =	vst v9  }
0x2df: {  	v50 =	vadd.s32 $0x8200, v2;
	v9 =	vld.idx.msk [tilespmem:v47+s3+$0x0], $0xffff;
	[tilespmem:s7+$0x0] =	vst v11  }
0x2e0: {  	v51 =	vadd.s32 $0x8200, v3;
	s7 =	sadd.s32 $0x16580, s2;
	v11 =	vld.idx.msk [tilespmem:v48+s3+$0x0], $0xffff  }
0x2e1: {  	v52 =	vadd.s32 $0x8200, v4;
	s13 =	sor.u32 s0, s7  }
0x2e2: {  	s15 =	sor.u32 s1, s7;
	[tilespmem:s13+$0x0] =	vst v5  }
0x2e3: {  	s13 =	sor.u32 s9, s7;
	v5 =	vld.idx.msk [tilespmem:v49+s3+$0x0], $0xffff;
	[tilespmem:s15+$0x0] =	vst v7  }
0x2e4: {  	v53 =	vadd.s32 $0x8280, v1;
	s7 =	sor.u32 s11, s7;
	v7 =	vld.idx.msk [tilespmem:v50+s3+$0x0], $0xffff;
	[tilespmem:s13+$0x0] =	vst v9  }
0x2e5: {  	v54 =	vadd.s32 $0x8280, v2;
	v9 =	vld.idx.msk [tilespmem:v51+s3+$0x0], $0xffff;
	[tilespmem:s7+$0x0] =	vst v11  }
0x2e6: {  	v55 =	vadd.s32 $0x8280, v3;
	s7 =	sadd.s32 $0x16600, s2;
	v11 =	vld.idx.msk [tilespmem:v52+s3+$0x0], $0xffff  }
0x2e7: {  	v56 =	vadd.s32 $0x8280, v4;
	s15 =	sor.u32 s0, s7  }
0x2e8: {  	s13 =	sor.u32 s1, s7;
	[tilespmem:s15+$0x0] =	vst v5  }
0x2e9: {  	s15 =	sor.u32 s9, s7;
	v5 =	vld.idx.msk [tilespmem:v53+s3+$0x0], $0xffff;
	[tilespmem:s13+$0x0] =	vst v7  }
0x2ea: {  	v57 =	vadd.s32 $0x8300, v1;
	s7 =	sor.u32 s11, s7;
	v7 =	vld.idx.msk [tilespmem:v54+s3+$0x0], $0xffff;
	[tilespmem:s15+$0x0] =	vst v9  }
0x2eb: {  	v58 =	vadd.s32 $0x8300, v2;
	v9 =	vld.idx.msk [tilespmem:v55+s3+$0x0], $0xffff;
	[tilespmem:s7+$0x0] =	vst v11  }
0x2ec: {  	v59 =	vadd.s32 $0x8300, v3;
	s7 =	sadd.s32 $0x16680, s2;
	v11 =	vld.idx.msk [tilespmem:v56+s3+$0x0], $0xffff  }
0x2ed: {  	v60 =	vadd.s32 $0x8300, v4;
	s13 =	sor.u32 s0, s7  }
0x2ee: {  	s15 =	sor.u32 s1, s7;
	[tilespmem:s13+$0x0] =	vst v5  }
0x2ef: {  	s13 =	sor.u32 s9, s7;
	v5 =	vld.idx.msk [tilespmem:v57+s3+$0x0], $0xffff;
	[tilespmem:s15+$0x0] =	vst v7  }
0x2f0: {  	v61 =	vadd.s32 $0x8380, v1;
	s7 =	sor.u32 s11, s7;
	v7 =	vld.idx.msk [tilespmem:v58+s3+$0x0], $0xffff;
	[tilespmem:s13+$0x0] =	vst v9  }
0x2f1: {  	v62 =	vadd.s32 $0x8380, v2;
	v9 =	vld.idx.msk [tilespmem:v59+s3+$0x0], $0xffff;
	[tilespmem:s7+$0x0] =	vst v11  }
0x2f2: {  	v63 =	vadd.s32 $0x8380, v3;
	s7 =	sadd.s32 $0x16700, s2;
	v11 =	vld.idx.msk [tilespmem:v60+s3+$0x0], $0xffff  }
0x2f3: {  	v16 =	vadd.s32 $0x8380, v4;
	s15 =	sor.u32 s0, s7  }
0x2f4: {  	s13 =	sor.u32 s1, s7;
	[tilespmem:s15+$0x0] =	vst v5  }
0x2f5: {  	s15 =	sor.u32 s9, s7;
	v5 =	vld.idx.msk [tilespmem:v61+s3+$0x0], $0xffff;
	[tilespmem:s13+$0x0] =	vst v7  }
0x2f6: {  	v17 =	vadd.s32 $0xA000, v1;
	s7 =	sor.u32 s11, s7;
	v7 =	vld.idx.msk [tilespmem:v62+s3+$0x0], $0xffff;
	[tilespmem:s15+$0x0] =	vst v9  }
0x2f7: {  	v18 =	vadd.s32 $0xA000, v2;
	v9 =	vld.idx.msk [tilespmem:v63+s3+$0x0], $0xffff;
	[tilespmem:s7+$0x0] =	vst v11  }
0x2f8: {  	v19 =	vadd.s32 $0xA000, v3;
	s7 =	sadd.s32 $0x16780, s2;
	v11 =	vld.idx.msk [tilespmem:v16+s3+$0x0], $0xffff  }
0x2f9: {  	v20 =	vadd.s32 $0xA000, v4;
	s13 =	sor.u32 s0, s7  }
0x2fa: {  	s15 =	sor.u32 s1, s7;
	[tilespmem:s13+$0x0] =	vst v5  }
0x2fb: {  	s13 =	sor.u32 s9, s7;
	v5 =	vld.idx.msk [tilespmem:v17+s3+$0x0], $0xffff;
	[tilespmem:s15+$0x0] =	vst v7  }
0x2fc: {  	v21 =	vadd.s32 $0xA080, v1;
	s7 =	sor.u32 s11, s7;
	v7 =	vld.idx.msk [tilespmem:v18+s3+$0x0], $0xffff;
	[tilespmem:s13+$0x0] =	vst v9  }
0x2fd: {  	v22 =	vadd.s32 $0xA080, v2;
	v9 =	vld.idx.msk [tilespmem:v19+s3+$0x0], $0xffff;
	[tilespmem:s7+$0x0] =	vst v11  }
0x2fe: {  	v23 =	vadd.s32 $0xA080, v3;
	s7 =	sadd.s32 $0x16C00, s2;
	v11 =	vld.idx.msk [tilespmem:v20+s3+$0x0], $0xffff  }
0x2ff: {  	v24 =	vadd.s32 $0xA080, v4;
	s15 =	sor.u32 s0, s7  }
0x300: {  	s13 =	sor.u32 s1, s7;
	[tilespmem:s15+$0x0] =	vst v5  }
0x301: {  	s15 =	sor.u32 s9, s7;
	v5 =	vld.idx.msk [tilespmem:v21+s3+$0x0], $0xffff;
	[tilespmem:s13+$0x0] =	vst v7  }
0x302: {  	v25 =	vadd.s32 $0xA100, v1;
	s7 =	sor.u32 s11, s7;
	v7 =	vld.idx.msk [tilespmem:v22+s3+$0x0], $0xffff;
	[tilespmem:s15+$0x0] =	vst v9  }
0x303: {  	v26 =	vadd.s32 $0xA100, v2;
	v9 =	vld.idx.msk [tilespmem:v23+s3+$0x0], $0xffff;
	[tilespmem:s7+$0x0] =	vst v11  }
0x304: {  	v27 =	vadd.s32 $0xA100, v3;
	s7 =	sadd.s32 $0x16C80, s2;
	v11 =	vld.idx.msk [tilespmem:v24+s3+$0x0], $0xffff  }
0x305: {  	v28 =	vadd.s32 $0xA100, v4;
	s13 =	sor.u32 s0, s7  }
0x306: {  	s15 =	sor.u32 s1, s7;
	[tilespmem:s13+$0x0] =	vst v5  }
0x307: {  	s13 =	sor.u32 s9, s7;
	v5 =	vld.idx.msk [tilespmem:v25+s3+$0x0], $0xffff;
	[tilespmem:s15+$0x0] =	vst v7  }
0x308: {  	v29 =	vadd.s32 $0xA180, v1;
	s7 =	sor.u32 s11, s7;
	v7 =	vld.idx.msk [tilespmem:v26+s3+$0x0], $0xffff;
	[tilespmem:s13+$0x0] =	vst v9  }
0x309: {  	v30 =	vadd.s32 $0xA180, v2;
	v9 =	vld.idx.msk [tilespmem:v27+s3+$0x0], $0xffff;
	[tilespmem:s7+$0x0] =	vst v11  }
0x30a: {  	v31 =	vadd.s32 $0xA180, v3;
	s7 =	sadd.s32 $0x16D00, s2;
	v11 =	vld.idx.msk [tilespmem:v28+s3+$0x0], $0xffff  }
0x30b: {  	v32 =	vadd.s32 $0xA180, v4;
	s15 =	sor.u32 s0, s7  }
0x30c: {  	s13 =	sor.u32 s1, s7;
	[tilespmem:s15+$0x0] =	vst v5  }
0x30d: {  	s15 =	sor.u32 s9, s7;
	v5 =	vld.idx.msk [tilespmem:v29+s3+$0x0], $0xffff;
	[tilespmem:s13+$0x0] =	vst v7  }
0x30e: {  	v33 =	vadd.s32 $0xA200, v1;
	s7 =	sor.u32 s11, s7;
	v7 =	vld.idx.msk [tilespmem:v30+s3+$0x0], $0xffff;
	[tilespmem:s15+$0x0] =	vst v9  }
0x30f: {  	v34 =	vadd.s32 $0xA200, v2;
	v9 =	vld.idx.msk [tilespmem:v31+s3+$0x0], $0xffff;
	[tilespmem:s7+$0x0] =	vst v11  }
0x310: {  	v35 =	vadd.s32 $0xA200, v3;
	s7 =	sadd.s32 $0x16D80, s2;
	v11 =	vld.idx.msk [tilespmem:v32+s3+$0x0], $0xffff  }
0x311: {  	v36 =	vadd.s32 $0xA200, v4;
	s13 =	sor.u32 s0, s7  }
0x312: {  	s15 =	sor.u32 s1, s7;
	[tilespmem:s13+$0x0] =	vst v5  }
0x313: {  	s13 =	sor.u32 s9, s7;
	v5 =	vld.idx.msk [tilespmem:v33+s3+$0x0], $0xffff;
	[tilespmem:s15+$0x0] =	vst v7  }
0x314: {  	v37 =	vadd.s32 $0xA280, v1;
	s7 =	sor.u32 s11, s7;
	v7 =	vld.idx.msk [tilespmem:v34+s3+$0x0], $0xffff;
	[tilespmem:s13+$0x0] =	vst v9  }
0x315: {  	v38 =	vadd.s32 $0xA280, v2;
	v9 =	vld.idx.msk [tilespmem:v35+s3+$0x0], $0xffff;
	[tilespmem:s7+$0x0] =	vst v11  }
0x316: {  	v39 =	vadd.s32 $0xA280, v3;
	s7 =	sadd.s32 $0x16E00, s2;
	v11 =	vld.idx.msk [tilespmem:v36+s3+$0x0], $0xffff  }
0x317: {  	v40 =	vadd.s32 $0xA280, v4;
	s15 =	sor.u32 s0, s7  }
0x318: {  	s13 =	sor.u32 s1, s7;
	[tilespmem:s15+$0x0] =	vst v5  }
0x319: {  	s15 =	sor.u32 s9, s7;
	v5 =	vld.idx.msk [tilespmem:v37+s3+$0x0], $0xffff;
	[tilespmem:s13+$0x0] =	vst v7  }
0x31a: {  	v41 =	vadd.s32 $0xA300, v1;
	s7 =	sor.u32 s11, s7;
	v7 =	vld.idx.msk [tilespmem:v38+s3+$0x0], $0xffff;
	[tilespmem:s15+$0x0] =	vst v9  }
0x31b: {  	v42 =	vadd.s32 $0xA300, v2;
	v9 =	vld.idx.msk [tilespmem:v39+s3+$0x0], $0xffff;
	[tilespmem:s7+$0x0] =	vst v11  }
0x31c: {  	v43 =	vadd.s32 $0xA300, v3;
	s7 =	sadd.s32 $0x16E80, s2;
	v11 =	vld.idx.msk [tilespmem:v40+s3+$0x0], $0xffff  }
0x31d: {  	v44 =	vadd.s32 $0xA300, v4;
	s13 =	sor.u32 s0, s7  }
0x31e: {  	s15 =	sor.u32 s1, s7;
	[tilespmem:s13+$0x0] =	vst v5  }
0x31f: {  	s13 =	sor.u32 s9, s7;
	v5 =	vld.idx.msk [tilespmem:v41+s3+$0x0], $0xffff;
	[tilespmem:s15+$0x0] =	vst v7  }
0x320: {  	v45 =	vadd.s32 $0xA380, v1;
	s7 =	sor.u32 s11, s7;
	v7 =	vld.idx.msk [tilespmem:v42+s3+$0x0], $0xffff;
	[tilespmem:s13+$0x0] =	vst v9  }
0x321: {  	v46 =	vadd.s32 $0xA380, v2;
	v9 =	vld.idx.msk [tilespmem:v43+s3+$0x0], $0xffff;
	[tilespmem:s7+$0x0] =	vst v11  }
0x322: {  	v47 =	vadd.s32 $0xA380, v3;
	s7 =	sadd.s32 $0x16F00, s2;
	v11 =	vld.idx.msk [tilespmem:v44+s3+$0x0], $0xffff  }
0x323: {  	v48 =	vadd.s32 $0xA380, v4;
	s15 =	sor.u32 s0, s7  }
0x324: {  	s13 =	sor.u32 s1, s7;
	[tilespmem:s15+$0x0] =	vst v5  }
0x325: {  	s15 =	sor.u32 s9, s7;
	v5 =	vld.idx.msk [tilespmem:v45+s3+$0x0], $0xffff;
	[tilespmem:s13+$0x0] =	vst v7  }
0x326: {  	v49 =	vadd.s32 $0xC000, v1;
	s7 =	sor.u32 s11, s7;
	v7 =	vld.idx.msk [tilespmem:v46+s3+$0x0], $0xffff;
	[tilespmem:s15+$0x0] =	vst v9  }
0x327: {  	v50 =	vadd.s32 $0xC000, v2;
	v9 =	vld.idx.msk [tilespmem:v47+s3+$0x0], $0xffff;
	[tilespmem:s7+$0x0] =	vst v11  }
0x328: {  	v51 =	vadd.s32 $0xC000, v3;
	s7 =	sadd.s32 $0x16F80, s2;
	v11 =	vld.idx.msk [tilespmem:v48+s3+$0x0], $0xffff  }
0x329: {  	v52 =	vadd.s32 $0xC000, v4;
	s13 =	sor.u32 s0, s7  }
0x32a: {  	s15 =	sor.u32 s1, s7;
	[tilespmem:s13+$0x0] =	vst v5  }
0x32b: {  	s13 =	sor.u32 s9, s7;
	v5 =	vld.idx.msk [tilespmem:v49+s3+$0x0], $0xffff;
	[tilespmem:s15+$0x0] =	vst v7  }
0x32c: {  	v53 =	vadd.s32 $0xC080, v1;
	s7 =	sor.u32 s11, s7;
	v7 =	vld.idx.msk [tilespmem:v50+s3+$0x0], $0xffff;
	[tilespmem:s13+$0x0] =	vst v9  }
0x32d: {  	v54 =	vadd.s32 $0xC080, v2;
	v9 =	vld.idx.msk [tilespmem:v51+s3+$0x0], $0xffff;
	[tilespmem:s7+$0x0] =	vst v11  }
0x32e: {  	v55 =	vadd.s32 $0xC080, v3;
	s7 =	sadd.s32 $0x17400, s2;
	v11 =	vld.idx.msk [tilespmem:v52+s3+$0x0], $0xffff  }
0x32f: {  	v56 =	vadd.s32 $0xC080, v4;
	s15 =	sor.u32 s0, s7  }
0x330: {  	s13 =	sor.u32 s1, s7;
	[tilespmem:s15+$0x0] =	vst v5  }
0x331: {  	s15 =	sor.u32 s9, s7;
	v5 =	vld.idx.msk [tilespmem:v53+s3+$0x0], $0xffff;
	[tilespmem:s13+$0x0] =	vst v7  }
0x332: {  	v57 =	vadd.s32 $0xC100, v1;
	s7 =	sor.u32 s11, s7;
	v7 =	vld.idx.msk [tilespmem:v54+s3+$0x0], $0xffff;
	[tilespmem:s15+$0x0] =	vst v9  }
0x333: {  	v58 =	vadd.s32 $0xC100, v2;
	v9 =	vld.idx.msk [tilespmem:v55+s3+$0x0], $0xffff;
	[tilespmem:s7+$0x0] =	vst v11  }
0x334: {  	v59 =	vadd.s32 $0xC100, v3;
	s7 =	sadd.s32 $0x17480, s2;
	v11 =	vld.idx.msk [tilespmem:v56+s3+$0x0], $0xffff  }
0x335: {  	v60 =	vadd.s32 $0xC100, v4;
	s13 =	sor.u32 s0, s7  }
0x336: {  	s15 =	sor.u32 s1, s7;
	[tilespmem:s13+$0x0] =	vst v5  }
0x337: {  	s13 =	sor.u32 s9, s7;
	v5 =	vld.idx.msk [tilespmem:v57+s3+$0x0], $0xffff;
	[tilespmem:s15+$0x0] =	vst v7  }
0x338: {  	v61 =	vadd.s32 $0xC180, v1;
	s7 =	sor.u32 s11, s7;
	v7 =	vld.idx.msk [tilespmem:v58+s3+$0x0], $0xffff;
	[tilespmem:s13+$0x0] =	vst v9  }
0x339: {  	v62 =	vadd.s32 $0xC180, v2;
	v9 =	vld.idx.msk [tilespmem:v59+s3+$0x0], $0xffff;
	[tilespmem:s7+$0x0] =	vst v11  }
0x33a: {  	v63 =	vadd.s32 $0xC180, v3;
	s7 =	sadd.s32 $0x17500, s2;
	v11 =	vld.idx.msk [tilespmem:v60+s3+$0x0], $0xffff  }
0x33b: {  	v16 =	vadd.s32 $0xC180, v4;
	s15 =	sor.u32 s0, s7  }
0x33c: {  	s13 =	sor.u32 s1, s7;
	[tilespmem:s15+$0x0] =	vst v5  }
0x33d: {  	s15 =	sor.u32 s9, s7;
	v5 =	vld.idx.msk [tilespmem:v61+s3+$0x0], $0xffff;
	[tilespmem:s13+$0x0] =	vst v7  }
0x33e: {  	v17 =	vadd.s32 $0xC200, v1;
	s7 =	sor.u32 s11, s7;
	v7 =	vld.idx.msk [tilespmem:v62+s3+$0x0], $0xffff;
	[tilespmem:s15+$0x0] =	vst v9  }
0x33f: {  	v18 =	vadd.s32 $0xC200, v2;
	v9 =	vld.idx.msk [tilespmem:v63+s3+$0x0], $0xffff;
	[tilespmem:s7+$0x0] =	vst v11  }
0x340: {  	v19 =	vadd.s32 $0xC200, v3;
	s7 =	sadd.s32 $0x17580, s2;
	v11 =	vld.idx.msk [tilespmem:v16+s3+$0x0], $0xffff  }
0x341: {  	v20 =	vadd.s32 $0xC200, v4;
	s13 =	sor.u32 s0, s7  }
0x342: {  	s15 =	sor.u32 s1, s7;
	[tilespmem:s13+$0x0] =	vst v5  }
0x343: {  	s13 =	sor.u32 s9, s7;
	v5 =	vld.idx.msk [tilespmem:v17+s3+$0x0], $0xffff;
	[tilespmem:s15+$0x0] =	vst v7  }
0x344: {  	v21 =	vadd.s32 $0xC280, v1;
	s7 =	sor.u32 s11, s7;
	v7 =	vld.idx.msk [tilespmem:v18+s3+$0x0], $0xffff;
	[tilespmem:s13+$0x0] =	vst v9  }
0x345: {  	v22 =	vadd.s32 $0xC280, v2;
	v9 =	vld.idx.msk [tilespmem:v19+s3+$0x0], $0xffff;
	[tilespmem:s7+$0x0] =	vst v11  }
0x346: {  	v23 =	vadd.s32 $0xC280, v3;
	s7 =	sadd.s32 $0x17600, s2;
	v11 =	vld.idx.msk [tilespmem:v20+s3+$0x0], $0xffff  }
0x347: {  	v24 =	vadd.s32 $0xC280, v4;
	s15 =	sor.u32 s0, s7  }
0x348: {  	s13 =	sor.u32 s1, s7;
	[tilespmem:s15+$0x0] =	vst v5  }
0x349: {  	s15 =	sor.u32 s9, s7;
	v5 =	vld.idx.msk [tilespmem:v21+s3+$0x0], $0xffff;
	[tilespmem:s13+$0x0] =	vst v7  }
0x34a: {  	v25 =	vadd.s32 $0xC300, v1;
	s7 =	sor.u32 s11, s7;
	v7 =	vld.idx.msk [tilespmem:v22+s3+$0x0], $0xffff;
	[tilespmem:s15+$0x0] =	vst v9  }
0x34b: {  	v26 =	vadd.s32 $0xC300, v2;
	v9 =	vld.idx.msk [tilespmem:v23+s3+$0x0], $0xffff;
	[tilespmem:s7+$0x0] =	vst v11  }
0x34c: {  	v27 =	vadd.s32 $0xC300, v3;
	s7 =	sadd.s32 $0x17680, s2;
	v11 =	vld.idx.msk [tilespmem:v24+s3+$0x0], $0xffff  }
0x34d: {  	v28 =	vadd.s32 $0xC300, v4;
	s13 =	sor.u32 s0, s7  }
0x34e: {  	s15 =	sor.u32 s1, s7;
	[tilespmem:s13+$0x0] =	vst v5  }
0x34f: {  	s13 =	sor.u32 s9, s7;
	v5 =	vld.idx.msk [tilespmem:v25+s3+$0x0], $0xffff;
	[tilespmem:s15+$0x0] =	vst v7  }
0x350: {  	v29 =	vadd.s32 $0xC380, v1;
	s7 =	sor.u32 s11, s7;
	v7 =	vld.idx.msk [tilespmem:v26+s3+$0x0], $0xffff;
	[tilespmem:s13+$0x0] =	vst v9  }
0x351: {  	v30 =	vadd.s32 $0xC380, v2;
	v9 =	vld.idx.msk [tilespmem:v27+s3+$0x0], $0xffff;
	[tilespmem:s7+$0x0] =	vst v11  }
0x352: {  	v31 =	vadd.s32 $0xC380, v3;
	s7 =	sadd.s32 $0x17700, s2;
	v11 =	vld.idx.msk [tilespmem:v28+s3+$0x0], $0xffff  }
0x353: {  	v32 =	vadd.s32 $0xC380, v4;
	s15 =	sor.u32 s0, s7  }
0x354: {  	s13 =	sor.u32 s1, s7;
	[tilespmem:s15+$0x0] =	vst v5  }
0x355: {  	s15 =	sor.u32 s9, s7;
	v5 =	vld.idx.msk [tilespmem:v29+s3+$0x0], $0xffff;
	[tilespmem:s13+$0x0] =	vst v7  }
0x356: {  	v33 =	vadd.s32 $0xE000, v1;
	s7 =	sor.u32 s11, s7;
	v7 =	vld.idx.msk [tilespmem:v30+s3+$0x0], $0xffff;
	[tilespmem:s15+$0x0] =	vst v9  }
0x357: {  	v34 =	vadd.s32 $0xE000, v2;
	v9 =	vld.idx.msk [tilespmem:v31+s3+$0x0], $0xffff;
	[tilespmem:s7+$0x0] =	vst v11  }
0x358: {  	v35 =	vadd.s32 $0xE000, v3;
	s7 =	sadd.s32 $0x17780, s2;
	v11 =	vld.idx.msk [tilespmem:v32+s3+$0x0], $0xffff  }
0x359: {  	v36 =	vadd.s32 $0xE000, v4;
	s13 =	sor.u32 s0, s7  }
0x35a: {  	s15 =	sor.u32 s1, s7;
	[tilespmem:s13+$0x0] =	vst v5  }
0x35b: {  	s13 =	sor.u32 s9, s7;
	v5 =	vld.idx.msk [tilespmem:v33+s3+$0x0], $0xffff;
	[tilespmem:s15+$0x0] =	vst v7  }
0x35c: {  	v37 =	vadd.s32 $0xE080, v1;
	s7 =	sor.u32 s11, s7;
	v7 =	vld.idx.msk [tilespmem:v34+s3+$0x0], $0xffff;
	[tilespmem:s13+$0x0] =	vst v9  }
0x35d: {  	v38 =	vadd.s32 $0xE080, v2;
	v9 =	vld.idx.msk [tilespmem:v35+s3+$0x0], $0xffff;
	[tilespmem:s7+$0x0] =	vst v11  }
0x35e: {  	v39 =	vadd.s32 $0xE080, v3;
	s7 =	sadd.s32 $0x17C00, s2;
	v11 =	vld.idx.msk [tilespmem:v36+s3+$0x0], $0xffff  }
0x35f: {  	v40 =	vadd.s32 $0xE080, v4;
	s15 =	sor.u32 s0, s7  }
0x360: {  	s13 =	sor.u32 s1, s7;
	[tilespmem:s15+$0x0] =	vst v5  }
0x361: {  	s15 =	sor.u32 s9, s7;
	v5 =	vld.idx.msk [tilespmem:v37+s3+$0x0], $0xffff;
	[tilespmem:s13+$0x0] =	vst v7  }
0x362: {  	v41 =	vadd.s32 $0xE100, v1;
	s7 =	sor.u32 s11, s7;
	v7 =	vld.idx.msk [tilespmem:v38+s3+$0x0], $0xffff;
	[tilespmem:s15+$0x0] =	vst v9  }
0x363: {  	v42 =	vadd.s32 $0xE100, v2;
	v9 =	vld.idx.msk [tilespmem:v39+s3+$0x0], $0xffff;
	[tilespmem:s7+$0x0] =	vst v11  }
0x364: {  	v43 =	vadd.s32 $0xE100, v3;
	s7 =	sadd.s32 $0x17C80, s2;
	v11 =	vld.idx.msk [tilespmem:v40+s3+$0x0], $0xffff  }
0x365: {  	v44 =	vadd.s32 $0xE100, v4;
	s13 =	sor.u32 s0, s7  }
0x366: {  	s15 =	sor.u32 s1, s7;
	[tilespmem:s13+$0x0] =	vst v5  }
0x367: {  	s13 =	sor.u32 s9, s7;
	v5 =	vld.idx.msk [tilespmem:v41+s3+$0x0], $0xffff;
	[tilespmem:s15+$0x0] =	vst v7  }
0x368: {  	v45 =	vadd.s32 $0xE180, v1;
	s7 =	sor.u32 s11, s7;
	v7 =	vld.idx.msk [tilespmem:v42+s3+$0x0], $0xffff;
	[tilespmem:s13+$0x0] =	vst v9  }
0x369: {  	v46 =	vadd.s32 $0xE180, v2;
	v9 =	vld.idx.msk [tilespmem:v43+s3+$0x0], $0xffff;
	[tilespmem:s7+$0x0] =	vst v11  }
0x36a: {  	v47 =	vadd.s32 $0xE180, v3;
	s7 =	sadd.s32 $0x17D00, s2;
	v11 =	vld.idx.msk [tilespmem:v44+s3+$0x0], $0xffff  }
0x36b: {  	v48 =	vadd.s32 $0xE180, v4;
	s15 =	sor.u32 s0, s7  }
0x36c: {  	s13 =	sor.u32 s1, s7;
	[tilespmem:s15+$0x0] =	vst v5  }
0x36d: {  	s15 =	sor.u32 s9, s7;
	v5 =	vld.idx.msk [tilespmem:v45+s3+$0x0], $0xffff;
	[tilespmem:s13+$0x0] =	vst v7  }
0x36e: {  	v49 =	vadd.s32 $0xE200, v1;
	s7 =	sor.u32 s11, s7;
	v7 =	vld.idx.msk [tilespmem:v46+s3+$0x0], $0xffff;
	[tilespmem:s15+$0x0] =	vst v9  }
0x36f: {  	v50 =	vadd.s32 $0xE200, v2;
	v9 =	vld.idx.msk [tilespmem:v47+s3+$0x0], $0xffff;
	[tilespmem:s7+$0x0] =	vst v11  }
0x370: {  	v51 =	vadd.s32 $0xE200, v3;
	s7 =	sadd.s32 $0x17D80, s2;
	v11 =	vld.idx.msk [tilespmem:v48+s3+$0x0], $0xffff  }
0x371: {  	v52 =	vadd.s32 $0xE200, v4;
	s13 =	sor.u32 s0, s7  }
0x372: {  	s15 =	sor.u32 s1, s7;
	[tilespmem:s13+$0x0] =	vst v5  }
0x373: {  	s13 =	sor.u32 s9, s7;
	v5 =	vld.idx.msk [tilespmem:v49+s3+$0x0], $0xffff;
	[tilespmem:s15+$0x0] =	vst v7  }
0x374: {  	v53 =	vadd.s32 $0xE280, v1;
	s7 =	sor.u32 s11, s7;
	v7 =	vld.idx.msk [tilespmem:v50+s3+$0x0], $0xffff;
	[tilespmem:s13+$0x0] =	vst v9  }
0x375: {  	v54 =	vadd.s32 $0xE280, v2;
	v9 =	vld.idx.msk [tilespmem:v51+s3+$0x0], $0xffff;
	[tilespmem:s7+$0x0] =	vst v11  }
0x376: {  	v55 =	vadd.s32 $0xE280, v3;
	s7 =	sadd.s32 $0x17E00, s2;
	v11 =	vld.idx.msk [tilespmem:v52+s3+$0x0], $0xffff  }
0x377: {  	v56 =	vadd.s32 $0xE280, v4;
	s15 =	sor.u32 s0, s7  }
0x378: {  	s13 =	sor.u32 s1, s7;
	[tilespmem:s15+$0x0] =	vst v5  }
0x379: {  	s15 =	sor.u32 s9, s7;
	v5 =	vld.idx.msk [tilespmem:v53+s3+$0x0], $0xffff;
	[tilespmem:s13+$0x0] =	vst v7  }
0x37a: {  	v57 =	vadd.s32 $0xE300, v1;
	s7 =	sor.u32 s11, s7;
	v7 =	vld.idx.msk [tilespmem:v54+s3+$0x0], $0xffff;
	[tilespmem:s15+$0x0] =	vst v9  }
0x37b: {  	v58 =	vadd.s32 $0xE300, v2;
	v9 =	vld.idx.msk [tilespmem:v55+s3+$0x0], $0xffff;
	[tilespmem:s7+$0x0] =	vst v11  }
0x37c: {  	v59 =	vadd.s32 $0xE300, v3;
	s7 =	sadd.s32 $0x17E80, s2;
	v11 =	vld.idx.msk [tilespmem:v56+s3+$0x0], $0xffff  }
0x37d: {  	v60 =	vadd.s32 $0xE300, v4;
	s13 =	sor.u32 s0, s7  }
0x37e: {  	s15 =	sor.u32 s1, s7;
	[tilespmem:s13+$0x0] =	vst v5  }
0x37f: {  	s13 =	sor.u32 s9, s7;
	[tilespmem:s15+$0x0] =	vst v7;
	v5 =	vld.idx.msk [tilespmem:v57+s3+$0x0], $0xffff  }
0x380: {  	v1 =	vadd.s32 $0xE380, v1;
	s7 =	sor.u32 s11, s7;
	v61 =	vld.idx.msk [tilespmem:v58+s3+$0x0], $0xffff;
	[tilespmem:s13+$0x0] =	vst v9  }
0x381: {  	v2 =	vadd.s32 $0xE380, v2;
	[tilespmem:s7+$0x0] =	vst v11;
	v62 =	vld.idx.msk [tilespmem:v59+s3+$0x0], $0xffff  }
0x382: {  	v3 =	vadd.s32 $0xE380, v3;
	s7 =	sadd.s32 $0x17F00, s2;
	v63 =	vld.idx.msk [tilespmem:v60+s3+$0x0], $0xffff  }
0x383: {  	v4 =	vadd.s32 $0xE380, v4;
	s15 =	sor.u32 s0, s7  }
0x384: {  	s13 =	sor.u32 s1, s7;
	[tilespmem:s15+$0x0] =	vst v5  }
0x385: {  	s15 =	sor.u32 s9, s7;
	[tilespmem:s13+$0x0] =	vst v61;
	v1 =	vld.idx.msk [tilespmem:v1+s3+$0x0], $0xffff  }
0x386: {  	s7 =	sor.u32 s11, s7;
	v2 =	vld.idx.msk [tilespmem:v2+s3+$0x0], $0xffff;
	[tilespmem:s15+$0x0] =	vst v62  }
0x387: {  	s26 =	sadd.s32 $0x4, s26;
	[tilespmem:s7+$0x0] =	vst v63;
	v3 =	vld.idx.msk [tilespmem:v3+s3+$0x0], $0xffff  }
0x388: {  	p1 =	slt.u32 s26, $0xC;
	s2 =	sadd.s32 $0x17F80, s2;
	v4 =	vld.idx.msk [tilespmem:v4+s3+$0x0], $0xffff  }
.Ltmp3:
0x389: {  	s0 =	sor.u32 s0, s2;
	(pc) =	sbr.rel @p1 .LBB2_8-.Ltmp3, $4  }
0x38a: {  	s10 =	sor.u32 s1, s2;
	[tilespmem:s0+$0x0] =	vst v1  }
0x38b: {  	s13 =	sor.u32 s9, s2;
	[tilespmem:s10+$0x0] =	vst v2  }
0x38c: {  	s30 =	sadd.s32 $0x240, s30;
	p0 =	por !p0, !p0;
	s15 =	sor.u32 s11, s2;
	[tilespmem:s13+$0x0] =	vst v3  }
0x38d: {  	s31 =	sadd.s32 $0x200, s31;
	s28 =	sadd.s32 $0x80, s28;
	s29 =	sadd.s32 $0x40, s29;
	[tilespmem:s15+$0x0] =	vst v4  }
0x38e: {  	s24 =	sadd.s32 $0x1, s24  }
0x38f: {  	p0 =	sne.s32 s24, $0xC8  }
.Ltmp4:
0x390: {  	_ = 	snop;
	(pc) =	sbr.rel @p0 .LBB2_2-.Ltmp4, $3  }
0x391: {  	_ =	sdelay $0x1  }
0x392: {  	s0 =	sadd.s32 s25, s6  }
0x393: {  	[hbm4b:s0+s17] =	stream.strided.scatter [tilespmem:s20], [sflag:$0x3], $0x4000, s18, s17, $0x38;
	[tilespmem:$0x18400] =	vst v63  }
0x394: {  	_ =	swait.ge [sflag:s21], $0x4000  }
0x395: {  	[sflag:s21] =	ssyncset.done $0x0  }
0x396: {  	[sflag:s21] =	ssyncadd.s32 $0xFFFFC000  }
0x397: {  	_ =	swait.ge [sflag:s22], $0x4000  }
0x398: {  	s23 =	sadd.s32 $0x1, s23;
	s0 =	rddreg [dreg:$0x5]  }
0x399: {  	p0 =	sne.s32 s23, s0  }
.Ltmp5:
0x39a: {  	_ = 	snop;
	(pc) =	sbr.rel @p0 .LBB2_1-.Ltmp5, $3  }
0x39b: {  	_ =	sdelay $0x1  }
0x39c: {  	[sflag:s22] =	ssyncset.done $0x0  }
0x39d: {  	[sflag:s22] =	ssyncadd.s32 $0xFFFFC000  }
0x39e: {  	_ =	sfence.sel $0x180000  }
0x39f: {  	[bflag:$0x0] =	sbarrier.arrive $0xFFFF  }
0x3a0: {  	_ =	strace $0x90000047  }
0x3a1: {  	s0 =	stileid.u32;
	[bflag:$0x2] =	sbarrier.arrive $0xFFFF  }
0x3a2: {  	p0 =	sne.s32 s0, $0x0;
	s0 =	rddreg [dreg:$0x3]  }
0x3a3: {  	s0 =	sadd.s32 @!p0 $0x100000, s0  }
0x3a4: {  	[sflag:s0] =	ssyncadd.tile.s32 @!p0 $0x1;
	_ =	shalt  }
.Lfunc_end2:
_tile_overlayer_lowered:
.L_overlay_start_2:
0x3a5: {  	(tag) =	ssettag $0x2  }
0x3a6: {  	s0 =	rddreg [dreg:$0x0];
	s2 =	stileid.u32  }
0x3a7: {  	s1 =	rddreg [dreg:$0x1];
	p0 =	sne.s32 s2, $0x0  }
0x3a8: {  	s3 =	rddreg [dreg:$0x2];
	[bflag:$0x3] =	sbarrier.arrive $0xFFFF;
	s2 =	simm.s32 @!p0 $0x1C04  }
0x3a9: {  	[timem:s3], [sflag:s2] =	dma.local @!p0 [hbm:s0], s1  }
0x3aa: {  	s0 =	simm.s32 @!p0 $0x4  }
0x3ab: {  	_ =	swait.ge @!p0 [sflag:s0], s1  }
0x3ac: {  	s1 =	ssub.s32 @!p0 $0x0, s1;
	[sflag:s0] =	ssyncset.done @!p0 $0x0  }
0x3ad: {  	[sflag:s0] =	ssyncadd.s32 @!p0 s1  }
0x3ae: {  	[bflag:$0x3] =	sbarrier.arrive $0xFFFF  }
0x3af: {  	_ =	shalt  }

</sc_bundles>
